<compile_context>
chip_gen: v7x
topology: tpu7x:2x2x1
jax: 0.10.2.dev20260603
libtpu: 0.0.44.dev20260713+nightly
codegen_flags: <defaults>
</compile_context>

<pallas_src>
import jax
import jax.numpy as jnp
from jax import lax
from jax.experimental import pallas as pl
from jax.experimental.pallas import tpu as pltpu
from jax.experimental.pallas import tpu_sc as plsc

N = 10000
E = 320000
D = 128
H = 256
G = 64
HC = 128
NP = 10240
EP = 327680
ER = EP // 128
NC = 2
NS = 16
L = 16
RPT = NP // NS
ERT = ER // NS
CH = 16
NGRP = ERT
PAD_SRC = 10016
PAD_DST = 10008
NB = 16
BR = NP // NB

_sc_mesh = plsc.VectorSubcoreMesh(
    core_axis_name="c", subcore_axis_name="s", num_cores=NC, num_subcores=NS)



def _deg_body(dst_hbm, out_hbm, dacc, dbuf, acc_s, tbuf, sdeg):
    c = lax.axis_index("c")
    s = lax.axis_index("s")
    zero16 = jnp.zeros((L,), jnp.float32)
    ones16 = jnp.ones((L,), jnp.float32)

    def zloop(i, _):
        dacc[pl.ds(i * L, L)] = zero16
        return 0
    lax.fori_loop(0, NP // L, zloop, 0)

    epc = EP // NC
    ept = epc // NS
    base = c * epc + s * ept

    def outer(g, _):
        pltpu.sync_copy(dst_hbm.at[pl.ds(base + g * 2048, 2048)], dbuf)

        def inner(j, _):
            idx = dbuf[pl.ds(j * L, L)]
            plsc.addupdate_scatter(dacc, [idx], ones16)
            return 0
        lax.fori_loop(0, 2048 // L, inner, 0)
        return 0
    lax.fori_loop(0, ept // 2048, outer, 0)

    pltpu.sync_copy(dacc, sdeg.at[s])
    plsc.subcore_barrier()

    r0 = s * RPT

    def z2(i, _):
        acc_s[pl.ds(i * L, L)] = zero16
        return 0
    lax.fori_loop(0, RPT // L, z2, 0)
    for k in range(NS):
        pltpu.sync_copy(sdeg.at[k, pl.ds(r0, RPT)], tbuf)

        def addk(i, _):
            acc_s[pl.ds(i * L, L)] = acc_s[pl.ds(i * L, L)] + tbuf[pl.ds(i * L, L)]
            return 0
        lax.fori_loop(0, RPT // L, addk, 0)
    pltpu.sync_copy(acc_s, out_hbm.at[c, pl.ds(r0, RPT)])


_deg = pl.kernel(
    _deg_body,
    out_type=jax.ShapeDtypeStruct((NC, NP), jnp.float32),
    mesh=_sc_mesh,
    compiler_params=pltpu.CompilerParams(needs_layout_passes=False),
    scratch_types=[
        pltpu.VMEM((NP,), jnp.float32),
        pltpu.VMEM((2048,), jnp.int32),
        pltpu.VMEM((RPT,), jnp.float32),
        pltpu.VMEM((RPT,), jnp.float32),
        pltpu.VMEM_SHARED((NS, NP), jnp.float32),
    ],
)



def _agg_body(yw_hbm, src_hbm, dst_hbm, out_hbm, acc_sh, sidx, didx, rows, semg, sems, semi):
    c = lax.axis_index("c")
    s = lax.axis_index("s")
    r0 = s * RPT
    ebase = s * ERT

    def load_chunk(k):
        slot = lax.rem(k, 2) * CH
        pltpu.sync_copy(src_hbm.at[c, pl.ds(ebase + k * CH, CH)],
                        sidx.at[pl.ds(slot, CH)])
        pltpu.sync_copy(dst_hbm.at[pl.ds(ebase + k * CH, CH)],
                        didx.at[pl.ds(slot, CH)])

    def issue_load_chunk(k):
        slot = lax.rem(k, 2) * CH
        pltpu.async_copy(src_hbm.at[c, pl.ds(ebase + k * CH, CH)],
                         sidx.at[pl.ds(slot, CH)], semi)
        pltpu.async_copy(dst_hbm.at[pl.ds(ebase + k * CH, CH)],
                         didx.at[pl.ds(slot, CH)], semi)

    def wait_load_chunk(k):
        slot = lax.rem(k, 2) * CH
        pltpu.make_async_copy(src_hbm.at[c, pl.ds(ebase + k * CH, CH)],
                              sidx.at[pl.ds(slot, CH)], semi).wait()
        pltpu.make_async_copy(dst_hbm.at[pl.ds(ebase + k * CH, CH)],
                              didx.at[pl.ds(slot, CH)], semi).wait()

    def srow(g):
        return lax.rem(g // CH, 2) * CH + lax.rem(g, CH)

    def issue_gather(g):
        b = lax.rem(g, 2) * 128
        pltpu.async_copy(yw_hbm.at[sidx.at[srow(g)]], rows.at[pl.ds(b, 128)], semg)

    def wait_gather(g):
        b = lax.rem(g, 2) * 128
        pltpu.make_async_copy(yw_hbm.at[sidx.at[srow(g)]],
                              rows.at[pl.ds(b, 128)], semg).wait()

    def issue_scatter(g):
        b = lax.rem(g, 2) * 128
        pltpu.async_copy(rows.at[pl.ds(b, 128)], acc_sh.at[didx.at[srow(g)]],
                         sems, add=True)

    def wait_scatter(g):
        b = lax.rem(g, 2) * 128
        pltpu.make_async_copy(rows.at[pl.ds(b, 128)],
                              acc_sh.at[didx.at[srow(g)]], sems).wait()

    cpi = pltpu.async_copy(yw_hbm.at[pl.ds(c * NP + r0, RPT)],
                           acc_sh.at[pl.ds(r0, RPT)], semi)
    load_chunk(0)
    issue_gather(0)
    issue_gather(1)
    cpi.wait()
    plsc.subcore_barrier()

    def step(g, _):
        wait_gather(g)
        issue_scatter(g)

        @pl.when(jnp.logical_and(lax.rem(g, CH) == 0, g // CH + 1 < NGRP // CH))
        def _():
            issue_load_chunk(g // CH + 1)

        @pl.when(jnp.logical_and(lax.rem(g + 2, CH) == 0, g + 2 < NGRP))
        def _():
            wait_load_chunk((g + 2) // CH)

        wait_scatter(g)

        @pl.when(g + 2 < NGRP)
        def _():
            issue_gather(g + 2)
        return 0
    lax.fori_loop(0, NGRP, step, 0)

    plsc.subcore_barrier()
    pltpu.sync_copy(acc_sh.at[pl.ds(r0, RPT)], out_hbm.at[c, pl.ds(r0, RPT)])


_agg = pl.kernel(
    _agg_body,
    out_type=jax.ShapeDtypeStruct((NC, NP, HC), jnp.float32),
    mesh=_sc_mesh,
    compiler_params=pltpu.CompilerParams(needs_layout_passes=False),
    scratch_types=[
        pltpu.VMEM_SHARED((NP, HC), jnp.float32),
        pltpu.VMEM((2 * CH, 128), jnp.int32),
        pltpu.VMEM((2 * CH, 128), jnp.int32),
        pltpu.VMEM((256, HC), jnp.float32),
        pltpu.SemaphoreType.DMA,
        pltpu.SemaphoreType.DMA,
        pltpu.SemaphoreType.DMA,
    ],
)



def _k0_body(x_ref, w_ref, dv_ref, o_ref):
    t = jnp.dot(x_ref[...], w_ref[...], preferred_element_type=jnp.float32)
    yw = dv_ref[...] * t
    o_ref[0] = yw[:, :HC]
    o_ref[1] = yw[:, HC:]


_k0 = pl.pallas_call(
    _k0_body,
    grid=(NB,),
    in_specs=[
        pl.BlockSpec((BR, D), lambda i: (i, 0)),
        pl.BlockSpec((D, H), lambda i: (0, 0)),
        pl.BlockSpec((BR, 1), lambda i: (i, 0)),
    ],
    out_specs=pl.BlockSpec((2, BR, HC), lambda i: (0, i, 0)),
    out_shape=jax.ShapeDtypeStruct((NC, NP, HC), jnp.float32),
)


def _mid_body(acc_ref, dv_ref, b_ref, w_ref, o_ref):
    a = jnp.concatenate([acc_ref[0], acc_ref[1]], axis=1)
    dv = dv_ref[...]
    h = jnp.maximum(dv * a + b_ref[...], 0.0)
    t = jnp.dot(h, w_ref[...], preferred_element_type=jnp.float32)
    yw = dv * t
    o_ref[0] = yw[:, :HC]
    o_ref[1] = yw[:, HC:]


_mid = pl.pallas_call(
    _mid_body,
    grid=(NB,),
    in_specs=[
        pl.BlockSpec((2, BR, HC), lambda i: (0, i, 0)),
        pl.BlockSpec((BR, 1), lambda i: (i, 0)),
        pl.BlockSpec((1, H), lambda i: (0, 0)),
        pl.BlockSpec((H, H), lambda i: (0, 0)),
    ],
    out_specs=pl.BlockSpec((2, BR, HC), lambda i: (0, i, 0)),
    out_shape=jax.ShapeDtypeStruct((NC, NP, HC), jnp.float32),
)


def _k3_body(acc_ref, dv_ref, b_ref, bt_ref, wl_ref, bl_ref, o_ref, pool_scr, cnt_scr):
    i = pl.program_id(0)

    @pl.when(i == 0)
    def _():
        pool_scr[...] = jnp.zeros_like(pool_scr)
        cnt_scr[...] = jnp.zeros_like(cnt_scr)

    a = jnp.concatenate([acc_ref[0], acc_ref[1]], axis=1)
    h = jnp.maximum(dv_ref[...] * a + b_ref[...], 0.0)
    bt = bt_ref[0]
    oh = (lax.broadcasted_iota(jnp.int32, (G, BR), 0) == bt).astype(jnp.float32)
    pool_scr[...] += jnp.dot(oh, h, preferred_element_type=jnp.float32)
    cnt_scr[...] += jnp.sum(oh, axis=1, keepdims=True)

    @pl.when(i == NB - 1)
    def _():
        mean = pool_scr[...] / jnp.maximum(cnt_scr[...], 1.0)
        logit = jnp.sum(mean * wl_ref[...], axis=1, keepdims=True) + bl_ref[...]
        o_ref[...] = 1.0 / (1.0 + jnp.exp(-logit))


_k3 = pl.pallas_call(
    _k3_body,
    grid=(NB,),
    in_specs=[
        pl.BlockSpec((2, BR, HC), lambda i: (0, i, 0)),
        pl.BlockSpec((BR, 1), lambda i: (i, 0)),
        pl.BlockSpec((1, H), lambda i: (0, 0)),
        pl.BlockSpec((1, 1, BR), lambda i: (i, 0, 0)),
        pl.BlockSpec((1, H), lambda i: (0, 0)),
        pl.BlockSpec((1, 1), lambda i: (0, 0)),
    ],
    out_specs=pl.BlockSpec((G, 1), lambda i: (0, 0)),
    out_shape=jax.ShapeDtypeStruct((G, 1), jnp.float32),
    scratch_shapes=[
        pltpu.VMEM((G, H), jnp.float32),
        pltpu.VMEM((G, 1), jnp.float32),
    ],
)


def kernel(x, edge_index, batch, W1, b1, W2, b2, W3, b3, Wl, bl):
    src = edge_index[0].astype(jnp.int32)
    dst = edge_index[1].astype(jnp.int32)
    pad_src = jnp.full((EP - E,), PAD_SRC, jnp.int32)
    pad_dst = jnp.full((EP - E,), PAD_DST, jnp.int32)
    srcp = jnp.concatenate([src, pad_src]).reshape(ER, 128)
    dstp = jnp.concatenate([dst, pad_dst]).reshape(ER, 128)
    srcpc = jnp.stack([srcp, srcp + NP])
    dst1d = jnp.concatenate([dst, pad_dst])
    xp = jnp.concatenate([x, jnp.zeros((NP - N, D), x.dtype)])
    batchp = jnp.concatenate(
        [batch.astype(jnp.int32), jnp.full((NP - N,), G, jnp.int32)]
    ).reshape(NB, 1, BR)

    degp = _deg(dst1d)
    deg = degp[0] + degp[1] + 1.0
    dinv = lax.rsqrt(jnp.maximum(deg, 1.0))[:, None]

    yw1 = _k0(xp, W1, dinv)
    acc1 = _agg(yw1.reshape(NC * NP, HC), srcpc, dstp)
    yw2 = _mid(acc1, dinv, b1.reshape(1, H), W2)
    acc2 = _agg(yw2.reshape(NC * NP, HC), srcpc, dstp)
    yw3 = _mid(acc2, dinv, b2.reshape(1, H), W3)
    acc3 = _agg(yw3.reshape(NC * NP, HC), srcpc, dstp)
    out = _k3(acc3, dinv, b3.reshape(1, H), batchp, Wl.reshape(1, H), bl.reshape(1, 1))
    return out[:, 0]

# --- scband reference (transcript-rebuilt; emitter-appended) ---
"""Pipeline reference for scband-graph-neural-network-18880676233702 (READ-ONLY COPY).

The authoritative reference and input builder live on the scoring server;
editing this copy changes nothing except your own understanding.
"""

import jax, jax.numpy as jnp
import numpy as np

N = 10000
E = 320000
D_IN = 128
H = 256
G = 64


def setup_inputs(seed: int = 0) -> dict:
    key = jax.random.key(seed)
    ks = jax.random.split(key, 12)
    x = jax.random.normal(ks[0], (N, D_IN), dtype=jnp.float32)
    edge_index = jax.random.randint(ks[1], (2, E), 0, N)
    batch = jnp.sort(jax.random.randint(ks[2], (N,), 0, G))
    def glorot(k, fan_in, fan_out):
        s = 1.0 / np.sqrt(fan_in)
        return jax.random.uniform(k, (fan_in, fan_out), dtype=jnp.float32, minval=-s, maxval=s)
    W1 = glorot(ks[3], D_IN, H)
    b1 = jnp.zeros((H,), dtype=jnp.float32)
    W2 = glorot(ks[4], H, H)
    b2 = jnp.zeros((H,), dtype=jnp.float32)
    W3 = glorot(ks[5], H, H)
    b3 = jnp.zeros((H,), dtype=jnp.float32)
    Wl = glorot(ks[6], H, 1)
    bl = jnp.zeros((1,), dtype=jnp.float32)
    return {"x": x, "edge_index": edge_index, "batch": batch,
            "W1": W1, "b1": b1, "W2": W2, "b2": b2, "W3": W3, "b3": b3,
            "Wl": Wl, "bl": bl}


def _gcn_conv(x, src, dst, norm, W, b):
    xw = x @ W
    msg = jnp.take(xw, src, axis=0) * norm[:, None]
    out = jnp.zeros_like(xw).at[dst].add(msg)
    return out + b


def reference(x, edge_index, batch, W1, b1, W2, b2, W3, b3, Wl, bl):
    n = x.shape[0]
    loops = jnp.arange(n, dtype=edge_index.dtype)
    src = jnp.concatenate([edge_index[0], loops])
    dst = jnp.concatenate([edge_index[1], loops])
    # symmetric normalization with self-loops (PyG GCNConv default)
    deg = jnp.zeros((n,), dtype=jnp.float32).at[dst].add(1.0)
    dinv = jax.lax.rsqrt(jnp.maximum(deg, 1.0))
    norm = jnp.take(dinv, src) * jnp.take(dinv, dst)
    h = jax.nn.relu(_gcn_conv(x, src, dst, norm, W1, b1))
    # dropout is identity in eval mode
    h = jax.nn.relu(_gcn_conv(h, src, dst, norm, W2, b2))
    h = jax.nn.relu(_gcn_conv(h, src, dst, norm, W3, b3))
    # global mean pool over graphs
    sums = jax.ops.segment_sum(h, batch, num_segments=G)
    counts = jax.ops.segment_sum(jnp.ones((n,), dtype=jnp.float32), batch, num_segments=G)
    pooled = sums / jnp.maximum(counts, 1.0)[:, None]
    out = pooled @ Wl + bl
    return jax.nn.sigmoid(out).squeeze()

if __name__ == "__main__":
    import jax
    _d = setup_inputs()
    print(jax.jit(kernel)(*tuple(_d.values())))

</pallas_src>

<mosaic_0001>
#map = affine_map<(d0, d1) -> (0, 0)>
#map1 = affine_map<(d0, d1) -> (0, 0, 0)>
module attributes {stable_mosaic.version = 14 : i64} {
  func.func @_agg_body(%arg0: i32, %arg1: i32, %arg2: memref<20480x128xf32, #tpu.memory_space<hbm>>, %arg3: memref<2x2560x128xi32, #tpu.memory_space<hbm>>, %arg4: memref<2560x128xi32, #tpu.memory_space<hbm>>, %arg5: memref<2x10240x128xf32, #tpu.memory_space<hbm>>, %arg6: memref<10240x128xf32, #tpu.memory_space<vmem_shared>>, %arg7: memref<32x128xi32, #tpu.memory_space<vmem>>, %arg8: memref<32x128xi32, #tpu.memory_space<vmem>>, %arg9: memref<256x128xf32, #tpu.memory_space<vmem>>, %arg10: memref<!tpu.dma_semaphore, #tpu.memory_space<semaphore_mem>>, %arg11: memref<!tpu.dma_semaphore, #tpu.memory_space<semaphore_mem>>, %arg12: memref<!tpu.dma_semaphore, #tpu.memory_space<semaphore_mem>>) attributes {dimension_semantics = [#tpu.dimension_semantics<core_parallel>, #tpu.dimension_semantics<subcore_parallel>], iteration_bounds = array<i64: 2, 16>, scalar_prefetch = 0 : i64, scratch_operands = 7 : i64, tpu.core_type = #tpu.core_type<sc_vector_subcore>, window_params = [{transform_indices = #map}, {transform_indices = #map1}, {transform_indices = #map}, {transform_indices = #map1}]} {
    %mul3A = arith.constant 640 : i32
    %mul3A_0 = arith.muli %arg1, %mul3A : i32
    %mul3A_1 = arith.constant 160 : i32
    %mul3A_2 = arith.muli %arg1, %mul3A_1 : i32
    %mul3A_3 = arith.constant 10240 : i32
    %mul3A_4 = arith.muli %arg0, %mul3A_3 : i32
    %add3A = arith.addi %mul3A_4, %mul3A_0 : i32
    %dma_start3A = arith.constant 0 : i32
    %dma_start3A_5 = tpu.memref_slice %arg6[%mul3A_0, %dma_start3A] : memref<10240x128xf32, #tpu.memory_space<vmem_shared>> -> memref<640x128xf32, #tpu.memory_space<vmem_shared>>
    %dma_start3A_6 = arith.constant 0 : i32
    %dma_start3A_7 = tpu.memref_slice %arg2[%add3A, %dma_start3A_6] : memref<20480x128xf32, #tpu.memory_space<hbm>> -> memref<640x128xf32, #tpu.memory_space<hbm>>
    tpu.enqueue_dma source(%dma_start3A_7 : memref<640x128xf32, #tpu.memory_space<hbm>>) target(%dma_start3A_5 : memref<640x128xf32, #tpu.memory_space<vmem_shared>>) target_semaphore(%arg12 : memref<!tpu.dma_semaphore, #tpu.memory_space<semaphore_mem>>)
    %rem3A = arith.constant 0 : i32
    %rem3A_8 = arith.constant 2 : i32
    %rem3A_9 = arith.remsi %rem3A, %rem3A_8 : i32
    %mul3A_10 = arith.constant 16 : i32
    %mul3A_11 = arith.muli %rem3A_9, %mul3A_10 : i32
    %add3A_12 = arith.constant 0 : i32
    %add3A_13 = arith.addi %mul3A_2, %add3A_12 : i32
    "tpu.region"() ({
      %run_scoped3A = tpu.sem_alloc : memref<!tpu.dma_semaphore, #tpu.memory_space<semaphore_mem>>
      %dma_start3A_70 = arith.constant 0 : i32
      %dma_start3A_71 = tpu.memref_slice %arg7[%mul3A_11, %dma_start3A_70] : memref<32x128xi32, #tpu.memory_space<vmem>> -> memref<16x128xi32, #tpu.memory_space<vmem>>
      %dma_start3A_72 = arith.constant 0 : i32
      %dma_start3A_73 = tpu.memref_slice %arg3[%arg0, %add3A_13, %dma_start3A_72] : memref<2x2560x128xi32, #tpu.memory_space<hbm>> -> memref<1x16x128xi32, #tpu.memory_space<hbm>>
      %dma_start3A_74 = tpu.memref_squeeze %dma_start3A_73 : memref<1x16x128xi32, #tpu.memory_space<hbm>> -> memref<16x128xi32, #tpu.memory_space<hbm>>
      %dma_start3A_75 = arith.constant 0 : i32
      %dma_start3A_76 = tpu.memref_slice %arg7[%mul3A_11, %dma_start3A_75] : memref<32x128xi32, #tpu.memory_space<vmem>> -> memref<16x128xi32, #tpu.memory_space<vmem>>
      %dma_start3A_77 = arith.constant 0 : i32
      %dma_start3A_78 = tpu.memref_slice %arg3[%arg0, %add3A_13, %dma_start3A_77] : memref<2x2560x128xi32, #tpu.memory_space<hbm>> -> memref<1x16x128xi32, #tpu.memory_space<hbm>>
      %dma_start3A_79 = tpu.memref_squeeze %dma_start3A_78 : memref<1x16x128xi32, #tpu.memory_space<hbm>> -> memref<16x128xi32, #tpu.memory_space<hbm>>
      tpu.enqueue_dma source(%dma_start3A_79 : memref<16x128xi32, #tpu.memory_space<hbm>>) target(%dma_start3A_76 : memref<16x128xi32, #tpu.memory_space<vmem>>) target_semaphore(%run_scoped3A : memref<!tpu.dma_semaphore, #tpu.memory_space<semaphore_mem>>)
      %dma_wait3A_80 = arith.constant 0 : i32
      %dma_wait3A_81 = tpu.memref_slice %arg7[%mul3A_11, %dma_wait3A_80] : memref<32x128xi32, #tpu.memory_space<vmem>> -> memref<16x128xi32, #tpu.memory_space<vmem>>
      %dma_wait3A_82 = arith.constant 0 : i32
      %dma_wait3A_83 = tpu.memref_slice %arg3[%arg0, %add3A_13, %dma_wait3A_82] : memref<2x2560x128xi32, #tpu.memory_space<hbm>> -> memref<1x16x128xi32, #tpu.memory_space<hbm>>
      %dma_wait3A_84 = tpu.memref_squeeze %dma_wait3A_83 : memref<1x16x128xi32, #tpu.memory_space<hbm>> -> memref<16x128xi32, #tpu.memory_space<hbm>>
      %dma_wait3A_85 = arith.constant 0 : i32
      %dma_wait3A_86 = tpu.memref_slice %arg7[%mul3A_11, %dma_wait3A_85] : memref<32x128xi32, #tpu.memory_space<vmem>> -> memref<16x128xi32, #tpu.memory_space<vmem>>
      %dma_wait3A_87 = arith.constant 0 : i32
      %dma_wait3A_88 = tpu.memref_slice %arg3[%arg0, %add3A_13, %dma_wait3A_87] : memref<2x2560x128xi32, #tpu.memory_space<hbm>> -> memref<1x16x128xi32, #tpu.memory_space<hbm>>
      %dma_wait3A_89 = tpu.memref_squeeze %dma_wait3A_88 : memref<1x16x128xi32, #tpu.memory_space<hbm>> -> memref<16x128xi32, #tpu.memory_space<hbm>>
      tpu.wait_dma2 semaphore(%run_scoped3A : memref<!tpu.dma_semaphore, #tpu.memory_space<semaphore_mem>>) src(%dma_wait3A_89 : memref<16x128xi32, #tpu.memory_space<hbm>>) dst(%dma_wait3A_86 : memref<16x128xi32, #tpu.memory_space<vmem>>)
      tpu.yield
    }) : () -> ()
    %add3A_14 = arith.constant 0 : i32
    %add3A_15 = arith.addi %mul3A_2, %add3A_14 : i32
    "tpu.region"() ({
      %run_scoped3A = tpu.sem_alloc : memref<!tpu.dma_semaphore, #tpu.memory_space<semaphore_mem>>
      %dma_start3A_70 = arith.constant 0 : i32
      %dma_start3A_71 = tpu.memref_slice %arg8[%mul3A_11, %dma_start3A_70] : memref<32x128xi32, #tpu.memory_space<vmem>> -> memref<16x128xi32, #tpu.memory_space<vmem>>
      %dma_start3A_72 = arith.constant 0 : i32
      %dma_start3A_73 = tpu.memref_slice %arg4[%add3A_15, %dma_start3A_72] : memref<2560x128xi32, #tpu.memory_space<hbm>> -> memref<16x128xi32, #tpu.memory_space<hbm>>
      %dma_start3A_74 = arith.constant 0 : i32
      %dma_start3A_75 = tpu.memref_slice %arg8[%mul3A_11, %dma_start3A_74] : memref<32x128xi32, #tpu.memory_space<vmem>> -> memref<16x128xi32, #tpu.memory_space<vmem>>
      %dma_start3A_76 = arith.constant 0 : i32
      %dma_start3A_77 = tpu.memref_slice %arg4[%add3A_15, %dma_start3A_76] : memref<2560x128xi32, #tpu.memory_space<hbm>> -> memref<16x128xi32, #tpu.memory_space<hbm>>
      tpu.enqueue_dma source(%dma_start3A_77 : memref<16x128xi32, #tpu.memory_space<hbm>>) target(%dma_start3A_75 : memref<16x128xi32, #tpu.memory_space<vmem>>) target_semaphore(%run_scoped3A : memref<!tpu.dma_semaphore, #tpu.memory_space<semaphore_mem>>)
      %dma_wait3A_78 = arith.constant 0 : i32
      %dma_wait3A_79 = tpu.memref_slice %arg8[%mul3A_11, %dma_wait3A_78] : memref<32x128xi32, #tpu.memory_space<vmem>> -> memref<16x128xi32, #tpu.memory_space<vmem>>
      %dma_wait3A_80 = arith.constant 0 : i32
      %dma_wait3A_81 = tpu.memref_slice %arg4[%add3A_15, %dma_wait3A_80] : memref<2560x128xi32, #tpu.memory_space<hbm>> -> memref<16x128xi32, #tpu.memory_space<hbm>>
      %dma_wait3A_82 = arith.constant 0 : i32
      %dma_wait3A_83 = tpu.memref_slice %arg8[%mul3A_11, %dma_wait3A_82] : memref<32x128xi32, #tpu.memory_space<vmem>> -> memref<16x128xi32, #tpu.memory_space<vmem>>
      %dma_wait3A_84 = arith.constant 0 : i32
      %dma_wait3A_85 = tpu.memref_slice %arg4[%add3A_15, %dma_wait3A_84] : memref<2560x128xi32, #tpu.memory_space<hbm>> -> memref<16x128xi32, #tpu.memory_space<hbm>>
      tpu.wait_dma2 semaphore(%run_scoped3A : memref<!tpu.dma_semaphore, #tpu.memory_space<semaphore_mem>>) src(%dma_wait3A_85 : memref<16x128xi32, #tpu.memory_space<hbm>>) dst(%dma_wait3A_83 : memref<16x128xi32, #tpu.memory_space<vmem>>)
      tpu.yield
    }) : () -> ()
    %rem3A_16 = arith.constant 0 : i32
    %rem3A_17 = arith.constant 2 : i32
    %rem3A_18 = arith.remsi %rem3A_16, %rem3A_17 : i32
    %mul3A_19 = arith.constant 128 : i32
    %mul3A_20 = arith.muli %rem3A_18, %mul3A_19 : i32
    %rem3A_21 = arith.constant 0 : i32
    %rem3A_22 = arith.constant 2 : i32
    %rem3A_23 = arith.remsi %rem3A_21, %rem3A_22 : i32
    %mul3A_24 = arith.constant 16 : i32
    %mul3A_25 = arith.muli %rem3A_23, %mul3A_24 : i32
    %rem3A_26 = arith.constant 0 : i32
    %rem3A_27 = arith.constant 16 : i32
    %rem3A_28 = arith.remsi %rem3A_26, %rem3A_27 : i32
    %add3A_29 = arith.addi %mul3A_25, %rem3A_28 : i32
    %dma_start3A_30 = arith.constant 0 : i32
    %dma_start3A_31 = tpu.memref_slice %arg9[%mul3A_20, %dma_start3A_30] : memref<256x128xf32, #tpu.memory_space<vmem>> -> memref<128x128xf32, #tpu.memory_space<vmem>>
    %dma_start3A_32 = arith.constant 0 : i32
    %dma_start3A_33 = tpu.memref_slice %arg7[%add3A_29, %dma_start3A_32] : memref<32x128xi32, #tpu.memory_space<vmem>> -> memref<1x128xi32, #tpu.memory_space<vmem>>
    %dma_start3A_34 = tpu.memref_squeeze %dma_start3A_33 : memref<1x128xi32, #tpu.memory_space<vmem>> -> memref<128xi32, #tpu.memory_space<vmem>>
    %dma_start3A_35 = arith.constant 0 : i32
    %dma_start3A_36 = arith.constant 0 : i32
    %dma_start3A_37 = tpu.memref_slice %arg2[%dma_start3A_35, %dma_start3A_36] : memref<20480x128xf32, #tpu.memory_space<hbm>> -> memref<20480x128xf32, #tpu.memory_space<hbm>>
    tpu.enqueue_indirect_dma source(%dma_start3A_37 : memref<20480x128xf32, #tpu.memory_space<hbm>>) target(%dma_start3A_31 : memref<128x128xf32, #tpu.memory_space<vmem>>) offsets(%dma_start3A_34 : memref<128xi32, #tpu.memory_space<vmem>>) semaphore(%arg10 : memref<!tpu.dma_semaphore, #tpu.memory_space<semaphore_mem>>)
    %rem3A_38 = arith.constant 1 : i32
    %rem3A_39 = arith.constant 2 : i32
    %rem3A_40 = arith.remsi %rem3A_38, %rem3A_39 : i32
    %mul3A_41 = arith.constant 128 : i32
    %mul3A_42 = arith.muli %rem3A_40, %mul3A_41 : i32
    %rem3A_43 = arith.constant 0 : i32
    %rem3A_44 = arith.constant 2 : i32
    %rem3A_45 = arith.remsi %rem3A_43, %rem3A_44 : i32
    %mul3A_46 = arith.constant 16 : i32
    %mul3A_47 = arith.muli %rem3A_45, %mul3A_46 : i32
    %rem3A_48 = arith.constant 1 : i32
    %rem3A_49 = arith.constant 16 : i32
    %rem3A_50 = arith.remsi %rem3A_48, %rem3A_49 : i32
    %add3A_51 = arith.addi %mul3A_47, %rem3A_50 : i32
    %dma_start3A_52 = arith.constant 0 : i32
    %dma_start3A_53 = tpu.memref_slice %arg9[%mul3A_42, %dma_start3A_52] : memref<256x128xf32, #tpu.memory_space<vmem>> -> memref<128x128xf32, #tpu.memory_space<vmem>>
    %dma_start3A_54 = arith.constant 0 : i32
    %dma_start3A_55 = tpu.memref_slice %arg7[%add3A_51, %dma_start3A_54] : memref<32x128xi32, #tpu.memory_space<vmem>> -> memref<1x128xi32, #tpu.memory_space<vmem>>
    %dma_start3A_56 = tpu.memref_squeeze %dma_start3A_55 : memref<1x128xi32, #tpu.memory_space<vmem>> -> memref<128xi32, #tpu.memory_space<vmem>>
    %dma_start3A_57 = arith.constant 0 : i32
    %dma_start3A_58 = arith.constant 0 : i32
    %dma_start3A_59 = tpu.memref_slice %arg2[%dma_start3A_57, %dma_start3A_58] : memref<20480x128xf32, #tpu.memory_space<hbm>> -> memref<20480x128xf32, #tpu.memory_space<hbm>>
    tpu.enqueue_indirect_dma source(%dma_start3A_59 : memref<20480x128xf32, #tpu.memory_space<hbm>>) target(%dma_start3A_53 : memref<128x128xf32, #tpu.memory_space<vmem>>) offsets(%dma_start3A_56 : memref<128xi32, #tpu.memory_space<vmem>>) semaphore(%arg10 : memref<!tpu.dma_semaphore, #tpu.memory_space<semaphore_mem>>)
    %dma_wait3A = arith.constant 0 : i32
    %dma_wait3A_60 = tpu.memref_slice %arg6[%mul3A_0, %dma_wait3A] : memref<10240x128xf32, #tpu.memory_space<vmem_shared>> -> memref<640x128xf32, #tpu.memory_space<vmem_shared>>
    %dma_wait3A_61 = arith.constant 0 : i32
    %dma_wait3A_62 = tpu.memref_slice %arg2[%add3A, %dma_wait3A_61] : memref<20480x128xf32, #tpu.memory_space<hbm>> -> memref<640x128xf32, #tpu.memory_space<hbm>>
    tpu.wait_dma2 semaphore(%arg12 : memref<!tpu.dma_semaphore, #tpu.memory_space<semaphore_mem>>) src(%dma_wait3A_62 : memref<640x128xf32, #tpu.memory_space<hbm>>) dst(%dma_wait3A_60 : memref<640x128xf32, #tpu.memory_space<vmem_shared>>)
    %barrier3A = arith.constant 0 : index
    tpu.barrier barrier_id(%barrier3A)
    %scan3A = arith.constant 0 : i32
    %scan3A_63 = arith.constant 0 : i32
    %scan3A_64 = arith.constant 160 : i32
    %scan3A_65 = arith.addi %scan3A_63, %scan3A_64 : i32
    %scan3A_66 = arith.constant 1 : i32
    %scan3A_67 = scf.for %scan3A_70 = %scan3A_63 to %scan3A_65 step %scan3A_66 iter_args(%scan3A_71 = %scan3A) -> (i32)  : i32 {
      %rem3A_72 = arith.constant 2 : i32
      %rem3A_73 = arith.remsi %scan3A_70, %rem3A_72 : i32
      %mul3A_74 = arith.constant 128 : i32
      %mul3A_75 = arith.muli %rem3A_73, %mul3A_74 : i32
      %jit3A = arith.constant 16 : i32
      %div3A = arith.divsi %scan3A_70, %jit3A : i32
      %sign3A = arith.constant 0 : i32
      %sign3A_76 = arith.cmpi sgt, %scan3A_70, %sign3A : i32
      %sign3A_77 = arith.extui %sign3A_76 : i1 to i32
      %sign3A_78 = arith.constant 0 : i32
      %sign3A_79 = arith.cmpi slt, %scan3A_70, %sign3A_78 : i32
      %sign3A_80 = arith.extui %sign3A_79 : i1 to i32
      %sign3A_81 = arith.subi %sign3A_77, %sign3A_80 : i32
      %sign3A_82 = arith.constant 0 : i32
      %sign3A_83 = arith.cmpi sgt, %jit3A, %sign3A_82 : i32
      %sign3A_84 = arith.extui %sign3A_83 : i1 to i32
      %sign3A_85 = arith.constant 0 : i32
      %sign3A_86 = arith.cmpi slt, %jit3A, %sign3A_85 : i32
      %sign3A_87 = arith.extui %sign3A_86 : i1 to i32
      %sign3A_88 = arith.subi %sign3A_84, %sign3A_87 : i32
      %ne3A = arith.cmpi ne, %sign3A_81, %sign3A_88 : i32
      %rem3A_89 = arith.remsi %scan3A_70, %jit3A : i32
      %ne3A_90 = arith.constant 0 : i32
      %ne3A_91 = arith.cmpi ne, %rem3A_89, %ne3A_90 : i32
      %and3A = arith.andi %ne3A, %ne3A_91 : i1
      %sub3A = arith.constant 1 : i32
      %sub3A_92 = arith.subi %div3A, %sub3A : i32
      %select_n3A = arith.select %and3A, %sub3A_92, %div3A : i32
      %rem3A_93 = arith.constant 2 : i32
      %rem3A_94 = arith.remsi %select_n3A, %rem3A_93 : i32
      %mul3A_95 = arith.constant 16 : i32
      %mul3A_96 = arith.muli %rem3A_94, %mul3A_95 : i32
      %rem3A_97 = arith.constant 16 : i32
      %rem3A_98 = arith.remsi %scan3A_70, %rem3A_97 : i32
      %add3A_99 = arith.addi %mul3A_96, %rem3A_98 : i32
      %dma_wait3A_100 = arith.constant 0 : i32
      %dma_wait3A_101 = tpu.memref_slice %arg9[%mul3A_75, %dma_wait3A_100] : memref<256x128xf32, #tpu.memory_space<vmem>> -> memref<128x128xf32, #tpu.memory_space<vmem>>
      %dma_wait3A_102 = arith.constant 0 : i32
      %dma_wait3A_103 = tpu.memref_slice %arg7[%add3A_99, %dma_wait3A_102] : memref<32x128xi32, #tpu.memory_space<vmem>> -> memref<1x128xi32, #tpu.memory_space<vmem>>
      %dma_wait3A_104 = tpu.memref_squeeze %dma_wait3A_103 : memref<1x128xi32, #tpu.memory_space<vmem>> -> memref<128xi32, #tpu.memory_space<vmem>>
      %dma_wait3A_105 = arith.constant 0 : i32
      %dma_wait3A_106 = arith.constant 0 : i32
      %dma_wait3A_107 = tpu.memref_slice %arg2[%dma_wait3A_105, %dma_wait3A_106] : memref<20480x128xf32, #tpu.memory_space<hbm>> -> memref<20480x128xf32, #tpu.memory_space<hbm>>
      tpu.wait_indirect_dma semaphore(%arg10 : memref<!tpu.dma_semaphore, #tpu.memory_space<semaphore_mem>>) src(%dma_wait3A_107 : memref<20480x128xf32, #tpu.memory_space<hbm>>) dst(%dma_wait3A_101 : memref<128x128xf32, #tpu.memory_space<vmem>>)
      %rem3A_108 = arith.constant 2 : i32
      %rem3A_109 = arith.remsi %scan3A_70, %rem3A_108 : i32
      %mul3A_110 = arith.constant 128 : i32
      %mul3A_111 = arith.muli %rem3A_109, %mul3A_110 : i32
      %jit3A_112 = arith.constant 16 : i32
      %div3A_113 = arith.divsi %scan3A_70, %jit3A_112 : i32
      %sign3A_114 = arith.constant 0 : i32
      %sign3A_115 = arith.cmpi sgt, %scan3A_70, %sign3A_114 : i32
      %sign3A_116 = arith.extui %sign3A_115 : i1 to i32
      %sign3A_117 = arith.constant 0 : i32
      %sign3A_118 = arith.cmpi slt, %scan3A_70, %sign3A_117 : i32
      %sign3A_119 = arith.extui %sign3A_118 : i1 to i32
      %sign3A_120 = arith.subi %sign3A_116, %sign3A_119 : i32
      %sign3A_121 = arith.constant 0 : i32
      %sign3A_122 = arith.cmpi sgt, %jit3A_112, %sign3A_121 : i32
      %sign3A_123 = arith.extui %sign3A_122 : i1 to i32
      %sign3A_124 = arith.constant 0 : i32
      %sign3A_125 = arith.cmpi slt, %jit3A_112, %sign3A_124 : i32
      %sign3A_126 = arith.extui %sign3A_125 : i1 to i32
      %sign3A_127 = arith.subi %sign3A_123, %sign3A_126 : i32
      %ne3A_128 = arith.cmpi ne, %sign3A_120, %sign3A_127 : i32
      %rem3A_129 = arith.remsi %scan3A_70, %jit3A_112 : i32
      %ne3A_130 = arith.constant 0 : i32
      %ne3A_131 = arith.cmpi ne, %rem3A_129, %ne3A_130 : i32
      %and3A_132 = arith.andi %ne3A_128, %ne3A_131 : i1
      %sub3A_133 = arith.constant 1 : i32
      %sub3A_134 = arith.subi %div3A_113, %sub3A_133 : i32
      %select_n3A_135 = arith.select %and3A_132, %sub3A_134, %div3A_113 : i32
      %rem3A_136 = arith.constant 2 : i32
      %rem3A_137 = arith.remsi %select_n3A_135, %rem3A_136 : i32
      %mul3A_138 = arith.constant 16 : i32
      %mul3A_139 = arith.muli %rem3A_137, %mul3A_138 : i32
      %rem3A_140 = arith.constant 16 : i32
      %rem3A_141 = arith.remsi %scan3A_70, %rem3A_140 : i32
      %add3A_142 = arith.addi %mul3A_139, %rem3A_141 : i32
      %dma_start3A_143 = arith.constant 0 : i32
      %dma_start3A_144 = tpu.memref_slice %arg9[%mul3A_111, %dma_start3A_143] : memref<256x128xf32, #tpu.memory_space<vmem>> -> memref<128x128xf32, #tpu.memory_space<vmem>>
      %dma_start3A_145 = arith.constant 0 : i32
      %dma_start3A_146 = tpu.memref_slice %arg8[%add3A_142, %dma_start3A_145] : memref<32x128xi32, #tpu.memory_space<vmem>> -> memref<1x128xi32, #tpu.memory_space<vmem>>
      %dma_start3A_147 = tpu.memref_squeeze %dma_start3A_146 : memref<1x128xi32, #tpu.memory_space<vmem>> -> memref<128xi32, #tpu.memory_space<vmem>>
      %dma_start3A_148 = arith.constant 0 : i32
      %dma_start3A_149 = arith.constant 0 : i32
      %dma_start3A_150 = tpu.memref_slice %arg6[%dma_start3A_148, %dma_start3A_149] : memref<10240x128xf32, #tpu.memory_space<vmem_shared>> -> memref<10240x128xf32, #tpu.memory_space<vmem_shared>>
      tpu.enqueue_indirect_dma source(%dma_start3A_144 : memref<128x128xf32, #tpu.memory_space<vmem>>) target(%dma_start3A_150 : memref<10240x128xf32, #tpu.memory_space<vmem_shared>>) offsets(%dma_start3A_147 : memref<128xi32, #tpu.memory_space<vmem>>) semaphore(%arg11 : memref<!tpu.dma_semaphore, #tpu.memory_space<semaphore_mem>>) {add = true}
      %rem3A_151 = arith.constant 16 : i32
      %rem3A_152 = arith.remsi %scan3A_70, %rem3A_151 : i32
      %eq3A = arith.constant 0 : i32
      %eq3A_153 = arith.cmpi eq, %rem3A_152, %eq3A : i32
      %jit3A_154 = arith.constant 16 : i32
      %div3A_155 = arith.divsi %scan3A_70, %jit3A_154 : i32
      %sign3A_156 = arith.constant 0 : i32
      %sign3A_157 = arith.cmpi sgt, %scan3A_70, %sign3A_156 : i32
      %sign3A_158 = arith.extui %sign3A_157 : i1 to i32
      %sign3A_159 = arith.constant 0 : i32
      %sign3A_160 = arith.cmpi slt, %scan3A_70, %sign3A_159 : i32
      %sign3A_161 = arith.extui %sign3A_160 : i1 to i32
      %sign3A_162 = arith.subi %sign3A_158, %sign3A_161 : i32
      %sign3A_163 = arith.constant 0 : i32
      %sign3A_164 = arith.cmpi sgt, %jit3A_154, %sign3A_163 : i32
      %sign3A_165 = arith.extui %sign3A_164 : i1 to i32
      %sign3A_166 = arith.constant 0 : i32
      %sign3A_167 = arith.cmpi slt, %jit3A_154, %sign3A_166 : i32
      %sign3A_168 = arith.extui %sign3A_167 : i1 to i32
      %sign3A_169 = arith.subi %sign3A_165, %sign3A_168 : i32
      %ne3A_170 = arith.cmpi ne, %sign3A_162, %sign3A_169 : i32
      %rem3A_171 = arith.remsi %scan3A_70, %jit3A_154 : i32
      %ne3A_172 = arith.constant 0 : i32
      %ne3A_173 = arith.cmpi ne, %rem3A_171, %ne3A_172 : i32
      %and3A_174 = arith.andi %ne3A_170, %ne3A_173 : i1
      %sub3A_175 = arith.constant 1 : i32
      %sub3A_176 = arith.subi %div3A_155, %sub3A_175 : i32
      %select_n3A_177 = arith.select %and3A_174, %sub3A_176, %div3A_155 : i32
      %add3A_178 = arith.constant 1 : i32
      %add3A_179 = arith.addi %select_n3A_177, %add3A_178 : i32
      %lt3A = arith.constant 10 : i32
      %lt3A_180 = arith.cmpi slt, %add3A_179, %lt3A : i32
      %and3A_181 = arith.andi %eq3A_153, %lt3A_180 : i1
      %convert_element_type3A = arith.extui %and3A_181 : i1 to i32
      %cond3A = arith.constant 0 : i32
      %cond3A_182 = arith.cmpi ne, %convert_element_type3A, %cond3A : i32
      scf.if %cond3A_182 {
        %jit3A_248 = arith.constant 16 : i32
        %div3A_249 = arith.divsi %scan3A_70, %jit3A_248 : i32
        %sign3A_250 = arith.constant 0 : i32
        %sign3A_251 = arith.cmpi sgt, %scan3A_70, %sign3A_250 : i32
        %sign3A_252 = arith.extui %sign3A_251 : i1 to i32
        %sign3A_253 = arith.constant 0 : i32
        %sign3A_254 = arith.cmpi slt, %scan3A_70, %sign3A_253 : i32
        %sign3A_255 = arith.extui %sign3A_254 : i1 to i32
        %sign3A_256 = arith.subi %sign3A_252, %sign3A_255 : i32
        %sign3A_257 = arith.constant 0 : i32
        %sign3A_258 = arith.cmpi sgt, %jit3A_248, %sign3A_257 : i32
        %sign3A_259 = arith.extui %sign3A_258 : i1 to i32
        %sign3A_260 = arith.constant 0 : i32
        %sign3A_261 = arith.cmpi slt, %jit3A_248, %sign3A_260 : i32
        %sign3A_262 = arith.extui %sign3A_261 : i1 to i32
        %sign3A_263 = arith.subi %sign3A_259, %sign3A_262 : i32
        %ne3A_264 = arith.cmpi ne, %sign3A_256, %sign3A_263 : i32
        %rem3A_265 = arith.remsi %scan3A_70, %jit3A_248 : i32
        %ne3A_266 = arith.constant 0 : i32
        %ne3A_267 = arith.cmpi ne, %rem3A_265, %ne3A_266 : i32
        %and3A_268 = arith.andi %ne3A_264, %ne3A_267 : i1
        %sub3A_269 = arith.constant 1 : i32
        %sub3A_270 = arith.subi %div3A_249, %sub3A_269 : i32
        %select_n3A_271 = arith.select %and3A_268, %sub3A_270, %div3A_249 : i32
        %add3A_272 = arith.constant 1 : i32
        %add3A_273 = arith.addi %select_n3A_271, %add3A_272 : i32
        %rem3A_274 = arith.constant 2 : i32
        %rem3A_275 = arith.remsi %add3A_273, %rem3A_274 : i32
        %mul3A_276 = arith.constant 16 : i32
        %mul3A_277 = arith.muli %rem3A_275, %mul3A_276 : i32
        %mul3A_278 = arith.constant 16 : i32
        %mul3A_279 = arith.muli %add3A_273, %mul3A_278 : i32
        %add3A_280 = arith.addi %mul3A_2, %mul3A_279 : i32
        %dma_start3A_281 = arith.constant 0 : i32
        %dma_start3A_282 = tpu.memref_slice %arg7[%mul3A_277, %dma_start3A_281] : memref<32x128xi32, #tpu.memory_space<vmem>> -> memref<16x128xi32, #tpu.memory_space<vmem>>
        %dma_start3A_283 = arith.constant 0 : i32
        %dma_start3A_284 = tpu.memref_slice %arg3[%arg0, %add3A_280, %dma_start3A_283] : memref<2x2560x128xi32, #tpu.memory_space<hbm>> -> memref<1x16x128xi32, #tpu.memory_space<hbm>>
        %dma_start3A_285 = tpu.memref_squeeze %dma_start3A_284 : memref<1x16x128xi32, #tpu.memory_space<hbm>> -> memref<16x128xi32, #tpu.memory_space<hbm>>
        %dma_start3A_286 = arith.constant 0 : i32
        %dma_start3A_287 = tpu.memref_slice %arg7[%mul3A_277, %dma_start3A_286] : memref<32x128xi32, #tpu.memory_space<vmem>> -> memref<16x128xi32, #tpu.memory_space<vmem>>
        %dma_start3A_288 = arith.constant 0 : i32
        %dma_start3A_289 = tpu.memref_slice %arg3[%arg0, %add3A_280, %dma_start3A_288] : memref<2x2560x128xi32, #tpu.memory_space<hbm>> -> memref<1x16x128xi32, #tpu.memory_space<hbm>>
        %dma_start3A_290 = tpu.memref_squeeze %dma_start3A_289 : memref<1x16x128xi32, #tpu.memory_space<hbm>> -> memref<16x128xi32, #tpu.memory_space<hbm>>
        tpu.enqueue_dma source(%dma_start3A_290 : memref<16x128xi32, #tpu.memory_space<hbm>>) target(%dma_start3A_287 : memref<16x128xi32, #tpu.memory_space<vmem>>) target_semaphore(%arg12 : memref<!tpu.dma_semaphore, #tpu.memory_space<semaphore_mem>>)
        %mul3A_291 = arith.constant 16 : i32
        %mul3A_292 = arith.muli %add3A_273, %mul3A_291 : i32
        %add3A_293 = arith.addi %mul3A_2, %mul3A_292 : i32
        %dma_start3A_294 = arith.constant 0 : i32
        %dma_start3A_295 = tpu.memref_slice %arg8[%mul3A_277, %dma_start3A_294] : memref<32x128xi32, #tpu.memory_space<vmem>> -> memref<16x128xi32, #tpu.memory_space<vmem>>
        %dma_start3A_296 = arith.constant 0 : i32
        %dma_start3A_297 = tpu.memref_slice %arg4[%add3A_293, %dma_start3A_296] : memref<2560x128xi32, #tpu.memory_space<hbm>> -> memref<16x128xi32, #tpu.memory_space<hbm>>
        %dma_start3A_298 = arith.constant 0 : i32
        %dma_start3A_299 = tpu.memref_slice %arg8[%mul3A_277, %dma_start3A_298] : memref<32x128xi32, #tpu.memory_space<vmem>> -> memref<16x128xi32, #tpu.memory_space<vmem>>
        %dma_start3A_300 = arith.constant 0 : i32
        %dma_start3A_301 = tpu.memref_slice %arg4[%add3A_293, %dma_start3A_300] : memref<2560x128xi32, #tpu.memory_space<hbm>> -> memref<16x128xi32, #tpu.memory_space<hbm>>
        tpu.enqueue_dma source(%dma_start3A_301 : memref<16x128xi32, #tpu.memory_space<hbm>>) target(%dma_start3A_299 : memref<16x128xi32, #tpu.memory_space<vmem>>) target_semaphore(%arg12 : memref<!tpu.dma_semaphore, #tpu.memory_space<semaphore_mem>>)
      } else {
      }
      %add3A_183 = arith.constant 2 : i32
      %add3A_184 = arith.addi %scan3A_70, %add3A_183 : i32
      %rem3A_185 = arith.constant 16 : i32
      %rem3A_186 = arith.remsi %add3A_184, %rem3A_185 : i32
      %eq3A_187 = arith.constant 0 : i32
      %eq3A_188 = arith.cmpi eq, %rem3A_186, %eq3A_187 : i32
      %add3A_189 = arith.constant 2 : i32
      %add3A_190 = arith.addi %scan3A_70, %add3A_189 : i32
      %lt3A_191 = arith.constant 160 : i32
      %lt3A_192 = arith.cmpi slt, %add3A_190, %lt3A_191 : i32
      %and3A_193 = arith.andi %eq3A_188, %lt3A_192 : i1
      %convert_element_type3A_194 = arith.extui %and3A_193 : i1 to i32
      %cond3A_195 = arith.constant 0 : i32
      %cond3A_196 = arith.cmpi ne, %convert_element_type3A_194, %cond3A_195 : i32
      scf.if %cond3A_196 {
        %add3A_248 = arith.constant 2 : i32
        %add3A_249 = arith.addi %scan3A_70, %add3A_248 : i32
        %jit3A_250 = arith.constant 16 : i32
        %div3A_251 = arith.divsi %add3A_249, %jit3A_250 : i32
        %sign3A_252 = arith.constant 0 : i32
        %sign3A_253 = arith.cmpi sgt, %add3A_249, %sign3A_252 : i32
        %sign3A_254 = arith.extui %sign3A_253 : i1 to i32
        %sign3A_255 = arith.constant 0 : i32
        %sign3A_256 = arith.cmpi slt, %add3A_249, %sign3A_255 : i32
        %sign3A_257 = arith.extui %sign3A_256 : i1 to i32
        %sign3A_258 = arith.subi %sign3A_254, %sign3A_257 : i32
        %sign3A_259 = arith.constant 0 : i32
        %sign3A_260 = arith.cmpi sgt, %jit3A_250, %sign3A_259 : i32
        %sign3A_261 = arith.extui %sign3A_260 : i1 to i32
        %sign3A_262 = arith.constant 0 : i32
        %sign3A_263 = arith.cmpi slt, %jit3A_250, %sign3A_262 : i32
        %sign3A_264 = arith.extui %sign3A_263 : i1 to i32
        %sign3A_265 = arith.subi %sign3A_261, %sign3A_264 : i32
        %ne3A_266 = arith.cmpi ne, %sign3A_258, %sign3A_265 : i32
        %rem3A_267 = arith.remsi %add3A_249, %jit3A_250 : i32
        %ne3A_268 = arith.constant 0 : i32
        %ne3A_269 = arith.cmpi ne, %rem3A_267, %ne3A_268 : i32
        %and3A_270 = arith.andi %ne3A_266, %ne3A_269 : i1
        %sub3A_271 = arith.constant 1 : i32
        %sub3A_272 = arith.subi %div3A_251, %sub3A_271 : i32
        %select_n3A_273 = arith.select %and3A_270, %sub3A_272, %div3A_251 : i32
        %rem3A_274 = arith.constant 2 : i32
        %rem3A_275 = arith.remsi %select_n3A_273, %rem3A_274 : i32
        %mul3A_276 = arith.constant 16 : i32
        %mul3A_277 = arith.muli %rem3A_275, %mul3A_276 : i32
        %mul3A_278 = arith.constant 16 : i32
        %mul3A_279 = arith.muli %select_n3A_273, %mul3A_278 : i32
        %add3A_280 = arith.addi %mul3A_2, %mul3A_279 : i32
        %dma_wait3A_281 = arith.constant 0 : i32
        %dma_wait3A_282 = tpu.memref_slice %arg7[%mul3A_277, %dma_wait3A_281] : memref<32x128xi32, #tpu.memory_space<vmem>> -> memref<16x128xi32, #tpu.memory_space<vmem>>
        %dma_wait3A_283 = arith.constant 0 : i32
        %dma_wait3A_284 = tpu.memref_slice %arg3[%arg0, %add3A_280, %dma_wait3A_283] : memref<2x2560x128xi32, #tpu.memory_space<hbm>> -> memref<1x16x128xi32, #tpu.memory_space<hbm>>
        %dma_wait3A_285 = tpu.memref_squeeze %dma_wait3A_284 : memref<1x16x128xi32, #tpu.memory_space<hbm>> -> memref<16x128xi32, #tpu.memory_space<hbm>>
        %dma_wait3A_286 = arith.constant 0 : i32
        %dma_wait3A_287 = tpu.memref_slice %arg7[%mul3A_277, %dma_wait3A_286] : memref<32x128xi32, #tpu.memory_space<vmem>> -> memref<16x128xi32, #tpu.memory_space<vmem>>
        %dma_wait3A_288 = arith.constant 0 : i32
        %dma_wait3A_289 = tpu.memref_slice %arg3[%arg0, %add3A_280, %dma_wait3A_288] : memref<2x2560x128xi32, #tpu.memory_space<hbm>> -> memref<1x16x128xi32, #tpu.memory_space<hbm>>
        %dma_wait3A_290 = tpu.memref_squeeze %dma_wait3A_289 : memref<1x16x128xi32, #tpu.memory_space<hbm>> -> memref<16x128xi32, #tpu.memory_space<hbm>>
        tpu.wait_dma2 semaphore(%arg12 : memref<!tpu.dma_semaphore, #tpu.memory_space<semaphore_mem>>) src(%dma_wait3A_290 : memref<16x128xi32, #tpu.memory_space<hbm>>) dst(%dma_wait3A_287 : memref<16x128xi32, #tpu.memory_space<vmem>>)
        %mul3A_291 = arith.constant 16 : i32
        %mul3A_292 = arith.muli %select_n3A_273, %mul3A_291 : i32
        %add3A_293 = arith.addi %mul3A_2, %mul3A_292 : i32
        %dma_wait3A_294 = arith.constant 0 : i32
        %dma_wait3A_295 = tpu.memref_slice %arg8[%mul3A_277, %dma_wait3A_294] : memref<32x128xi32, #tpu.memory_space<vmem>> -> memref<16x128xi32, #tpu.memory_space<vmem>>
        %dma_wait3A_296 = arith.constant 0 : i32
        %dma_wait3A_297 = tpu.memref_slice %arg4[%add3A_293, %dma_wait3A_296] : memref<2560x128xi32, #tpu.memory_space<hbm>> -> memref<16x128xi32, #tpu.memory_space<hbm>>
        %dma_wait3A_298 = arith.constant 0 : i32
        %dma_wait3A_299 = tpu.memref_slice %arg8[%mul3A_277, %dma_wait3A_298] : memref<32x128xi32, #tpu.memory_space<vmem>> -> memref<16x128xi32, #tpu.memory_space<vmem>>
        %dma_wait3A_300 = arith.constant 0 : i32
        %dma_wait3A_301 = tpu.memref_slice %arg4[%add3A_293, %dma_wait3A_300] : memref<2560x128xi32, #tpu.memory_space<hbm>> -> memref<16x128xi32, #tpu.memory_space<hbm>>
        tpu.wait_dma2 semaphore(%arg12 : memref<!tpu.dma_semaphore, #tpu.memory_space<semaphore_mem>>) src(%dma_wait3A_301 : memref<16x128xi32, #tpu.memory_space<hbm>>) dst(%dma_wait3A_299 : memref<16x128xi32, #tpu.memory_space<vmem>>)
      } else {
      }
      %rem3A_197 = arith.constant 2 : i32
      %rem3A_198 = arith.remsi %scan3A_70, %rem3A_197 : i32
      %mul3A_199 = arith.constant 128 : i32
      %mul3A_200 = arith.muli %rem3A_198, %mul3A_199 : i32
      %jit3A_201 = arith.constant 16 : i32
      %div3A_202 = arith.divsi %scan3A_70, %jit3A_201 : i32
      %sign3A_203 = arith.constant 0 : i32
      %sign3A_204 = arith.cmpi sgt, %scan3A_70, %sign3A_203 : i32
      %sign3A_205 = arith.extui %sign3A_204 : i1 to i32
      %sign3A_206 = arith.constant 0 : i32
      %sign3A_207 = arith.cmpi slt, %scan3A_70, %sign3A_206 : i32
      %sign3A_208 = arith.extui %sign3A_207 : i1 to i32
      %sign3A_209 = arith.subi %sign3A_205, %sign3A_208 : i32
      %sign3A_210 = arith.constant 0 : i32
      %sign3A_211 = arith.cmpi sgt, %jit3A_201, %sign3A_210 : i32
      %sign3A_212 = arith.extui %sign3A_211 : i1 to i32
      %sign3A_213 = arith.constant 0 : i32
      %sign3A_214 = arith.cmpi slt, %jit3A_201, %sign3A_213 : i32
      %sign3A_215 = arith.extui %sign3A_214 : i1 to i32
      %sign3A_216 = arith.subi %sign3A_212, %sign3A_215 : i32
      %ne3A_217 = arith.cmpi ne, %sign3A_209, %sign3A_216 : i32
      %rem3A_218 = arith.remsi %scan3A_70, %jit3A_201 : i32
      %ne3A_219 = arith.constant 0 : i32
      %ne3A_220 = arith.cmpi ne, %rem3A_218, %ne3A_219 : i32
      %and3A_221 = arith.andi %ne3A_217, %ne3A_220 : i1
      %sub3A_222 = arith.constant 1 : i32
      %sub3A_223 = arith.subi %div3A_202, %sub3A_222 : i32
      %select_n3A_224 = arith.select %and3A_221, %sub3A_223, %div3A_202 : i32
      %rem3A_225 = arith.constant 2 : i32
      %rem3A_226 = arith.remsi %select_n3A_224, %rem3A_225 : i32
      %mul3A_227 = arith.constant 16 : i32
      %mul3A_228 = arith.muli %rem3A_226, %mul3A_227 : i32
      %rem3A_229 = arith.constant 16 : i32
      %rem3A_230 = arith.remsi %scan3A_70, %rem3A_229 : i32
      %add3A_231 = arith.addi %mul3A_228, %rem3A_230 : i32
      %dma_wait3A_232 = arith.constant 0 : i32
      %dma_wait3A_233 = tpu.memref_slice %arg9[%mul3A_200, %dma_wait3A_232] : memref<256x128xf32, #tpu.memory_space<vmem>> -> memref<128x128xf32, #tpu.memory_space<vmem>>
      %dma_wait3A_234 = arith.constant 0 : i32
      %dma_wait3A_235 = tpu.memref_slice %arg8[%add3A_231, %dma_wait3A_234] : memref<32x128xi32, #tpu.memory_space<vmem>> -> memref<1x128xi32, #tpu.memory_space<vmem>>
      %dma_wait3A_236 = tpu.memref_squeeze %dma_wait3A_235 : memref<1x128xi32, #tpu.memory_space<vmem>> -> memref<128xi32, #tpu.memory_space<vmem>>
      %dma_wait3A_237 = arith.constant 0 : i32
      %dma_wait3A_238 = arith.constant 0 : i32
      %dma_wait3A_239 = tpu.memref_slice %arg6[%dma_wait3A_237, %dma_wait3A_238] : memref<10240x128xf32, #tpu.memory_space<vmem_shared>> -> memref<10240x128xf32, #tpu.memory_space<vmem_shared>>
      tpu.wait_indirect_dma semaphore(%arg11 : memref<!tpu.dma_semaphore, #tpu.memory_space<semaphore_mem>>) src(%dma_wait3A_233 : memref<128x128xf32, #tpu.memory_space<vmem>>) dst(%dma_wait3A_239 : memref<10240x128xf32, #tpu.memory_space<vmem_shared>>)
      %add3A_240 = arith.constant 2 : i32
      %add3A_241 = arith.addi %scan3A_70, %add3A_240 : i32
      %lt3A_242 = arith.constant 160 : i32
      %lt3A_243 = arith.cmpi slt, %add3A_241, %lt3A_242 : i32
      %convert_element_type3A_244 = arith.extui %lt3A_243 : i1 to i32
      %cond3A_245 = arith.constant 0 : i32
      %cond3A_246 = arith.cmpi ne, %convert_element_type3A_244, %cond3A_245 : i32
      scf.if %cond3A_246 {
        %add3A_248 = arith.constant 2 : i32
        %add3A_249 = arith.addi %scan3A_70, %add3A_248 : i32
        %rem3A_250 = arith.constant 2 : i32
        %rem3A_251 = arith.remsi %add3A_249, %rem3A_250 : i32
        %mul3A_252 = arith.constant 128 : i32
        %mul3A_253 = arith.muli %rem3A_251, %mul3A_252 : i32
        %jit3A_254 = arith.constant 16 : i32
        %div3A_255 = arith.divsi %add3A_249, %jit3A_254 : i32
        %sign3A_256 = arith.constant 0 : i32
        %sign3A_257 = arith.cmpi sgt, %add3A_249, %sign3A_256 : i32
        %sign3A_258 = arith.extui %sign3A_257 : i1 to i32
        %sign3A_259 = arith.constant 0 : i32
        %sign3A_260 = arith.cmpi slt, %add3A_249, %sign3A_259 : i32
        %sign3A_261 = arith.extui %sign3A_260 : i1 to i32
        %sign3A_262 = arith.subi %sign3A_258, %sign3A_261 : i32
        %sign3A_263 = arith.constant 0 : i32
        %sign3A_264 = arith.cmpi sgt, %jit3A_254, %sign3A_263 : i32
        %sign3A_265 = arith.extui %sign3A_264 : i1 to i32
        %sign3A_266 = arith.constant 0 : i32
        %sign3A_267 = arith.cmpi slt, %jit3A_254, %sign3A_266 : i32
        %sign3A_268 = arith.extui %sign3A_267 : i1 to i32
        %sign3A_269 = arith.subi %sign3A_265, %sign3A_268 : i32
        %ne3A_270 = arith.cmpi ne, %sign3A_262, %sign3A_269 : i32
        %rem3A_271 = arith.remsi %add3A_249, %jit3A_254 : i32
        %ne3A_272 = arith.constant 0 : i32
        %ne3A_273 = arith.cmpi ne, %rem3A_271, %ne3A_272 : i32
        %and3A_274 = arith.andi %ne3A_270, %ne3A_273 : i1
        %sub3A_275 = arith.constant 1 : i32
        %sub3A_276 = arith.subi %div3A_255, %sub3A_275 : i32
        %select_n3A_277 = arith.select %and3A_274, %sub3A_276, %div3A_255 : i32
        %rem3A_278 = arith.constant 2 : i32
        %rem3A_279 = arith.remsi %select_n3A_277, %rem3A_278 : i32
        %mul3A_280 = arith.constant 16 : i32
        %mul3A_281 = arith.muli %rem3A_279, %mul3A_280 : i32
        %rem3A_282 = arith.constant 16 : i32
        %rem3A_283 = arith.remsi %add3A_249, %rem3A_282 : i32
        %add3A_284 = arith.addi %mul3A_281, %rem3A_283 : i32
        %dma_start3A_285 = arith.constant 0 : i32
        %dma_start3A_286 = tpu.memref_slice %arg9[%mul3A_253, %dma_start3A_285] : memref<256x128xf32, #tpu.memory_space<vmem>> -> memref<128x128xf32, #tpu.memory_space<vmem>>
        %dma_start3A_287 = arith.constant 0 : i32
        %dma_start3A_288 = tpu.memref_slice %arg7[%add3A_284, %dma_start3A_287] : memref<32x128xi32, #tpu.memory_space<vmem>> -> memref<1x128xi32, #tpu.memory_space<vmem>>
        %dma_start3A_289 = tpu.memref_squeeze %dma_start3A_288 : memref<1x128xi32, #tpu.memory_space<vmem>> -> memref<128xi32, #tpu.memory_space<vmem>>
        %dma_start3A_290 = arith.constant 0 : i32
        %dma_start3A_291 = arith.constant 0 : i32
        %dma_start3A_292 = tpu.memref_slice %arg2[%dma_start3A_290, %dma_start3A_291] : memref<20480x128xf32, #tpu.memory_space<hbm>> -> memref<20480x128xf32, #tpu.memory_space<hbm>>
        tpu.enqueue_indirect_dma source(%dma_start3A_292 : memref<20480x128xf32, #tpu.memory_space<hbm>>) target(%dma_start3A_286 : memref<128x128xf32, #tpu.memory_space<vmem>>) offsets(%dma_start3A_289 : memref<128xi32, #tpu.memory_space<vmem>>) semaphore(%arg10 : memref<!tpu.dma_semaphore, #tpu.memory_space<semaphore_mem>>)
      } else {
      }
      %scan3A_247 = arith.constant 0 : i32
      scf.yield %scan3A_247 : i32
    }
    %scan3A_68 = arith.constant 160 : i32
    %barrier3A_69 = arith.constant 0 : index
    tpu.barrier barrier_id(%barrier3A_69)
    "tpu.region"() ({
      %run_scoped3A = tpu.sem_alloc : memref<!tpu.dma_semaphore, #tpu.memory_space<semaphore_mem>>
      %dma_start3A_70 = arith.constant 0 : i32
      %dma_start3A_71 = tpu.memref_slice %arg5[%arg0, %mul3A_0, %dma_start3A_70] : memref<2x10240x128xf32, #tpu.memory_space<hbm>> -> memref<1x640x128xf32, #tpu.memory_space<hbm>>
      %dma_start3A_72 = tpu.memref_squeeze %dma_start3A_71 : memref<1x640x128xf32, #tpu.memory_space<hbm>> -> memref<640x128xf32, #tpu.memory_space<hbm>>
      %dma_start3A_73 = arith.constant 0 : i32
      %dma_start3A_74 = tpu.memref_slice %arg6[%mul3A_0, %dma_start3A_73] : memref<10240x128xf32, #tpu.memory_space<vmem_shared>> -> memref<640x128xf32, #tpu.memory_space<vmem_shared>>
      tpu.enqueue_dma source(%dma_start3A_74 : memref<640x128xf32, #tpu.memory_space<vmem_shared>>) target(%dma_start3A_72 : memref<640x128xf32, #tpu.memory_space<hbm>>) target_semaphore(%run_scoped3A : memref<!tpu.dma_semaphore, #tpu.memory_space<semaphore_mem>>)
      %dma_wait3A_75 = arith.constant 0 : i32
      %dma_wait3A_76 = tpu.memref_slice %arg5[%arg0, %mul3A_0, %dma_wait3A_75] : memref<2x10240x128xf32, #tpu.memory_space<hbm>> -> memref<1x640x128xf32, #tpu.memory_space<hbm>>
      %dma_wait3A_77 = tpu.memref_squeeze %dma_wait3A_76 : memref<1x640x128xf32, #tpu.memory_space<hbm>> -> memref<640x128xf32, #tpu.memory_space<hbm>>
      %dma_wait3A_78 = arith.constant 0 : i32
      %dma_wait3A_79 = tpu.memref_slice %arg6[%mul3A_0, %dma_wait3A_78] : memref<10240x128xf32, #tpu.memory_space<vmem_shared>> -> memref<640x128xf32, #tpu.memory_space<vmem_shared>>
      tpu.wait_dma2 semaphore(%run_scoped3A : memref<!tpu.dma_semaphore, #tpu.memory_space<semaphore_mem>>) src(%dma_wait3A_79 : memref<640x128xf32, #tpu.memory_space<vmem_shared>>) dst(%dma_wait3A_77 : memref<640x128xf32, #tpu.memory_space<hbm>>)
      tpu.yield
    }) : () -> ()
    return
  }
}

#map = affine_map<(d0, d1) -> (0)>
#map1 = affine_map<(d0, d1) -> (0, 0)>
module attributes {stable_mosaic.version = 14 : i64} {
  func.func @_deg_body(%arg0: i32, %arg1: i32, %arg2: memref<327680xi32, #tpu.memory_space<hbm>>, %arg3: memref<2x10240xf32, #tpu.memory_space<hbm>>, %arg4: memref<10240xf32, #tpu.memory_space<vmem>>, %arg5: memref<2048xi32, #tpu.memory_space<vmem>>, %arg6: memref<640xf32, #tpu.memory_space<vmem>>, %arg7: memref<640xf32, #tpu.memory_space<vmem>>, %arg8: memref<16x10240xf32, #tpu.memory_space<vmem_shared>>) attributes {dimension_semantics = [#tpu.dimension_semantics<core_parallel>, #tpu.dimension_semantics<subcore_parallel>], iteration_bounds = array<i64: 2, 16>, scalar_prefetch = 0 : i64, scratch_operands = 5 : i64, tpu.core_type = #tpu.core_type<sc_vector_subcore>, window_params = [{transform_indices = #map}, {transform_indices = #map1}]} {
    %broadcast_in_dim3A = arith.constant 0.000000e+00 : f32
    %broadcast_in_dim3A_0 = vector.broadcast %broadcast_in_dim3A : f32 to vector<16xf32>
    %broadcast_in_dim3A_1 = arith.constant 1.000000e+00 : f32
    %broadcast_in_dim3A_2 = vector.broadcast %broadcast_in_dim3A_1 : f32 to vector<16xf32>
    %scan3A = arith.constant 0 : i32
    %scan3A_3 = arith.constant 0 : i32
    %scan3A_4 = arith.constant 640 : i32
    %scan3A_5 = arith.addi %scan3A_3, %scan3A_4 : i32
    %scan3A_6 = arith.constant 1 : i32
    %scan3A_7 = scf.for %scan3A_155 = %scan3A_3 to %scan3A_5 step %scan3A_6 iter_args(%scan3A_156 = %scan3A) -> (i32)  : i32 {
      %mul3A_157 = arith.constant 16 : i32
      %mul3A_158 = arith.muli %scan3A_155, %mul3A_157 : i32
      %swap3A = arith.index_cast %mul3A_158 : i32 to index
      %swap3A_159 = tpu.vector_load %arg4[%swap3A] {strides = array<i32>} : memref<10240xf32, #tpu.memory_space<vmem>>, vector<16xf32>,
      tpu.vector_store %arg4[%swap3A], %broadcast_in_dim3A_0 {strides = array<i32>} : memref<10240xf32, #tpu.memory_space<vmem>>, vector<16xf32>,
      %scan3A_160 = arith.constant 0 : i32
      scf.yield %scan3A_160 : i32
    }
    %scan3A_8 = arith.constant 640 : i32
    %mul3A = arith.constant 163840 : i32
    %mul3A_9 = arith.muli %arg0, %mul3A : i32
    %mul3A_10 = arith.constant 10240 : i32
    %mul3A_11 = arith.muli %arg1, %mul3A_10 : i32
    %add3A = arith.addi %mul3A_9, %mul3A_11 : i32
    %scan3A_12 = arith.constant 0 : i32
    %scan3A_13 = arith.constant 0 : i32
    %scan3A_14 = arith.constant 5 : i32
    %scan3A_15 = arith.addi %scan3A_13, %scan3A_14 : i32
    %scan3A_16 = arith.constant 1 : i32
    %scan3A_17 = scf.for %scan3A_155 = %scan3A_13 to %scan3A_15 step %scan3A_16 iter_args(%scan3A_156 = %scan3A_12) -> (i32)  : i32 {
      %mul3A_157 = arith.constant 2048 : i32
      %mul3A_158 = arith.muli %scan3A_155, %mul3A_157 : i32
      %add3A_159 = arith.addi %add3A, %mul3A_158 : i32
      "tpu.region"() ({
        %run_scoped3A_168 = tpu.sem_alloc : memref<!tpu.dma_semaphore, #tpu.memory_space<semaphore_mem>>
        %dma_start3A = tpu.memref_slice %arg2[%add3A_159] : memref<327680xi32, #tpu.memory_space<hbm>> -> memref<2048xi32, #tpu.memory_space<hbm>>
        %dma_start3A_169 = tpu.memref_slice %arg2[%add3A_159] : memref<327680xi32, #tpu.memory_space<hbm>> -> memref<2048xi32, #tpu.memory_space<hbm>>
        tpu.enqueue_dma source(%dma_start3A_169 : memref<2048xi32, #tpu.memory_space<hbm>>) target(%arg5 : memref<2048xi32, #tpu.memory_space<vmem>>) target_semaphore(%run_scoped3A_168 : memref<!tpu.dma_semaphore, #tpu.memory_space<semaphore_mem>>)
        %dma_wait3A = tpu.memref_slice %arg2[%add3A_159] : memref<327680xi32, #tpu.memory_space<hbm>> -> memref<2048xi32, #tpu.memory_space<hbm>>
        %dma_wait3A_170 = tpu.memref_slice %arg2[%add3A_159] : memref<327680xi32, #tpu.memory_space<hbm>> -> memref<2048xi32, #tpu.memory_space<hbm>>
        tpu.wait_dma2 semaphore(%run_scoped3A_168 : memref<!tpu.dma_semaphore, #tpu.memory_space<semaphore_mem>>) src(%dma_wait3A_170 : memref<2048xi32, #tpu.memory_space<hbm>>) dst(%arg5 : memref<2048xi32, #tpu.memory_space<vmem>>)
        tpu.yield
      }) : () -> ()
      %scan3A_160 = arith.constant 0 : i32
      %scan3A_161 = arith.constant 0 : i32
      %scan3A_162 = arith.constant 128 : i32
      %scan3A_163 = arith.addi %scan3A_161, %scan3A_162 : i32
      %scan3A_164 = arith.constant 1 : i32
      %scan3A_165 = scf.for %scan3A_168 = %scan3A_161 to %scan3A_163 step %scan3A_164 iter_args(%scan3A_169 = %scan3A_160) -> (i32)  : i32 {
        %mul3A_170 = arith.constant 16 : i32
        %mul3A_171 = arith.muli %scan3A_168, %mul3A_170 : i32
        %get3A = arith.index_cast %mul3A_171 : i32 to index
        %get3A_172 = tpu.vector_load %arg5[%get3A] {strides = array<i32>} : memref<2048xi32, #tpu.memory_space<vmem>>, vector<16xi32>,
        tpu.vector_store_idx %arg4[%get3A_172], %broadcast_in_dim3A_2 {add = true} : memref<10240xf32, #tpu.memory_space<vmem>>[vector<16xi32>], vector<16xf32>,
        %scan3A_173 = arith.constant 0 : i32
        scf.yield %scan3A_173 : i32
      }
      %scan3A_166 = arith.constant 128 : i32
      %scan3A_167 = arith.constant 0 : i32
      scf.yield %scan3A_167 : i32
    }
    %scan3A_18 = arith.constant 5 : i32
    "tpu.region"() ({
      %run_scoped3A_155 = tpu.sem_alloc : memref<!tpu.dma_semaphore, #tpu.memory_space<semaphore_mem>>
      %dma_start3A = arith.constant 0 : i32
      %dma_start3A_156 = tpu.memref_slice %arg8[%arg1, %dma_start3A] : memref<16x10240xf32, #tpu.memory_space<vmem_shared>> -> memref<1x10240xf32, #tpu.memory_space<vmem_shared>>
      %dma_start3A_157 = tpu.memref_squeeze %dma_start3A_156 : memref<1x10240xf32, #tpu.memory_space<vmem_shared>> -> memref<10240xf32, #tpu.memory_space<vmem_shared>>
      %dma_start3A_158 = arith.constant 0 : i32
      %dma_start3A_159 = tpu.memref_slice %arg8[%arg1, %dma_start3A_158] : memref<16x10240xf32, #tpu.memory_space<vmem_shared>> -> memref<1x10240xf32, #tpu.memory_space<vmem_shared>>
      %dma_start3A_160 = tpu.memref_squeeze %dma_start3A_159 : memref<1x10240xf32, #tpu.memory_space<vmem_shared>> -> memref<10240xf32, #tpu.memory_space<vmem_shared>>
      tpu.enqueue_dma source(%arg4 : memref<10240xf32, #tpu.memory_space<vmem>>) target(%dma_start3A_160 : memref<10240xf32, #tpu.memory_space<vmem_shared>>) target_semaphore(%run_scoped3A_155 : memref<!tpu.dma_semaphore, #tpu.memory_space<semaphore_mem>>)
      %dma_wait3A = arith.constant 0 : i32
      %dma_wait3A_161 = tpu.memref_slice %arg8[%arg1, %dma_wait3A] : memref<16x10240xf32, #tpu.memory_space<vmem_shared>> -> memref<1x10240xf32, #tpu.memory_space<vmem_shared>>
      %dma_wait3A_162 = tpu.memref_squeeze %dma_wait3A_161 : memref<1x10240xf32, #tpu.memory_space<vmem_shared>> -> memref<10240xf32, #tpu.memory_space<vmem_shared>>
      %dma_wait3A_163 = arith.constant 0 : i32
      %dma_wait3A_164 = tpu.memref_slice %arg8[%arg1, %dma_wait3A_163] : memref<16x10240xf32, #tpu.memory_space<vmem_shared>> -> memref<1x10240xf32, #tpu.memory_space<vmem_shared>>
      %dma_wait3A_165 = tpu.memref_squeeze %dma_wait3A_164 : memref<1x10240xf32, #tpu.memory_space<vmem_shared>> -> memref<10240xf32, #tpu.memory_space<vmem_shared>>
      tpu.wait_dma2 semaphore(%run_scoped3A_155 : memref<!tpu.dma_semaphore, #tpu.memory_space<semaphore_mem>>) src(%arg4 : memref<10240xf32, #tpu.memory_space<vmem>>) dst(%dma_wait3A_165 : memref<10240xf32, #tpu.memory_space<vmem_shared>>)
      tpu.yield
    }) : () -> ()
    %barrier3A = arith.constant 0 : index
    tpu.barrier barrier_id(%barrier3A)
    %mul3A_19 = arith.constant 640 : i32
    %mul3A_20 = arith.muli %arg1, %mul3A_19 : i32
    %scan3A_21 = arith.constant 0 : i32
    %scan3A_22 = arith.constant 0 : i32
    %scan3A_23 = arith.constant 40 : i32
    %scan3A_24 = arith.addi %scan3A_22, %scan3A_23 : i32
    %scan3A_25 = arith.constant 1 : i32
    %scan3A_26 = scf.for %scan3A_155 = %scan3A_22 to %scan3A_24 step %scan3A_25 iter_args(%scan3A_156 = %scan3A_21) -> (i32)  : i32 {
      %mul3A_157 = arith.constant 16 : i32
      %mul3A_158 = arith.muli %scan3A_155, %mul3A_157 : i32
      %swap3A = arith.index_cast %mul3A_158 : i32 to index
      %swap3A_159 = tpu.vector_load %arg6[%swap3A] {strides = array<i32>} : memref<640xf32, #tpu.memory_space<vmem>>, vector<16xf32>,
      tpu.vector_store %arg6[%swap3A], %broadcast_in_dim3A_0 {strides = array<i32>} : memref<640xf32, #tpu.memory_space<vmem>>, vector<16xf32>,
      %scan3A_160 = arith.constant 0 : i32
      scf.yield %scan3A_160 : i32
    }
    %scan3A_27 = arith.constant 40 : i32
    %run_scoped3A = arith.constant 0 : i32
    "tpu.region"() ({
      %run_scoped3A_155 = tpu.sem_alloc : memref<!tpu.dma_semaphore, #tpu.memory_space<semaphore_mem>>
      %dma_start3A = tpu.memref_slice %arg8[%run_scoped3A, %mul3A_20] : memref<16x10240xf32, #tpu.memory_space<vmem_shared>> -> memref<1x640xf32, #tpu.memory_space<vmem_shared>>
      %dma_start3A_156 = tpu.memref_squeeze %dma_start3A : memref<1x640xf32, #tpu.memory_space<vmem_shared>> -> memref<640xf32, #tpu.memory_space<vmem_shared>>
      %dma_start3A_157 = tpu.memref_slice %arg8[%run_scoped3A, %mul3A_20] : memref<16x10240xf32, #tpu.memory_space<vmem_shared>> -> memref<1x640xf32, #tpu.memory_space<vmem_shared>>
      %dma_start3A_158 = tpu.memref_squeeze %dma_start3A_157 : memref<1x640xf32, #tpu.memory_space<vmem_shared>> -> memref<640xf32, #tpu.memory_space<vmem_shared>>
      tpu.enqueue_dma source(%dma_start3A_158 : memref<640xf32, #tpu.memory_space<vmem_shared>>) target(%arg7 : memref<640xf32, #tpu.memory_space<vmem>>) target_semaphore(%run_scoped3A_155 : memref<!tpu.dma_semaphore, #tpu.memory_space<semaphore_mem>>)
      %dma_wait3A = tpu.memref_slice %arg8[%run_scoped3A, %mul3A_20] : memref<16x10240xf32, #tpu.memory_space<vmem_shared>> -> memref<1x640xf32, #tpu.memory_space<vmem_shared>>
      %dma_wait3A_159 = tpu.memref_squeeze %dma_wait3A : memref<1x640xf32, #tpu.memory_space<vmem_shared>> -> memref<640xf32, #tpu.memory_space<vmem_shared>>
      %dma_wait3A_160 = tpu.memref_slice %arg8[%run_scoped3A, %mul3A_20] : memref<16x10240xf32, #tpu.memory_space<vmem_shared>> -> memref<1x640xf32, #tpu.memory_space<vmem_shared>>
      %dma_wait3A_161 = tpu.memref_squeeze %dma_wait3A_160 : memref<1x640xf32, #tpu.memory_space<vmem_shared>> -> memref<640xf32, #tpu.memory_space<vmem_shared>>
      tpu.wait_dma2 semaphore(%run_scoped3A_155 : memref<!tpu.dma_semaphore, #tpu.memory_space<semaphore_mem>>) src(%dma_wait3A_161 : memref<640xf32, #tpu.memory_space<vmem_shared>>) dst(%arg7 : memref<640xf32, #tpu.memory_space<vmem>>)
      tpu.yield
    }) : () -> ()
    %scan3A_28 = arith.constant 0 : i32
    %scan3A_29 = arith.constant 0 : i32
    %scan3A_30 = arith.constant 40 : i32
    %scan3A_31 = arith.addi %scan3A_29, %scan3A_30 : i32
    %scan3A_32 = arith.constant 1 : i32
    %scan3A_33 = scf.for %scan3A_155 = %scan3A_29 to %scan3A_31 step %scan3A_32 iter_args(%scan3A_156 = %scan3A_28) -> (i32)  : i32 {
      %mul3A_157 = arith.constant 16 : i32
      %mul3A_158 = arith.muli %scan3A_155, %mul3A_157 : i32
      %get3A = arith.index_cast %mul3A_158 : i32 to index
      %get3A_159 = tpu.vector_load %arg6[%get3A] {strides = array<i32>} : memref<640xf32, #tpu.memory_space<vmem>>, vector<16xf32>,
      %mul3A_160 = arith.constant 16 : i32
      %mul3A_161 = arith.muli %scan3A_155, %mul3A_160 : i32
      %get3A_162 = arith.index_cast %mul3A_161 : i32 to index
      %get3A_163 = tpu.vector_load %arg7[%get3A_162] {strides = array<i32>} : memref<640xf32, #tpu.memory_space<vmem>>, vector<16xf32>,
      %add3A_164 = arith.addf %get3A_159, %get3A_163 : vector<16xf32>
      %mul3A_165 = arith.constant 16 : i32
      %mul3A_166 = arith.muli %scan3A_155, %mul3A_165 : i32
      %swap3A = arith.index_cast %mul3A_166 : i32 to index
      %swap3A_167 = tpu.vector_load %arg6[%swap3A] {strides = array<i32>} : memref<640xf32, #tpu.memory_space<vmem>>, vector<16xf32>,
      tpu.vector_store %arg6[%swap3A], %add3A_164 {strides = array<i32>} : memref<640xf32, #tpu.memory_space<vmem>>, vector<16xf32>,
      %scan3A_168 = arith.constant 0 : i32
      scf.yield %scan3A_168 : i32
    }
    %scan3A_34 = arith.constant 40 : i32
    %run_scoped3A_35 = arith.constant 1 : i32
    "tpu.region"() ({
      %run_scoped3A_155 = tpu.sem_alloc : memref<!tpu.dma_semaphore, #tpu.memory_space<semaphore_mem>>
      %dma_start3A = tpu.memref_slice %arg8[%run_scoped3A_35, %mul3A_20] : memref<16x10240xf32, #tpu.memory_space<vmem_shared>> -> memref<1x640xf32, #tpu.memory_space<vmem_shared>>
      %dma_start3A_156 = tpu.memref_squeeze %dma_start3A : memref<1x640xf32, #tpu.memory_space<vmem_shared>> -> memref<640xf32, #tpu.memory_space<vmem_shared>>
      %dma_start3A_157 = tpu.memref_slice %arg8[%run_scoped3A_35, %mul3A_20] : memref<16x10240xf32, #tpu.memory_space<vmem_shared>> -> memref<1x640xf32, #tpu.memory_space<vmem_shared>>
      %dma_start3A_158 = tpu.memref_squeeze %dma_start3A_157 : memref<1x640xf32, #tpu.memory_space<vmem_shared>> -> memref<640xf32, #tpu.memory_space<vmem_shared>>
      tpu.enqueue_dma source(%dma_start3A_158 : memref<640xf32, #tpu.memory_space<vmem_shared>>) target(%arg7 : memref<640xf32, #tpu.memory_space<vmem>>) target_semaphore(%run_scoped3A_155 : memref<!tpu.dma_semaphore, #tpu.memory_space<semaphore_mem>>)
      %dma_wait3A = tpu.memref_slice %arg8[%run_scoped3A_35, %mul3A_20] : memref<16x10240xf32, #tpu.memory_space<vmem_shared>> -> memref<1x640xf32, #tpu.memory_space<vmem_shared>>
      %dma_wait3A_159 = tpu.memref_squeeze %dma_wait3A : memref<1x640xf32, #tpu.memory_space<vmem_shared>> -> memref<640xf32, #tpu.memory_space<vmem_shared>>
      %dma_wait3A_160 = tpu.memref_slice %arg8[%run_scoped3A_35, %mul3A_20] : memref<16x10240xf32, #tpu.memory_space<vmem_shared>> -> memref<1x640xf32, #tpu.memory_space<vmem_shared>>
      %dma_wait3A_161 = tpu.memref_squeeze %dma_wait3A_160 : memref<1x640xf32, #tpu.memory_space<vmem_shared>> -> memref<640xf32, #tpu.memory_space<vmem_shared>>
      tpu.wait_dma2 semaphore(%run_scoped3A_155 : memref<!tpu.dma_semaphore, #tpu.memory_space<semaphore_mem>>) src(%dma_wait3A_161 : memref<640xf32, #tpu.memory_space<vmem_shared>>) dst(%arg7 : memref<640xf32, #tpu.memory_space<vmem>>)
      tpu.yield
    }) : () -> ()
    %scan3A_36 = arith.constant 0 : i32
    %scan3A_37 = arith.constant 0 : i32
    %scan3A_38 = arith.constant 40 : i32
    %scan3A_39 = arith.addi %scan3A_37, %scan3A_38 : i32
    %scan3A_40 = arith.constant 1 : i32
    %scan3A_41 = scf.for %scan3A_155 = %scan3A_37 to %scan3A_39 step %scan3A_40 iter_args(%scan3A_156 = %scan3A_36) -> (i32)  : i32 {
      %mul3A_157 = arith.constant 16 : i32
      %mul3A_158 = arith.muli %scan3A_155, %mul3A_157 : i32
      %get3A = arith.index_cast %mul3A_158 : i32 to index
      %get3A_159 = tpu.vector_load %arg6[%get3A] {strides = array<i32>} : memref<640xf32, #tpu.memory_space<vmem>>, vector<16xf32>,
      %mul3A_160 = arith.constant 16 : i32
      %mul3A_161 = arith.muli %scan3A_155, %mul3A_160 : i32
      %get3A_162 = arith.index_cast %mul3A_161 : i32 to index
      %get3A_163 = tpu.vector_load %arg7[%get3A_162] {strides = array<i32>} : memref<640xf32, #tpu.memory_space<vmem>>, vector<16xf32>,
      %add3A_164 = arith.addf %get3A_159, %get3A_163 : vector<16xf32>
      %mul3A_165 = arith.constant 16 : i32
      %mul3A_166 = arith.muli %scan3A_155, %mul3A_165 : i32
      %swap3A = arith.index_cast %mul3A_166 : i32 to index
      %swap3A_167 = tpu.vector_load %arg6[%swap3A] {strides = array<i32>} : memref<640xf32, #tpu.memory_space<vmem>>, vector<16xf32>,
      tpu.vector_store %arg6[%swap3A], %add3A_164 {strides = array<i32>} : memref<640xf32, #tpu.memory_space<vmem>>, vector<16xf32>,
      %scan3A_168 = arith.constant 0 : i32
      scf.yield %scan3A_168 : i32
    }
    %scan3A_42 = arith.constant 40 : i32
    %run_scoped3A_43 = arith.constant 2 : i32
    "tpu.region"() ({
      %run_scoped3A_155 = tpu.sem_alloc : memref<!tpu.dma_semaphore, #tpu.memory_space<semaphore_mem>>
      %dma_start3A = tpu.memref_slice %arg8[%run_scoped3A_43, %mul3A_20] : memref<16x10240xf32, #tpu.memory_space<vmem_shared>> -> memref<1x640xf32, #tpu.memory_space<vmem_shared>>
      %dma_start3A_156 = tpu.memref_squeeze %dma_start3A : memref<1x640xf32, #tpu.memory_space<vmem_shared>> -> memref<640xf32, #tpu.memory_space<vmem_shared>>
      %dma_start3A_157 = tpu.memref_slice %arg8[%run_scoped3A_43, %mul3A_20] : memref<16x10240xf32, #tpu.memory_space<vmem_shared>> -> memref<1x640xf32, #tpu.memory_space<vmem_shared>>
      %dma_start3A_158 = tpu.memref_squeeze %dma_start3A_157 : memref<1x640xf32, #tpu.memory_space<vmem_shared>> -> memref<640xf32, #tpu.memory_space<vmem_shared>>
      tpu.enqueue_dma source(%dma_start3A_158 : memref<640xf32, #tpu.memory_space<vmem_shared>>) target(%arg7 : memref<640xf32, #tpu.memory_space<vmem>>) target_semaphore(%run_scoped3A_155 : memref<!tpu.dma_semaphore, #tpu.memory_space<semaphore_mem>>)
      %dma_wait3A = tpu.memref_slice %arg8[%run_scoped3A_43, %mul3A_20] : memref<16x10240xf32, #tpu.memory_space<vmem_shared>> -> memref<1x640xf32, #tpu.memory_space<vmem_shared>>
      %dma_wait3A_159 = tpu.memref_squeeze %dma_wait3A : memref<1x640xf32, #tpu.memory_space<vmem_shared>> -> memref<640xf32, #tpu.memory_space<vmem_shared>>
      %dma_wait3A_160 = tpu.memref_slice %arg8[%run_scoped3A_43, %mul3A_20] : memref<16x10240xf32, #tpu.memory_space<vmem_shared>> -> memref<1x640xf32, #tpu.memory_space<vmem_shared>>
      %dma_wait3A_161 = tpu.memref_squeeze %dma_wait3A_160 : memref<1x640xf32, #tpu.memory_space<vmem_shared>> -> memref<640xf32, #tpu.memory_space<vmem_shared>>
      tpu.wait_dma2 semaphore(%run_scoped3A_155 : memref<!tpu.dma_semaphore, #tpu.memory_space<semaphore_mem>>) src(%dma_wait3A_161 : memref<640xf32, #tpu.memory_space<vmem_shared>>) dst(%arg7 : memref<640xf32, #tpu.memory_space<vmem>>)
      tpu.yield
    }) : () -> ()
    %scan3A_44 = arith.constant 0 : i32
    %scan3A_45 = arith.constant 0 : i32
    %scan3A_46 = arith.constant 40 : i32
    %scan3A_47 = arith.addi %scan3A_45, %scan3A_46 : i32
    %scan3A_48 = arith.constant 1 : i32
    %scan3A_49 = scf.for %scan3A_155 = %scan3A_45 to %scan3A_47 step %scan3A_48 iter_args(%scan3A_156 = %scan3A_44) -> (i32)  : i32 {
      %mul3A_157 = arith.constant 16 : i32
      %mul3A_158 = arith.muli %scan3A_155, %mul3A_157 : i32
      %get3A = arith.index_cast %mul3A_158 : i32 to index
      %get3A_159 = tpu.vector_load %arg6[%get3A] {strides = array<i32>} : memref<640xf32, #tpu.memory_space<vmem>>, vector<16xf32>,
      %mul3A_160 = arith.constant 16 : i32
      %mul3A_161 = arith.muli %scan3A_155, %mul3A_160 : i32
      %get3A_162 = arith.index_cast %mul3A_161 : i32 to index
      %get3A_163 = tpu.vector_load %arg7[%get3A_162] {strides = array<i32>} : memref<640xf32, #tpu.memory_space<vmem>>, vector<16xf32>,
      %add3A_164 = arith.addf %get3A_159, %get3A_163 : vector<16xf32>
      %mul3A_165 = arith.constant 16 : i32
      %mul3A_166 = arith.muli %scan3A_155, %mul3A_165 : i32
      %swap3A = arith.index_cast %mul3A_166 : i32 to index
      %swap3A_167 = tpu.vector_load %arg6[%swap3A] {strides = array<i32>} : memref<640xf32, #tpu.memory_space<vmem>>, vector<16xf32>,
      tpu.vector_store %arg6[%swap3A], %add3A_164 {strides = array<i32>} : memref<640xf32, #tpu.memory_space<vmem>>, vector<16xf32>,
      %scan3A_168 = arith.constant 0 : i32
      scf.yield %scan3A_168 : i32
    }
    %scan3A_50 = arith.constant 40 : i32
    %run_scoped3A_51 = arith.constant 3 : i32
    "tpu.region"() ({
      %run_scoped3A_155 = tpu.sem_alloc : memref<!tpu.dma_semaphore, #tpu.memory_space<semaphore_mem>>
      %dma_start3A = tpu.memref_slice %arg8[%run_scoped3A_51, %mul3A_20] : memref<16x10240xf32, #tpu.memory_space<vmem_shared>> -> memref<1x640xf32, #tpu.memory_space<vmem_shared>>
      %dma_start3A_156 = tpu.memref_squeeze %dma_start3A : memref<1x640xf32, #tpu.memory_space<vmem_shared>> -> memref<640xf32, #tpu.memory_space<vmem_shared>>
      %dma_start3A_157 = tpu.memref_slice %arg8[%run_scoped3A_51, %mul3A_20] : memref<16x10240xf32, #tpu.memory_space<vmem_shared>> -> memref<1x640xf32, #tpu.memory_space<vmem_shared>>
      %dma_start3A_158 = tpu.memref_squeeze %dma_start3A_157 : memref<1x640xf32, #tpu.memory_space<vmem_shared>> -> memref<640xf32, #tpu.memory_space<vmem_shared>>
      tpu.enqueue_dma source(%dma_start3A_158 : memref<640xf32, #tpu.memory_space<vmem_shared>>) target(%arg7 : memref<640xf32, #tpu.memory_space<vmem>>) target_semaphore(%run_scoped3A_155 : memref<!tpu.dma_semaphore, #tpu.memory_space<semaphore_mem>>)
      %dma_wait3A = tpu.memref_slice %arg8[%run_scoped3A_51, %mul3A_20] : memref<16x10240xf32, #tpu.memory_space<vmem_shared>> -> memref<1x640xf32, #tpu.memory_space<vmem_shared>>
      %dma_wait3A_159 = tpu.memref_squeeze %dma_wait3A : memref<1x640xf32, #tpu.memory_space<vmem_shared>> -> memref<640xf32, #tpu.memory_space<vmem_shared>>
      %dma_wait3A_160 = tpu.memref_slice %arg8[%run_scoped3A_51, %mul3A_20] : memref<16x10240xf32, #tpu.memory_space<vmem_shared>> -> memref<1x640xf32, #tpu.memory_space<vmem_shared>>
      %dma_wait3A_161 = tpu.memref_squeeze %dma_wait3A_160 : memref<1x640xf32, #tpu.memory_space<vmem_shared>> -> memref<640xf32, #tpu.memory_space<vmem_shared>>
      tpu.wait_dma2 semaphore(%run_scoped3A_155 : memref<!tpu.dma_semaphore, #tpu.memory_space<semaphore_mem>>) src(%dma_wait3A_161 : memref<640xf32, #tpu.memory_space<vmem_shared>>) dst(%arg7 : memref<640xf32, #tpu.memory_space<vmem>>)
      tpu.yield
    }) : () -> ()
    %scan3A_52 = arith.constant 0 : i32
    %scan3A_53 = arith.constant 0 : i32
    %scan3A_54 = arith.constant 40 : i32
    %scan3A_55 = arith.addi %scan3A_53, %scan3A_54 : i32
    %scan3A_56 = arith.constant 1 : i32
    %scan3A_57 = scf.for %scan3A_155 = %scan3A_53 to %scan3A_55 step %scan3A_56 iter_args(%scan3A_156 = %scan3A_52) -> (i32)  : i32 {
      %mul3A_157 = arith.constant 16 : i32
      %mul3A_158 = arith.muli %scan3A_155, %mul3A_157 : i32
      %get3A = arith.index_cast %mul3A_158 : i32 to index
      %get3A_159 = tpu.vector_load %arg6[%get3A] {strides = array<i32>} : memref<640xf32, #tpu.memory_space<vmem>>, vector<16xf32>,
      %mul3A_160 = arith.constant 16 : i32
      %mul3A_161 = arith.muli %scan3A_155, %mul3A_160 : i32
      %get3A_162 = arith.index_cast %mul3A_161 : i32 to index
      %get3A_163 = tpu.vector_load %arg7[%get3A_162] {strides = array<i32>} : memref<640xf32, #tpu.memory_space<vmem>>, vector<16xf32>,
      %add3A_164 = arith.addf %get3A_159, %get3A_163 : vector<16xf32>
      %mul3A_165 = arith.constant 16 : i32
      %mul3A_166 = arith.muli %scan3A_155, %mul3A_165 : i32
      %swap3A = arith.index_cast %mul3A_166 : i32 to index
      %swap3A_167 = tpu.vector_load %arg6[%swap3A] {strides = array<i32>} : memref<640xf32, #tpu.memory_space<vmem>>, vector<16xf32>,
      tpu.vector_store %arg6[%swap3A], %add3A_164 {strides = array<i32>} : memref<640xf32, #tpu.memory_space<vmem>>, vector<16xf32>,
      %scan3A_168 = arith.constant 0 : i32
      scf.yield %scan3A_168 : i32
    }
    %scan3A_58 = arith.constant 40 : i32
    %run_scoped3A_59 = arith.constant 4 : i32
    "tpu.region"() ({
      %run_scoped3A_155 = tpu.sem_alloc : memref<!tpu.dma_semaphore, #tpu.memory_space<semaphore_mem>>
      %dma_start3A = tpu.memref_slice %arg8[%run_scoped3A_59, %mul3A_20] : memref<16x10240xf32, #tpu.memory_space<vmem_shared>> -> memref<1x640xf32, #tpu.memory_space<vmem_shared>>
      %dma_start3A_156 = tpu.memref_squeeze %dma_start3A : memref<1x640xf32, #tpu.memory_space<vmem_shared>> -> memref<640xf32, #tpu.memory_space<vmem_shared>>
      %dma_start3A_157 = tpu.memref_slice %arg8[%run_scoped3A_59, %mul3A_20] : memref<16x10240xf32, #tpu.memory_space<vmem_shared>> -> memref<1x640xf32, #tpu.memory_space<vmem_shared>>
      %dma_start3A_158 = tpu.memref_squeeze %dma_start3A_157 : memref<1x640xf32, #tpu.memory_space<vmem_shared>> -> memref<640xf32, #tpu.memory_space<vmem_shared>>
      tpu.enqueue_dma source(%dma_start3A_158 : memref<640xf32, #tpu.memory_space<vmem_shared>>) target(%arg7 : memref<640xf32, #tpu.memory_space<vmem>>) target_semaphore(%run_scoped3A_155 : memref<!tpu.dma_semaphore, #tpu.memory_space<semaphore_mem>>)
      %dma_wait3A = tpu.memref_slice %arg8[%run_scoped3A_59, %mul3A_20] : memref<16x10240xf32, #tpu.memory_space<vmem_shared>> -> memref<1x640xf32, #tpu.memory_space<vmem_shared>>
      %dma_wait3A_159 = tpu.memref_squeeze %dma_wait3A : memref<1x640xf32, #tpu.memory_space<vmem_shared>> -> memref<640xf32, #tpu.memory_space<vmem_shared>>
      %dma_wait3A_160 = tpu.memref_slice %arg8[%run_scoped3A_59, %mul3A_20] : memref<16x10240xf32, #tpu.memory_space<vmem_shared>> -> memref<1x640xf32, #tpu.memory_space<vmem_shared>>
      %dma_wait3A_161 = tpu.memref_squeeze %dma_wait3A_160 : memref<1x640xf32, #tpu.memory_space<vmem_shared>> -> memref<640xf32, #tpu.memory_space<vmem_shared>>
      tpu.wait_dma2 semaphore(%run_scoped3A_155 : memref<!tpu.dma_semaphore, #tpu.memory_space<semaphore_mem>>) src(%dma_wait3A_161 : memref<640xf32, #tpu.memory_space<vmem_shared>>) dst(%arg7 : memref<640xf32, #tpu.memory_space<vmem>>)
      tpu.yield
    }) : () -> ()
    %scan3A_60 = arith.constant 0 : i32
    %scan3A_61 = arith.constant 0 : i32
    %scan3A_62 = arith.constant 40 : i32
    %scan3A_63 = arith.addi %scan3A_61, %scan3A_62 : i32
    %scan3A_64 = arith.constant 1 : i32
    %scan3A_65 = scf.for %scan3A_155 = %scan3A_61 to %scan3A_63 step %scan3A_64 iter_args(%scan3A_156 = %scan3A_60) -> (i32)  : i32 {
      %mul3A_157 = arith.constant 16 : i32
      %mul3A_158 = arith.muli %scan3A_155, %mul3A_157 : i32
      %get3A = arith.index_cast %mul3A_158 : i32 to index
      %get3A_159 = tpu.vector_load %arg6[%get3A] {strides = array<i32>} : memref<640xf32, #tpu.memory_space<vmem>>, vector<16xf32>,
      %mul3A_160 = arith.constant 16 : i32
      %mul3A_161 = arith.muli %scan3A_155, %mul3A_160 : i32
      %get3A_162 = arith.index_cast %mul3A_161 : i32 to index
      %get3A_163 = tpu.vector_load %arg7[%get3A_162] {strides = array<i32>} : memref<640xf32, #tpu.memory_space<vmem>>, vector<16xf32>,
      %add3A_164 = arith.addf %get3A_159, %get3A_163 : vector<16xf32>
      %mul3A_165 = arith.constant 16 : i32
      %mul3A_166 = arith.muli %scan3A_155, %mul3A_165 : i32
      %swap3A = arith.index_cast %mul3A_166 : i32 to index
      %swap3A_167 = tpu.vector_load %arg6[%swap3A] {strides = array<i32>} : memref<640xf32, #tpu.memory_space<vmem>>, vector<16xf32>,
      tpu.vector_store %arg6[%swap3A], %add3A_164 {strides = array<i32>} : memref<640xf32, #tpu.memory_space<vmem>>, vector<16xf32>,
      %scan3A_168 = arith.constant 0 : i32
      scf.yield %scan3A_168 : i32
    }
    %scan3A_66 = arith.constant 40 : i32
    %run_scoped3A_67 = arith.constant 5 : i32
    "tpu.region"() ({
      %run_scoped3A_155 = tpu.sem_alloc : memref<!tpu.dma_semaphore, #tpu.memory_space<semaphore_mem>>
      %dma_start3A = tpu.memref_slice %arg8[%run_scoped3A_67, %mul3A_20] : memref<16x10240xf32, #tpu.memory_space<vmem_shared>> -> memref<1x640xf32, #tpu.memory_space<vmem_shared>>
      %dma_start3A_156 = tpu.memref_squeeze %dma_start3A : memref<1x640xf32, #tpu.memory_space<vmem_shared>> -> memref<640xf32, #tpu.memory_space<vmem_shared>>
      %dma_start3A_157 = tpu.memref_slice %arg8[%run_scoped3A_67, %mul3A_20] : memref<16x10240xf32, #tpu.memory_space<vmem_shared>> -> memref<1x640xf32, #tpu.memory_space<vmem_shared>>
      %dma_start3A_158 = tpu.memref_squeeze %dma_start3A_157 : memref<1x640xf32, #tpu.memory_space<vmem_shared>> -> memref<640xf32, #tpu.memory_space<vmem_shared>>
      tpu.enqueue_dma source(%dma_start3A_158 : memref<640xf32, #tpu.memory_space<vmem_shared>>) target(%arg7 : memref<640xf32, #tpu.memory_space<vmem>>) target_semaphore(%run_scoped3A_155 : memref<!tpu.dma_semaphore, #tpu.memory_space<semaphore_mem>>)
      %dma_wait3A = tpu.memref_slice %arg8[%run_scoped3A_67, %mul3A_20] : memref<16x10240xf32, #tpu.memory_space<vmem_shared>> -> memref<1x640xf32, #tpu.memory_space<vmem_shared>>
      %dma_wait3A_159 = tpu.memref_squeeze %dma_wait3A : memref<1x640xf32, #tpu.memory_space<vmem_shared>> -> memref<640xf32, #tpu.memory_space<vmem_shared>>
      %dma_wait3A_160 = tpu.memref_slice %arg8[%run_scoped3A_67, %mul3A_20] : memref<16x10240xf32, #tpu.memory_space<vmem_shared>> -> memref<1x640xf32, #tpu.memory_space<vmem_shared>>
      %dma_wait3A_161 = tpu.memref_squeeze %dma_wait3A_160 : memref<1x640xf32, #tpu.memory_space<vmem_shared>> -> memref<640xf32, #tpu.memory_space<vmem_shared>>
      tpu.wait_dma2 semaphore(%run_scoped3A_155 : memref<!tpu.dma_semaphore, #tpu.memory_space<semaphore_mem>>) src(%dma_wait3A_161 : memref<640xf32, #tpu.memory_space<vmem_shared>>) dst(%arg7 : memref<640xf32, #tpu.memory_space<vmem>>)
      tpu.yield
    }) : () -> ()
    %scan3A_68 = arith.constant 0 : i32
    %scan3A_69 = arith.constant 0 : i32
    %scan3A_70 = arith.constant 40 : i32
    %scan3A_71 = arith.addi %scan3A_69, %scan3A_70 : i32
    %scan3A_72 = arith.constant 1 : i32
    %scan3A_73 = scf.for %scan3A_155 = %scan3A_69 to %scan3A_71 step %scan3A_72 iter_args(%scan3A_156 = %scan3A_68) -> (i32)  : i32 {
      %mul3A_157 = arith.constant 16 : i32
      %mul3A_158 = arith.muli %scan3A_155, %mul3A_157 : i32
      %get3A = arith.index_cast %mul3A_158 : i32 to index
      %get3A_159 = tpu.vector_load %arg6[%get3A] {strides = array<i32>} : memref<640xf32, #tpu.memory_space<vmem>>, vector<16xf32>,
      %mul3A_160 = arith.constant 16 : i32
      %mul3A_161 = arith.muli %scan3A_155, %mul3A_160 : i32
      %get3A_162 = arith.index_cast %mul3A_161 : i32 to index
      %get3A_163 = tpu.vector_load %arg7[%get3A_162] {strides = array<i32>} : memref<640xf32, #tpu.memory_space<vmem>>, vector<16xf32>,
      %add3A_164 = arith.addf %get3A_159, %get3A_163 : vector<16xf32>
      %mul3A_165 = arith.constant 16 : i32
      %mul3A_166 = arith.muli %scan3A_155, %mul3A_165 : i32
      %swap3A = arith.index_cast %mul3A_166 : i32 to index
      %swap3A_167 = tpu.vector_load %arg6[%swap3A] {strides = array<i32>} : memref<640xf32, #tpu.memory_space<vmem>>, vector<16xf32>,
      tpu.vector_store %arg6[%swap3A], %add3A_164 {strides = array<i32>} : memref<640xf32, #tpu.memory_space<vmem>>, vector<16xf32>,
      %scan3A_168 = arith.constant 0 : i32
      scf.yield %scan3A_168 : i32
    }
    %scan3A_74 = arith.constant 40 : i32
    %run_scoped3A_75 = arith.constant 6 : i32
    "tpu.region"() ({
      %run_scoped3A_155 = tpu.sem_alloc : memref<!tpu.dma_semaphore, #tpu.memory_space<semaphore_mem>>
      %dma_start3A = tpu.memref_slice %arg8[%run_scoped3A_75, %mul3A_20] : memref<16x10240xf32, #tpu.memory_space<vmem_shared>> -> memref<1x640xf32, #tpu.memory_space<vmem_shared>>
      %dma_start3A_156 = tpu.memref_squeeze %dma_start3A : memref<1x640xf32, #tpu.memory_space<vmem_shared>> -> memref<640xf32, #tpu.memory_space<vmem_shared>>
      %dma_start3A_157 = tpu.memref_slice %arg8[%run_scoped3A_75, %mul3A_20] : memref<16x10240xf32, #tpu.memory_space<vmem_shared>> -> memref<1x640xf32, #tpu.memory_space<vmem_shared>>
      %dma_start3A_158 = tpu.memref_squeeze %dma_start3A_157 : memref<1x640xf32, #tpu.memory_space<vmem_shared>> -> memref<640xf32, #tpu.memory_space<vmem_shared>>
      tpu.enqueue_dma source(%dma_start3A_158 : memref<640xf32, #tpu.memory_space<vmem_shared>>) target(%arg7 : memref<640xf32, #tpu.memory_space<vmem>>) target_semaphore(%run_scoped3A_155 : memref<!tpu.dma_semaphore, #tpu.memory_space<semaphore_mem>>)
      %dma_wait3A = tpu.memref_slice %arg8[%run_scoped3A_75, %mul3A_20] : memref<16x10240xf32, #tpu.memory_space<vmem_shared>> -> memref<1x640xf32, #tpu.memory_space<vmem_shared>>
      %dma_wait3A_159 = tpu.memref_squeeze %dma_wait3A : memref<1x640xf32, #tpu.memory_space<vmem_shared>> -> memref<640xf32, #tpu.memory_space<vmem_shared>>
      %dma_wait3A_160 = tpu.memref_slice %arg8[%run_scoped3A_75, %mul3A_20] : memref<16x10240xf32, #tpu.memory_space<vmem_shared>> -> memref<1x640xf32, #tpu.memory_space<vmem_shared>>
      %dma_wait3A_161 = tpu.memref_squeeze %dma_wait3A_160 : memref<1x640xf32, #tpu.memory_space<vmem_shared>> -> memref<640xf32, #tpu.memory_space<vmem_shared>>
      tpu.wait_dma2 semaphore(%run_scoped3A_155 : memref<!tpu.dma_semaphore, #tpu.memory_space<semaphore_mem>>) src(%dma_wait3A_161 : memref<640xf32, #tpu.memory_space<vmem_shared>>) dst(%arg7 : memref<640xf32, #tpu.memory_space<vmem>>)
      tpu.yield
    }) : () -> ()
    %scan3A_76 = arith.constant 0 : i32
    %scan3A_77 = arith.constant 0 : i32
    %scan3A_78 = arith.constant 40 : i32
    %scan3A_79 = arith.addi %scan3A_77, %scan3A_78 : i32
    %scan3A_80 = arith.constant 1 : i32
    %scan3A_81 = scf.for %scan3A_155 = %scan3A_77 to %scan3A_79 step %scan3A_80 iter_args(%scan3A_156 = %scan3A_76) -> (i32)  : i32 {
      %mul3A_157 = arith.constant 16 : i32
      %mul3A_158 = arith.muli %scan3A_155, %mul3A_157 : i32
      %get3A = arith.index_cast %mul3A_158 : i32 to index
      %get3A_159 = tpu.vector_load %arg6[%get3A] {strides = array<i32>} : memref<640xf32, #tpu.memory_space<vmem>>, vector<16xf32>,
      %mul3A_160 = arith.constant 16 : i32
      %mul3A_161 = arith.muli %scan3A_155, %mul3A_160 : i32
      %get3A_162 = arith.index_cast %mul3A_161 : i32 to index
      %get3A_163 = tpu.vector_load %arg7[%get3A_162] {strides = array<i32>} : memref<640xf32, #tpu.memory_space<vmem>>, vector<16xf32>,
      %add3A_164 = arith.addf %get3A_159, %get3A_163 : vector<16xf32>
      %mul3A_165 = arith.constant 16 : i32
      %mul3A_166 = arith.muli %scan3A_155, %mul3A_165 : i32
      %swap3A = arith.index_cast %mul3A_166 : i32 to index
      %swap3A_167 = tpu.vector_load %arg6[%swap3A] {strides = array<i32>} : memref<640xf32, #tpu.memory_space<vmem>>, vector<16xf32>,
      tpu.vector_store %arg6[%swap3A], %add3A_164 {strides = array<i32>} : memref<640xf32, #tpu.memory_space<vmem>>, vector<16xf32>,
      %scan3A_168 = arith.constant 0 : i32
      scf.yield %scan3A_168 : i32
    }
    %scan3A_82 = arith.constant 40 : i32
    %run_scoped3A_83 = arith.constant 7 : i32
    "tpu.region"() ({
      %run_scoped3A_155 = tpu.sem_alloc : memref<!tpu.dma_semaphore, #tpu.memory_space<semaphore_mem>>
      %dma_start3A = tpu.memref_slice %arg8[%run_scoped3A_83, %mul3A_20] : memref<16x10240xf32, #tpu.memory_space<vmem_shared>> -> memref<1x640xf32, #tpu.memory_space<vmem_shared>>
      %dma_start3A_156 = tpu.memref_squeeze %dma_start3A : memref<1x640xf32, #tpu.memory_space<vmem_shared>> -> memref<640xf32, #tpu.memory_space<vmem_shared>>
      %dma_start3A_157 = tpu.memref_slice %arg8[%run_scoped3A_83, %mul3A_20] : memref<16x10240xf32, #tpu.memory_space<vmem_shared>> -> memref<1x640xf32, #tpu.memory_space<vmem_shared>>
      %dma_start3A_158 = tpu.memref_squeeze %dma_start3A_157 : memref<1x640xf32, #tpu.memory_space<vmem_shared>> -> memref<640xf32, #tpu.memory_space<vmem_shared>>
      tpu.enqueue_dma source(%dma_start3A_158 : memref<640xf32, #tpu.memory_space<vmem_shared>>) target(%arg7 : memref<640xf32, #tpu.memory_space<vmem>>) target_semaphore(%run_scoped3A_155 : memref<!tpu.dma_semaphore, #tpu.memory_space<semaphore_mem>>)
      %dma_wait3A = tpu.memref_slice %arg8[%run_scoped3A_83, %mul3A_20] : memref<16x10240xf32, #tpu.memory_space<vmem_shared>> -> memref<1x640xf32, #tpu.memory_space<vmem_shared>>
      %dma_wait3A_159 = tpu.memref_squeeze %dma_wait3A : memref<1x640xf32, #tpu.memory_space<vmem_shared>> -> memref<640xf32, #tpu.memory_space<vmem_shared>>
      %dma_wait3A_160 = tpu.memref_slice %arg8[%run_scoped3A_83, %mul3A_20] : memref<16x10240xf32, #tpu.memory_space<vmem_shared>> -> memref<1x640xf32, #tpu.memory_space<vmem_shared>>
      %dma_wait3A_161 = tpu.memref_squeeze %dma_wait3A_160 : memref<1x640xf32, #tpu.memory_space<vmem_shared>> -> memref<640xf32, #tpu.memory_space<vmem_shared>>
      tpu.wait_dma2 semaphore(%run_scoped3A_155 : memref<!tpu.dma_semaphore, #tpu.memory_space<semaphore_mem>>) src(%dma_wait3A_161 : memref<640xf32, #tpu.memory_space<vmem_shared>>) dst(%arg7 : memref<640xf32, #tpu.memory_space<vmem>>)
      tpu.yield
    }) : () -> ()
    %scan3A_84 = arith.constant 0 : i32
    %scan3A_85 = arith.constant 0 : i32
    %scan3A_86 = arith.constant 40 : i32
    %scan3A_87 = arith.addi %scan3A_85, %scan3A_86 : i32
    %scan3A_88 = arith.constant 1 : i32
    %scan3A_89 = scf.for %scan3A_155 = %scan3A_85 to %scan3A_87 step %scan3A_88 iter_args(%scan3A_156 = %scan3A_84) -> (i32)  : i32 {
      %mul3A_157 = arith.constant 16 : i32
      %mul3A_158 = arith.muli %scan3A_155, %mul3A_157 : i32
      %get3A = arith.index_cast %mul3A_158 : i32 to index
      %get3A_159 = tpu.vector_load %arg6[%get3A] {strides = array<i32>} : memref<640xf32, #tpu.memory_space<vmem>>, vector<16xf32>,
      %mul3A_160 = arith.constant 16 : i32
      %mul3A_161 = arith.muli %scan3A_155, %mul3A_160 : i32
      %get3A_162 = arith.index_cast %mul3A_161 : i32 to index
      %get3A_163 = tpu.vector_load %arg7[%get3A_162] {strides = array<i32>} : memref<640xf32, #tpu.memory_space<vmem>>, vector<16xf32>,
      %add3A_164 = arith.addf %get3A_159, %get3A_163 : vector<16xf32>
      %mul3A_165 = arith.constant 16 : i32
      %mul3A_166 = arith.muli %scan3A_155, %mul3A_165 : i32
      %swap3A = arith.index_cast %mul3A_166 : i32 to index
      %swap3A_167 = tpu.vector_load %arg6[%swap3A] {strides = array<i32>} : memref<640xf32, #tpu.memory_space<vmem>>, vector<16xf32>,
      tpu.vector_store %arg6[%swap3A], %add3A_164 {strides = array<i32>} : memref<640xf32, #tpu.memory_space<vmem>>, vector<16xf32>,
      %scan3A_168 = arith.constant 0 : i32
      scf.yield %scan3A_168 : i32
    }
    %scan3A_90 = arith.constant 40 : i32
    %run_scoped3A_91 = arith.constant 8 : i32
    "tpu.region"() ({
      %run_scoped3A_155 = tpu.sem_alloc : memref<!tpu.dma_semaphore, #tpu.memory_space<semaphore_mem>>
      %dma_start3A = tpu.memref_slice %arg8[%run_scoped3A_91, %mul3A_20] : memref<16x10240xf32, #tpu.memory_space<vmem_shared>> -> memref<1x640xf32, #tpu.memory_space<vmem_shared>>
      %dma_start3A_156 = tpu.memref_squeeze %dma_start3A : memref<1x640xf32, #tpu.memory_space<vmem_shared>> -> memref<640xf32, #tpu.memory_space<vmem_shared>>
      %dma_start3A_157 = tpu.memref_slice %arg8[%run_scoped3A_91, %mul3A_20] : memref<16x10240xf32, #tpu.memory_space<vmem_shared>> -> memref<1x640xf32, #tpu.memory_space<vmem_shared>>
      %dma_start3A_158 = tpu.memref_squeeze %dma_start3A_157 : memref<1x640xf32, #tpu.memory_space<vmem_shared>> -> memref<640xf32, #tpu.memory_space<vmem_shared>>
      tpu.enqueue_dma source(%dma_start3A_158 : memref<640xf32, #tpu.memory_space<vmem_shared>>) target(%arg7 : memref<640xf32, #tpu.memory_space<vmem>>) target_semaphore(%run_scoped3A_155 : memref<!tpu.dma_semaphore, #tpu.memory_space<semaphore_mem>>)
      %dma_wait3A = tpu.memref_slice %arg8[%run_scoped3A_91, %mul3A_20] : memref<16x10240xf32, #tpu.memory_space<vmem_shared>> -> memref<1x640xf32, #tpu.memory_space<vmem_shared>>
      %dma_wait3A_159 = tpu.memref_squeeze %dma_wait3A : memref<1x640xf32, #tpu.memory_space<vmem_shared>> -> memref<640xf32, #tpu.memory_space<vmem_shared>>
      %dma_wait3A_160 = tpu.memref_slice %arg8[%run_scoped3A_91, %mul3A_20] : memref<16x10240xf32, #tpu.memory_space<vmem_shared>> -> memref<1x640xf32, #tpu.memory_space<vmem_shared>>
      %dma_wait3A_161 = tpu.memref_squeeze %dma_wait3A_160 : memref<1x640xf32, #tpu.memory_space<vmem_shared>> -> memref<640xf32, #tpu.memory_space<vmem_shared>>
      tpu.wait_dma2 semaphore(%run_scoped3A_155 : memref<!tpu.dma_semaphore, #tpu.memory_space<semaphore_mem>>) src(%dma_wait3A_161 : memref<640xf32, #tpu.memory_space<vmem_shared>>) dst(%arg7 : memref<640xf32, #tpu.memory_space<vmem>>)
      tpu.yield
    }) : () -> ()
    %scan3A_92 = arith.constant 0 : i32
    %scan3A_93 = arith.constant 0 : i32
    %scan3A_94 = arith.constant 40 : i32
    %scan3A_95 = arith.addi %scan3A_93, %scan3A_94 : i32
    %scan3A_96 = arith.constant 1 : i32
    %scan3A_97 = scf.for %scan3A_155 = %scan3A_93 to %scan3A_95 step %scan3A_96 iter_args(%scan3A_156 = %scan3A_92) -> (i32)  : i32 {
      %mul3A_157 = arith.constant 16 : i32
      %mul3A_158 = arith.muli %scan3A_155, %mul3A_157 : i32
      %get3A = arith.index_cast %mul3A_158 : i32 to index
      %get3A_159 = tpu.vector_load %arg6[%get3A] {strides = array<i32>} : memref<640xf32, #tpu.memory_space<vmem>>, vector<16xf32>,
      %mul3A_160 = arith.constant 16 : i32
      %mul3A_161 = arith.muli %scan3A_155, %mul3A_160 : i32
      %get3A_162 = arith.index_cast %mul3A_161 : i32 to index
      %get3A_163 = tpu.vector_load %arg7[%get3A_162] {strides = array<i32>} : memref<640xf32, #tpu.memory_space<vmem>>, vector<16xf32>,
      %add3A_164 = arith.addf %get3A_159, %get3A_163 : vector<16xf32>
      %mul3A_165 = arith.constant 16 : i32
      %mul3A_166 = arith.muli %scan3A_155, %mul3A_165 : i32
      %swap3A = arith.index_cast %mul3A_166 : i32 to index
      %swap3A_167 = tpu.vector_load %arg6[%swap3A] {strides = array<i32>} : memref<640xf32, #tpu.memory_space<vmem>>, vector<16xf32>,
      tpu.vector_store %arg6[%swap3A], %add3A_164 {strides = array<i32>} : memref<640xf32, #tpu.memory_space<vmem>>, vector<16xf32>,
      %scan3A_168 = arith.constant 0 : i32
      scf.yield %scan3A_168 : i32
    }
    %scan3A_98 = arith.constant 40 : i32
    %run_scoped3A_99 = arith.constant 9 : i32
    "tpu.region"() ({
      %run_scoped3A_155 = tpu.sem_alloc : memref<!tpu.dma_semaphore, #tpu.memory_space<semaphore_mem>>
      %dma_start3A = tpu.memref_slice %arg8[%run_scoped3A_99, %mul3A_20] : memref<16x10240xf32, #tpu.memory_space<vmem_shared>> -> memref<1x640xf32, #tpu.memory_space<vmem_shared>>
      %dma_start3A_156 = tpu.memref_squeeze %dma_start3A : memref<1x640xf32, #tpu.memory_space<vmem_shared>> -> memref<640xf32, #tpu.memory_space<vmem_shared>>
      %dma_start3A_157 = tpu.memref_slice %arg8[%run_scoped3A_99, %mul3A_20] : memref<16x10240xf32, #tpu.memory_space<vmem_shared>> -> memref<1x640xf32, #tpu.memory_space<vmem_shared>>
      %dma_start3A_158 = tpu.memref_squeeze %dma_start3A_157 : memref<1x640xf32, #tpu.memory_space<vmem_shared>> -> memref<640xf32, #tpu.memory_space<vmem_shared>>
      tpu.enqueue_dma source(%dma_start3A_158 : memref<640xf32, #tpu.memory_space<vmem_shared>>) target(%arg7 : memref<640xf32, #tpu.memory_space<vmem>>) target_semaphore(%run_scoped3A_155 : memref<!tpu.dma_semaphore, #tpu.memory_space<semaphore_mem>>)
      %dma_wait3A = tpu.memref_slice %arg8[%run_scoped3A_99, %mul3A_20] : memref<16x10240xf32, #tpu.memory_space<vmem_shared>> -> memref<1x640xf32, #tpu.memory_space<vmem_shared>>
      %dma_wait3A_159 = tpu.memref_squeeze %dma_wait3A : memref<1x640xf32, #tpu.memory_space<vmem_shared>> -> memref<640xf32, #tpu.memory_space<vmem_shared>>
      %dma_wait3A_160 = tpu.memref_slice %arg8[%run_scoped3A_99, %mul3A_20] : memref<16x10240xf32, #tpu.memory_space<vmem_shared>> -> memref<1x640xf32, #tpu.memory_space<vmem_shared>>
      %dma_wait3A_161 = tpu.memref_squeeze %dma_wait3A_160 : memref<1x640xf32, #tpu.memory_space<vmem_shared>> -> memref<640xf32, #tpu.memory_space<vmem_shared>>
      tpu.wait_dma2 semaphore(%run_scoped3A_155 : memref<!tpu.dma_semaphore, #tpu.memory_space<semaphore_mem>>) src(%dma_wait3A_161 : memref<640xf32, #tpu.memory_space<vmem_shared>>) dst(%arg7 : memref<640xf32, #tpu.memory_space<vmem>>)
      tpu.yield
    }) : () -> ()
    %scan3A_100 = arith.constant 0 : i32
    %scan3A_101 = arith.constant 0 : i32
    %scan3A_102 = arith.constant 40 : i32
    %scan3A_103 = arith.addi %scan3A_101, %scan3A_102 : i32
    %scan3A_104 = arith.constant 1 : i32
    %scan3A_105 = scf.for %scan3A_155 = %scan3A_101 to %scan3A_103 step %scan3A_104 iter_args(%scan3A_156 = %scan3A_100) -> (i32)  : i32 {
      %mul3A_157 = arith.constant 16 : i32
      %mul3A_158 = arith.muli %scan3A_155, %mul3A_157 : i32
      %get3A = arith.index_cast %mul3A_158 : i32 to index
      %get3A_159 = tpu.vector_load %arg6[%get3A] {strides = array<i32>} : memref<640xf32, #tpu.memory_space<vmem>>, vector<16xf32>,
      %mul3A_160 = arith.constant 16 : i32
      %mul3A_161 = arith.muli %scan3A_155, %mul3A_160 : i32
      %get3A_162 = arith.index_cast %mul3A_161 : i32 to index
      %get3A_163 = tpu.vector_load %arg7[%get3A_162] {strides = array<i32>} : memref<640xf32, #tpu.memory_space<vmem>>, vector<16xf32>,
      %add3A_164 = arith.addf %get3A_159, %get3A_163 : vector<16xf32>
      %mul3A_165 = arith.constant 16 : i32
      %mul3A_166 = arith.muli %scan3A_155, %mul3A_165 : i32
      %swap3A = arith.index_cast %mul3A_166 : i32 to index
      %swap3A_167 = tpu.vector_load %arg6[%swap3A] {strides = array<i32>} : memref<640xf32, #tpu.memory_space<vmem>>, vector<16xf32>,
      tpu.vector_store %arg6[%swap3A], %add3A_164 {strides = array<i32>} : memref<640xf32, #tpu.memory_space<vmem>>, vector<16xf32>,
      %scan3A_168 = arith.constant 0 : i32
      scf.yield %scan3A_168 : i32
    }
    %scan3A_106 = arith.constant 40 : i32
    %run_scoped3A_107 = arith.constant 10 : i32
    "tpu.region"() ({
      %run_scoped3A_155 = tpu.sem_alloc : memref<!tpu.dma_semaphore, #tpu.memory_space<semaphore_mem>>
      %dma_start3A = tpu.memref_slice %arg8[%run_scoped3A_107, %mul3A_20] : memref<16x10240xf32, #tpu.memory_space<vmem_shared>> -> memref<1x640xf32, #tpu.memory_space<vmem_shared>>
      %dma_start3A_156 = tpu.memref_squeeze %dma_start3A : memref<1x640xf32, #tpu.memory_space<vmem_shared>> -> memref<640xf32, #tpu.memory_space<vmem_shared>>
      %dma_start3A_157 = tpu.memref_slice %arg8[%run_scoped3A_107, %mul3A_20] : memref<16x10240xf32, #tpu.memory_space<vmem_shared>> -> memref<1x640xf32, #tpu.memory_space<vmem_shared>>
      %dma_start3A_158 = tpu.memref_squeeze %dma_start3A_157 : memref<1x640xf32, #tpu.memory_space<vmem_shared>> -> memref<640xf32, #tpu.memory_space<vmem_shared>>
      tpu.enqueue_dma source(%dma_start3A_158 : memref<640xf32, #tpu.memory_space<vmem_shared>>) target(%arg7 : memref<640xf32, #tpu.memory_space<vmem>>) target_semaphore(%run_scoped3A_155 : memref<!tpu.dma_semaphore, #tpu.memory_space<semaphore_mem>>)
      %dma_wait3A = tpu.memref_slice %arg8[%run_scoped3A_107, %mul3A_20] : memref<16x10240xf32, #tpu.memory_space<vmem_shared>> -> memref<1x640xf32, #tpu.memory_space<vmem_shared>>
      %dma_wait3A_159 = tpu.memref_squeeze %dma_wait3A : memref<1x640xf32, #tpu.memory_space<vmem_shared>> -> memref<640xf32, #tpu.memory_space<vmem_shared>>
      %dma_wait3A_160 = tpu.memref_slice %arg8[%run_scoped3A_107, %mul3A_20] : memref<16x10240xf32, #tpu.memory_space<vmem_shared>> -> memref<1x640xf32, #tpu.memory_space<vmem_shared>>
      %dma_wait3A_161 = tpu.memref_squeeze %dma_wait3A_160 : memref<1x640xf32, #tpu.memory_space<vmem_shared>> -> memref<640xf32, #tpu.memory_space<vmem_shared>>
      tpu.wait_dma2 semaphore(%run_scoped3A_155 : memref<!tpu.dma_semaphore, #tpu.memory_space<semaphore_mem>>) src(%dma_wait3A_161 : memref<640xf32, #tpu.memory_space<vmem_shared>>) dst(%arg7 : memref<640xf32, #tpu.memory_space<vmem>>)
      tpu.yield
    }) : () -> ()
    %scan3A_108 = arith.constant 0 : i32
    %scan3A_109 = arith.constant 0 : i32
    %scan3A_110 = arith.constant 40 : i32
    %scan3A_111 = arith.addi %scan3A_109, %scan3A_110 : i32
    %scan3A_112 = arith.constant 1 : i32
    %scan3A_113 = scf.for %scan3A_155 = %scan3A_109 to %scan3A_111 step %scan3A_112 iter_args(%scan3A_156 = %scan3A_108) -> (i32)  : i32 {
      %mul3A_157 = arith.constant 16 : i32
      %mul3A_158 = arith.muli %scan3A_155, %mul3A_157 : i32
      %get3A = arith.index_cast %mul3A_158 : i32 to index
      %get3A_159 = tpu.vector_load %arg6[%get3A] {strides = array<i32>} : memref<640xf32, #tpu.memory_space<vmem>>, vector<16xf32>,
      %mul3A_160 = arith.constant 16 : i32
      %mul3A_161 = arith.muli %scan3A_155, %mul3A_160 : i32
      %get3A_162 = arith.index_cast %mul3A_161 : i32 to index
      %get3A_163 = tpu.vector_load %arg7[%get3A_162] {strides = array<i32>} : memref<640xf32, #tpu.memory_space<vmem>>, vector<16xf32>,
      %add3A_164 = arith.addf %get3A_159, %get3A_163 : vector<16xf32>
      %mul3A_165 = arith.constant 16 : i32
      %mul3A_166 = arith.muli %scan3A_155, %mul3A_165 : i32
      %swap3A = arith.index_cast %mul3A_166 : i32 to index
      %swap3A_167 = tpu.vector_load %arg6[%swap3A] {strides = array<i32>} : memref<640xf32, #tpu.memory_space<vmem>>, vector<16xf32>,
      tpu.vector_store %arg6[%swap3A], %add3A_164 {strides = array<i32>} : memref<640xf32, #tpu.memory_space<vmem>>, vector<16xf32>,
      %scan3A_168 = arith.constant 0 : i32
      scf.yield %scan3A_168 : i32
    }
    %scan3A_114 = arith.constant 40 : i32
    %run_scoped3A_115 = arith.constant 11 : i32
    "tpu.region"() ({
      %run_scoped3A_155 = tpu.sem_alloc : memref<!tpu.dma_semaphore, #tpu.memory_space<semaphore_mem>>
      %dma_start3A = tpu.memref_slice %arg8[%run_scoped3A_115, %mul3A_20] : memref<16x10240xf32, #tpu.memory_space<vmem_shared>> -> memref<1x640xf32, #tpu.memory_space<vmem_shared>>
      %dma_start3A_156 = tpu.memref_squeeze %dma_start3A : memref<1x640xf32, #tpu.memory_space<vmem_shared>> -> memref<640xf32, #tpu.memory_space<vmem_shared>>
      %dma_start3A_157 = tpu.memref_slice %arg8[%run_scoped3A_115, %mul3A_20] : memref<16x10240xf32, #tpu.memory_space<vmem_shared>> -> memref<1x640xf32, #tpu.memory_space<vmem_shared>>
      %dma_start3A_158 = tpu.memref_squeeze %dma_start3A_157 : memref<1x640xf32, #tpu.memory_space<vmem_shared>> -> memref<640xf32, #tpu.memory_space<vmem_shared>>
      tpu.enqueue_dma source(%dma_start3A_158 : memref<640xf32, #tpu.memory_space<vmem_shared>>) target(%arg7 : memref<640xf32, #tpu.memory_space<vmem>>) target_semaphore(%run_scoped3A_155 : memref<!tpu.dma_semaphore, #tpu.memory_space<semaphore_mem>>)
      %dma_wait3A = tpu.memref_slice %arg8[%run_scoped3A_115, %mul3A_20] : memref<16x10240xf32, #tpu.memory_space<vmem_shared>> -> memref<1x640xf32, #tpu.memory_space<vmem_shared>>
      %dma_wait3A_159 = tpu.memref_squeeze %dma_wait3A : memref<1x640xf32, #tpu.memory_space<vmem_shared>> -> memref<640xf32, #tpu.memory_space<vmem_shared>>
      %dma_wait3A_160 = tpu.memref_slice %arg8[%run_scoped3A_115, %mul3A_20] : memref<16x10240xf32, #tpu.memory_space<vmem_shared>> -> memref<1x640xf32, #tpu.memory_space<vmem_shared>>
      %dma_wait3A_161 = tpu.memref_squeeze %dma_wait3A_160 : memref<1x640xf32, #tpu.memory_space<vmem_shared>> -> memref<640xf32, #tpu.memory_space<vmem_shared>>
      tpu.wait_dma2 semaphore(%run_scoped3A_155 : memref<!tpu.dma_semaphore, #tpu.memory_space<semaphore_mem>>) src(%dma_wait3A_161 : memref<640xf32, #tpu.memory_space<vmem_shared>>) dst(%arg7 : memref<640xf32, #tpu.memory_space<vmem>>)
      tpu.yield
    }) : () -> ()
    %scan3A_116 = arith.constant 0 : i32
    %scan3A_117 = arith.constant 0 : i32
    %scan3A_118 = arith.constant 40 : i32
    %scan3A_119 = arith.addi %scan3A_117, %scan3A_118 : i32
    %scan3A_120 = arith.constant 1 : i32
    %scan3A_121 = scf.for %scan3A_155 = %scan3A_117 to %scan3A_119 step %scan3A_120 iter_args(%scan3A_156 = %scan3A_116) -> (i32)  : i32 {
      %mul3A_157 = arith.constant 16 : i32
      %mul3A_158 = arith.muli %scan3A_155, %mul3A_157 : i32
      %get3A = arith.index_cast %mul3A_158 : i32 to index
      %get3A_159 = tpu.vector_load %arg6[%get3A] {strides = array<i32>} : memref<640xf32, #tpu.memory_space<vmem>>, vector<16xf32>,
      %mul3A_160 = arith.constant 16 : i32
      %mul3A_161 = arith.muli %scan3A_155, %mul3A_160 : i32
      %get3A_162 = arith.index_cast %mul3A_161 : i32 to index
      %get3A_163 = tpu.vector_load %arg7[%get3A_162] {strides = array<i32>} : memref<640xf32, #tpu.memory_space<vmem>>, vector<16xf32>,
      %add3A_164 = arith.addf %get3A_159, %get3A_163 : vector<16xf32>
      %mul3A_165 = arith.constant 16 : i32
      %mul3A_166 = arith.muli %scan3A_155, %mul3A_165 : i32
      %swap3A = arith.index_cast %mul3A_166 : i32 to index
      %swap3A_167 = tpu.vector_load %arg6[%swap3A] {strides = array<i32>} : memref<640xf32, #tpu.memory_space<vmem>>, vector<16xf32>,
      tpu.vector_store %arg6[%swap3A], %add3A_164 {strides = array<i32>} : memref<640xf32, #tpu.memory_space<vmem>>, vector<16xf32>,
      %scan3A_168 = arith.constant 0 : i32
      scf.yield %scan3A_168 : i32
    }
    %scan3A_122 = arith.constant 40 : i32
    %run_scoped3A_123 = arith.constant 12 : i32
    "tpu.region"() ({
      %run_scoped3A_155 = tpu.sem_alloc : memref<!tpu.dma_semaphore, #tpu.memory_space<semaphore_mem>>
      %dma_start3A = tpu.memref_slice %arg8[%run_scoped3A_123, %mul3A_20] : memref<16x10240xf32, #tpu.memory_space<vmem_shared>> -> memref<1x640xf32, #tpu.memory_space<vmem_shared>>
      %dma_start3A_156 = tpu.memref_squeeze %dma_start3A : memref<1x640xf32, #tpu.memory_space<vmem_shared>> -> memref<640xf32, #tpu.memory_space<vmem_shared>>
      %dma_start3A_157 = tpu.memref_slice %arg8[%run_scoped3A_123, %mul3A_20] : memref<16x10240xf32, #tpu.memory_space<vmem_shared>> -> memref<1x640xf32, #tpu.memory_space<vmem_shared>>
      %dma_start3A_158 = tpu.memref_squeeze %dma_start3A_157 : memref<1x640xf32, #tpu.memory_space<vmem_shared>> -> memref<640xf32, #tpu.memory_space<vmem_shared>>
      tpu.enqueue_dma source(%dma_start3A_158 : memref<640xf32, #tpu.memory_space<vmem_shared>>) target(%arg7 : memref<640xf32, #tpu.memory_space<vmem>>) target_semaphore(%run_scoped3A_155 : memref<!tpu.dma_semaphore, #tpu.memory_space<semaphore_mem>>)
      %dma_wait3A = tpu.memref_slice %arg8[%run_scoped3A_123, %mul3A_20] : memref<16x10240xf32, #tpu.memory_space<vmem_shared>> -> memref<1x640xf32, #tpu.memory_space<vmem_shared>>
      %dma_wait3A_159 = tpu.memref_squeeze %dma_wait3A : memref<1x640xf32, #tpu.memory_space<vmem_shared>> -> memref<640xf32, #tpu.memory_space<vmem_shared>>
      %dma_wait3A_160 = tpu.memref_slice %arg8[%run_scoped3A_123, %mul3A_20] : memref<16x10240xf32, #tpu.memory_space<vmem_shared>> -> memref<1x640xf32, #tpu.memory_space<vmem_shared>>
      %dma_wait3A_161 = tpu.memref_squeeze %dma_wait3A_160 : memref<1x640xf32, #tpu.memory_space<vmem_shared>> -> memref<640xf32, #tpu.memory_space<vmem_shared>>
      tpu.wait_dma2 semaphore(%run_scoped3A_155 : memref<!tpu.dma_semaphore, #tpu.memory_space<semaphore_mem>>) src(%dma_wait3A_161 : memref<640xf32, #tpu.memory_space<vmem_shared>>) dst(%arg7 : memref<640xf32, #tpu.memory_space<vmem>>)
      tpu.yield
    }) : () -> ()
    %scan3A_124 = arith.constant 0 : i32
    %scan3A_125 = arith.constant 0 : i32
    %scan3A_126 = arith.constant 40 : i32
    %scan3A_127 = arith.addi %scan3A_125, %scan3A_126 : i32
    %scan3A_128 = arith.constant 1 : i32
    %scan3A_129 = scf.for %scan3A_155 = %scan3A_125 to %scan3A_127 step %scan3A_128 iter_args(%scan3A_156 = %scan3A_124) -> (i32)  : i32 {
      %mul3A_157 = arith.constant 16 : i32
      %mul3A_158 = arith.muli %scan3A_155, %mul3A_157 : i32
      %get3A = arith.index_cast %mul3A_158 : i32 to index
      %get3A_159 = tpu.vector_load %arg6[%get3A] {strides = array<i32>} : memref<640xf32, #tpu.memory_space<vmem>>, vector<16xf32>,
      %mul3A_160 = arith.constant 16 : i32
      %mul3A_161 = arith.muli %scan3A_155, %mul3A_160 : i32
      %get3A_162 = arith.index_cast %mul3A_161 : i32 to index
      %get3A_163 = tpu.vector_load %arg7[%get3A_162] {strides = array<i32>} : memref<640xf32, #tpu.memory_space<vmem>>, vector<16xf32>,
      %add3A_164 = arith.addf %get3A_159, %get3A_163 : vector<16xf32>
      %mul3A_165 = arith.constant 16 : i32
      %mul3A_166 = arith.muli %scan3A_155, %mul3A_165 : i32
      %swap3A = arith.index_cast %mul3A_166 : i32 to index
      %swap3A_167 = tpu.vector_load %arg6[%swap3A] {strides = array<i32>} : memref<640xf32, #tpu.memory_space<vmem>>, vector<16xf32>,
      tpu.vector_store %arg6[%swap3A], %add3A_164 {strides = array<i32>} : memref<640xf32, #tpu.memory_space<vmem>>, vector<16xf32>,
      %scan3A_168 = arith.constant 0 : i32
      scf.yield %scan3A_168 : i32
    }
    %scan3A_130 = arith.constant 40 : i32
    %run_scoped3A_131 = arith.constant 13 : i32
    "tpu.region"() ({
      %run_scoped3A_155 = tpu.sem_alloc : memref<!tpu.dma_semaphore, #tpu.memory_space<semaphore_mem>>
      %dma_start3A = tpu.memref_slice %arg8[%run_scoped3A_131, %mul3A_20] : memref<16x10240xf32, #tpu.memory_space<vmem_shared>> -> memref<1x640xf32, #tpu.memory_space<vmem_shared>>
      %dma_start3A_156 = tpu.memref_squeeze %dma_start3A : memref<1x640xf32, #tpu.memory_space<vmem_shared>> -> memref<640xf32, #tpu.memory_space<vmem_shared>>
      %dma_start3A_157 = tpu.memref_slice %arg8[%run_scoped3A_131, %mul3A_20] : memref<16x10240xf32, #tpu.memory_space<vmem_shared>> -> memref<1x640xf32, #tpu.memory_space<vmem_shared>>
      %dma_start3A_158 = tpu.memref_squeeze %dma_start3A_157 : memref<1x640xf32, #tpu.memory_space<vmem_shared>> -> memref<640xf32, #tpu.memory_space<vmem_shared>>
      tpu.enqueue_dma source(%dma_start3A_158 : memref<640xf32, #tpu.memory_space<vmem_shared>>) target(%arg7 : memref<640xf32, #tpu.memory_space<vmem>>) target_semaphore(%run_scoped3A_155 : memref<!tpu.dma_semaphore, #tpu.memory_space<semaphore_mem>>)
      %dma_wait3A = tpu.memref_slice %arg8[%run_scoped3A_131, %mul3A_20] : memref<16x10240xf32, #tpu.memory_space<vmem_shared>> -> memref<1x640xf32, #tpu.memory_space<vmem_shared>>
      %dma_wait3A_159 = tpu.memref_squeeze %dma_wait3A : memref<1x640xf32, #tpu.memory_space<vmem_shared>> -> memref<640xf32, #tpu.memory_space<vmem_shared>>
      %dma_wait3A_160 = tpu.memref_slice %arg8[%run_scoped3A_131, %mul3A_20] : memref<16x10240xf32, #tpu.memory_space<vmem_shared>> -> memref<1x640xf32, #tpu.memory_space<vmem_shared>>
      %dma_wait3A_161 = tpu.memref_squeeze %dma_wait3A_160 : memref<1x640xf32, #tpu.memory_space<vmem_shared>> -> memref<640xf32, #tpu.memory_space<vmem_shared>>
      tpu.wait_dma2 semaphore(%run_scoped3A_155 : memref<!tpu.dma_semaphore, #tpu.memory_space<semaphore_mem>>) src(%dma_wait3A_161 : memref<640xf32, #tpu.memory_space<vmem_shared>>) dst(%arg7 : memref<640xf32, #tpu.memory_space<vmem>>)
      tpu.yield
    }) : () -> ()
    %scan3A_132 = arith.constant 0 : i32
    %scan3A_133 = arith.constant 0 : i32
    %scan3A_134 = arith.constant 40 : i32
    %scan3A_135 = arith.addi %scan3A_133, %scan3A_134 : i32
    %scan3A_136 = arith.constant 1 : i32
    %scan3A_137 = scf.for %scan3A_155 = %scan3A_133 to %scan3A_135 step %scan3A_136 iter_args(%scan3A_156 = %scan3A_132) -> (i32)  : i32 {
      %mul3A_157 = arith.constant 16 : i32
      %mul3A_158 = arith.muli %scan3A_155, %mul3A_157 : i32
      %get3A = arith.index_cast %mul3A_158 : i32 to index
      %get3A_159 = tpu.vector_load %arg6[%get3A] {strides = array<i32>} : memref<640xf32, #tpu.memory_space<vmem>>, vector<16xf32>,
      %mul3A_160 = arith.constant 16 : i32
      %mul3A_161 = arith.muli %scan3A_155, %mul3A_160 : i32
      %get3A_162 = arith.index_cast %mul3A_161 : i32 to index
      %get3A_163 = tpu.vector_load %arg7[%get3A_162] {strides = array<i32>} : memref<640xf32, #tpu.memory_space<vmem>>, vector<16xf32>,
      %add3A_164 = arith.addf %get3A_159, %get3A_163 : vector<16xf32>
      %mul3A_165 = arith.constant 16 : i32
      %mul3A_166 = arith.muli %scan3A_155, %mul3A_165 : i32
      %swap3A = arith.index_cast %mul3A_166 : i32 to index
      %swap3A_167 = tpu.vector_load %arg6[%swap3A] {strides = array<i32>} : memref<640xf32, #tpu.memory_space<vmem>>, vector<16xf32>,
      tpu.vector_store %arg6[%swap3A], %add3A_164 {strides = array<i32>} : memref<640xf32, #tpu.memory_space<vmem>>, vector<16xf32>,
      %scan3A_168 = arith.constant 0 : i32
      scf.yield %scan3A_168 : i32
    }
    %scan3A_138 = arith.constant 40 : i32
    %run_scoped3A_139 = arith.constant 14 : i32
    "tpu.region"() ({
      %run_scoped3A_155 = tpu.sem_alloc : memref<!tpu.dma_semaphore, #tpu.memory_space<semaphore_mem>>
      %dma_start3A = tpu.memref_slice %arg8[%run_scoped3A_139, %mul3A_20] : memref<16x10240xf32, #tpu.memory_space<vmem_shared>> -> memref<1x640xf32, #tpu.memory_space<vmem_shared>>
      %dma_start3A_156 = tpu.memref_squeeze %dma_start3A : memref<1x640xf32, #tpu.memory_space<vmem_shared>> -> memref<640xf32, #tpu.memory_space<vmem_shared>>
      %dma_start3A_157 = tpu.memref_slice %arg8[%run_scoped3A_139, %mul3A_20] : memref<16x10240xf32, #tpu.memory_space<vmem_shared>> -> memref<1x640xf32, #tpu.memory_space<vmem_shared>>
      %dma_start3A_158 = tpu.memref_squeeze %dma_start3A_157 : memref<1x640xf32, #tpu.memory_space<vmem_shared>> -> memref<640xf32, #tpu.memory_space<vmem_shared>>
      tpu.enqueue_dma source(%dma_start3A_158 : memref<640xf32, #tpu.memory_space<vmem_shared>>) target(%arg7 : memref<640xf32, #tpu.memory_space<vmem>>) target_semaphore(%run_scoped3A_155 : memref<!tpu.dma_semaphore, #tpu.memory_space<semaphore_mem>>)
      %dma_wait3A = tpu.memref_slice %arg8[%run_scoped3A_139, %mul3A_20] : memref<16x10240xf32, #tpu.memory_space<vmem_shared>> -> memref<1x640xf32, #tpu.memory_space<vmem_shared>>
      %dma_wait3A_159 = tpu.memref_squeeze %dma_wait3A : memref<1x640xf32, #tpu.memory_space<vmem_shared>> -> memref<640xf32, #tpu.memory_space<vmem_shared>>
      %dma_wait3A_160 = tpu.memref_slice %arg8[%run_scoped3A_139, %mul3A_20] : memref<16x10240xf32, #tpu.memory_space<vmem_shared>> -> memref<1x640xf32, #tpu.memory_space<vmem_shared>>
      %dma_wait3A_161 = tpu.memref_squeeze %dma_wait3A_160 : memref<1x640xf32, #tpu.memory_space<vmem_shared>> -> memref<640xf32, #tpu.memory_space<vmem_shared>>
      tpu.wait_dma2 semaphore(%run_scoped3A_155 : memref<!tpu.dma_semaphore, #tpu.memory_space<semaphore_mem>>) src(%dma_wait3A_161 : memref<640xf32, #tpu.memory_space<vmem_shared>>) dst(%arg7 : memref<640xf32, #tpu.memory_space<vmem>>)
      tpu.yield
    }) : () -> ()
    %scan3A_140 = arith.constant 0 : i32
    %scan3A_141 = arith.constant 0 : i32
    %scan3A_142 = arith.constant 40 : i32
    %scan3A_143 = arith.addi %scan3A_141, %scan3A_142 : i32
    %scan3A_144 = arith.constant 1 : i32
    %scan3A_145 = scf.for %scan3A_155 = %scan3A_141 to %scan3A_143 step %scan3A_144 iter_args(%scan3A_156 = %scan3A_140) -> (i32)  : i32 {
      %mul3A_157 = arith.constant 16 : i32
      %mul3A_158 = arith.muli %scan3A_155, %mul3A_157 : i32
      %get3A = arith.index_cast %mul3A_158 : i32 to index
      %get3A_159 = tpu.vector_load %arg6[%get3A] {strides = array<i32>} : memref<640xf32, #tpu.memory_space<vmem>>, vector<16xf32>,
      %mul3A_160 = arith.constant 16 : i32
      %mul3A_161 = arith.muli %scan3A_155, %mul3A_160 : i32
      %get3A_162 = arith.index_cast %mul3A_161 : i32 to index
      %get3A_163 = tpu.vector_load %arg7[%get3A_162] {strides = array<i32>} : memref<640xf32, #tpu.memory_space<vmem>>, vector<16xf32>,
      %add3A_164 = arith.addf %get3A_159, %get3A_163 : vector<16xf32>
      %mul3A_165 = arith.constant 16 : i32
      %mul3A_166 = arith.muli %scan3A_155, %mul3A_165 : i32
      %swap3A = arith.index_cast %mul3A_166 : i32 to index
      %swap3A_167 = tpu.vector_load %arg6[%swap3A] {strides = array<i32>} : memref<640xf32, #tpu.memory_space<vmem>>, vector<16xf32>,
      tpu.vector_store %arg6[%swap3A], %add3A_164 {strides = array<i32>} : memref<640xf32, #tpu.memory_space<vmem>>, vector<16xf32>,
      %scan3A_168 = arith.constant 0 : i32
      scf.yield %scan3A_168 : i32
    }
    %scan3A_146 = arith.constant 40 : i32
    %run_scoped3A_147 = arith.constant 15 : i32
    "tpu.region"() ({
      %run_scoped3A_155 = tpu.sem_alloc : memref<!tpu.dma_semaphore, #tpu.memory_space<semaphore_mem>>
      %dma_start3A = tpu.memref_slice %arg8[%run_scoped3A_147, %mul3A_20] : memref<16x10240xf32, #tpu.memory_space<vmem_shared>> -> memref<1x640xf32, #tpu.memory_space<vmem_shared>>
      %dma_start3A_156 = tpu.memref_squeeze %dma_start3A : memref<1x640xf32, #tpu.memory_space<vmem_shared>> -> memref<640xf32, #tpu.memory_space<vmem_shared>>
      %dma_start3A_157 = tpu.memref_slice %arg8[%run_scoped3A_147, %mul3A_20] : memref<16x10240xf32, #tpu.memory_space<vmem_shared>> -> memref<1x640xf32, #tpu.memory_space<vmem_shared>>
      %dma_start3A_158 = tpu.memref_squeeze %dma_start3A_157 : memref<1x640xf32, #tpu.memory_space<vmem_shared>> -> memref<640xf32, #tpu.memory_space<vmem_shared>>
      tpu.enqueue_dma source(%dma_start3A_158 : memref<640xf32, #tpu.memory_space<vmem_shared>>) target(%arg7 : memref<640xf32, #tpu.memory_space<vmem>>) target_semaphore(%run_scoped3A_155 : memref<!tpu.dma_semaphore, #tpu.memory_space<semaphore_mem>>)
      %dma_wait3A = tpu.memref_slice %arg8[%run_scoped3A_147, %mul3A_20] : memref<16x10240xf32, #tpu.memory_space<vmem_shared>> -> memref<1x640xf32, #tpu.memory_space<vmem_shared>>
      %dma_wait3A_159 = tpu.memref_squeeze %dma_wait3A : memref<1x640xf32, #tpu.memory_space<vmem_shared>> -> memref<640xf32, #tpu.memory_space<vmem_shared>>
      %dma_wait3A_160 = tpu.memref_slice %arg8[%run_scoped3A_147, %mul3A_20] : memref<16x10240xf32, #tpu.memory_space<vmem_shared>> -> memref<1x640xf32, #tpu.memory_space<vmem_shared>>
      %dma_wait3A_161 = tpu.memref_squeeze %dma_wait3A_160 : memref<1x640xf32, #tpu.memory_space<vmem_shared>> -> memref<640xf32, #tpu.memory_space<vmem_shared>>
      tpu.wait_dma2 semaphore(%run_scoped3A_155 : memref<!tpu.dma_semaphore, #tpu.memory_space<semaphore_mem>>) src(%dma_wait3A_161 : memref<640xf32, #tpu.memory_space<vmem_shared>>) dst(%arg7 : memref<640xf32, #tpu.memory_space<vmem>>)
      tpu.yield
    }) : () -> ()
    %scan3A_148 = arith.constant 0 : i32
    %scan3A_149 = arith.constant 0 : i32
    %scan3A_150 = arith.constant 40 : i32
    %scan3A_151 = arith.addi %scan3A_149, %scan3A_150 : i32
    %scan3A_152 = arith.constant 1 : i32
    %scan3A_153 = scf.for %scan3A_155 = %scan3A_149 to %scan3A_151 step %scan3A_152 iter_args(%scan3A_156 = %scan3A_148) -> (i32)  : i32 {
      %mul3A_157 = arith.constant 16 : i32
      %mul3A_158 = arith.muli %scan3A_155, %mul3A_157 : i32
      %get3A = arith.index_cast %mul3A_158 : i32 to index
      %get3A_159 = tpu.vector_load %arg6[%get3A] {strides = array<i32>} : memref<640xf32, #tpu.memory_space<vmem>>, vector<16xf32>,
      %mul3A_160 = arith.constant 16 : i32
      %mul3A_161 = arith.muli %scan3A_155, %mul3A_160 : i32
      %get3A_162 = arith.index_cast %mul3A_161 : i32 to index
      %get3A_163 = tpu.vector_load %arg7[%get3A_162] {strides = array<i32>} : memref<640xf32, #tpu.memory_space<vmem>>, vector<16xf32>,
      %add3A_164 = arith.addf %get3A_159, %get3A_163 : vector<16xf32>
      %mul3A_165 = arith.constant 16 : i32
      %mul3A_166 = arith.muli %scan3A_155, %mul3A_165 : i32
      %swap3A = arith.index_cast %mul3A_166 : i32 to index
      %swap3A_167 = tpu.vector_load %arg6[%swap3A] {strides = array<i32>} : memref<640xf32, #tpu.memory_space<vmem>>, vector<16xf32>,
      tpu.vector_store %arg6[%swap3A], %add3A_164 {strides = array<i32>} : memref<640xf32, #tpu.memory_space<vmem>>, vector<16xf32>,
      %scan3A_168 = arith.constant 0 : i32
      scf.yield %scan3A_168 : i32
    }
    %scan3A_154 = arith.constant 40 : i32
    "tpu.region"() ({
      %run_scoped3A_155 = tpu.sem_alloc : memref<!tpu.dma_semaphore, #tpu.memory_space<semaphore_mem>>
      %dma_start3A = tpu.memref_slice %arg3[%arg0, %mul3A_20] : memref<2x10240xf32, #tpu.memory_space<hbm>> -> memref<1x640xf32, #tpu.memory_space<hbm>>
      %dma_start3A_156 = tpu.memref_squeeze %dma_start3A : memref<1x640xf32, #tpu.memory_space<hbm>> -> memref<640xf32, #tpu.memory_space<hbm>>
      %dma_start3A_157 = tpu.memref_slice %arg3[%arg0, %mul3A_20] : memref<2x10240xf32, #tpu.memory_space<hbm>> -> memref<1x640xf32, #tpu.memory_space<hbm>>
      %dma_start3A_158 = tpu.memref_squeeze %dma_start3A_157 : memref<1x640xf32, #tpu.memory_space<hbm>> -> memref<640xf32, #tpu.memory_space<hbm>>
      tpu.enqueue_dma source(%arg6 : memref<640xf32, #tpu.memory_space<vmem>>) target(%dma_start3A_158 : memref<640xf32, #tpu.memory_space<hbm>>) target_semaphore(%run_scoped3A_155 : memref<!tpu.dma_semaphore, #tpu.memory_space<semaphore_mem>>)
      %dma_wait3A = tpu.memref_slice %arg3[%arg0, %mul3A_20] : memref<2x10240xf32, #tpu.memory_space<hbm>> -> memref<1x640xf32, #tpu.memory_space<hbm>>
      %dma_wait3A_159 = tpu.memref_squeeze %dma_wait3A : memref<1x640xf32, #tpu.memory_space<hbm>> -> memref<640xf32, #tpu.memory_space<hbm>>
      %dma_wait3A_160 = tpu.memref_slice %arg3[%arg0, %mul3A_20] : memref<2x10240xf32, #tpu.memory_space<hbm>> -> memref<1x640xf32, #tpu.memory_space<hbm>>
      %dma_wait3A_161 = tpu.memref_squeeze %dma_wait3A_160 : memref<1x640xf32, #tpu.memory_space<hbm>> -> memref<640xf32, #tpu.memory_space<hbm>>
      tpu.wait_dma2 semaphore(%run_scoped3A_155 : memref<!tpu.dma_semaphore, #tpu.memory_space<semaphore_mem>>) src(%arg6 : memref<640xf32, #tpu.memory_space<vmem>>) dst(%dma_wait3A_161 : memref<640xf32, #tpu.memory_space<hbm>>)
      tpu.yield
    }) : () -> ()
    return
  }
}

#map = affine_map<(d0, d1) -> (0, 0)>
#map1 = affine_map<(d0, d1) -> (0, 0, 0)>
module attributes {stable_mosaic.version = 14 : i64} {
  func.func @_agg_body(%arg0: i32, %arg1: i32, %arg2: memref<20480x128xf32, #tpu.memory_space<hbm>>, %arg3: memref<2x2560x128xi32, #tpu.memory_space<hbm>>, %arg4: memref<2560x128xi32, #tpu.memory_space<hbm>>, %arg5: memref<2x10240x128xf32, #tpu.memory_space<hbm>>, %arg6: memref<10240x128xf32, #tpu.memory_space<vmem_shared>>, %arg7: memref<32x128xi32, #tpu.memory_space<vmem>>, %arg8: memref<32x128xi32, #tpu.memory_space<vmem>>, %arg9: memref<256x128xf32, #tpu.memory_space<vmem>>, %arg10: memref<!tpu.dma_semaphore, #tpu.memory_space<semaphore_mem>>, %arg11: memref<!tpu.dma_semaphore, #tpu.memory_space<semaphore_mem>>, %arg12: memref<!tpu.dma_semaphore, #tpu.memory_space<semaphore_mem>>) attributes {dimension_semantics = [#tpu.dimension_semantics<core_parallel>, #tpu.dimension_semantics<subcore_parallel>], iteration_bounds = array<i64: 2, 16>, scalar_prefetch = 0 : i64, scratch_operands = 7 : i64, tpu.core_type = #tpu.core_type<sc_vector_subcore>, window_params = [{transform_indices = #map}, {transform_indices = #map1}, {transform_indices = #map}, {transform_indices = #map1}]} {
    %mul3A = arith.constant 640 : i32
    %mul3A_0 = arith.muli %arg1, %mul3A : i32
    %mul3A_1 = arith.constant 160 : i32
    %mul3A_2 = arith.muli %arg1, %mul3A_1 : i32
    %mul3A_3 = arith.constant 10240 : i32
    %mul3A_4 = arith.muli %arg0, %mul3A_3 : i32
    %add3A = arith.addi %mul3A_4, %mul3A_0 : i32
    %dma_start3A = arith.constant 0 : i32
    %dma_start3A_5 = tpu.memref_slice %arg6[%mul3A_0, %dma_start3A] : memref<10240x128xf32, #tpu.memory_space<vmem_shared>> -> memref<640x128xf32, #tpu.memory_space<vmem_shared>>
    %dma_start3A_6 = arith.constant 0 : i32
    %dma_start3A_7 = tpu.memref_slice %arg2[%add3A, %dma_start3A_6] : memref<20480x128xf32, #tpu.memory_space<hbm>> -> memref<640x128xf32, #tpu.memory_space<hbm>>
    tpu.enqueue_dma source(%dma_start3A_7 : memref<640x128xf32, #tpu.memory_space<hbm>>) target(%dma_start3A_5 : memref<640x128xf32, #tpu.memory_space<vmem_shared>>) target_semaphore(%arg12 : memref<!tpu.dma_semaphore, #tpu.memory_space<semaphore_mem>>)
    %rem3A = arith.constant 0 : i32
    %rem3A_8 = arith.constant 2 : i32
    %rem3A_9 = arith.remsi %rem3A, %rem3A_8 : i32
    %mul3A_10 = arith.constant 16 : i32
    %mul3A_11 = arith.muli %rem3A_9, %mul3A_10 : i32
    %add3A_12 = arith.constant 0 : i32
    %add3A_13 = arith.addi %mul3A_2, %add3A_12 : i32
    "tpu.region"() ({
      %run_scoped3A = tpu.sem_alloc : memref<!tpu.dma_semaphore, #tpu.memory_space<semaphore_mem>>
      %dma_start3A_70 = arith.constant 0 : i32
      %dma_start3A_71 = tpu.memref_slice %arg7[%mul3A_11, %dma_start3A_70] : memref<32x128xi32, #tpu.memory_space<vmem>> -> memref<16x128xi32, #tpu.memory_space<vmem>>
      %dma_start3A_72 = arith.constant 0 : i32
      %dma_start3A_73 = tpu.memref_slice %arg3[%arg0, %add3A_13, %dma_start3A_72] : memref<2x2560x128xi32, #tpu.memory_space<hbm>> -> memref<1x16x128xi32, #tpu.memory_space<hbm>>
      %dma_start3A_74 = tpu.memref_squeeze %dma_start3A_73 : memref<1x16x128xi32, #tpu.memory_space<hbm>> -> memref<16x128xi32, #tpu.memory_space<hbm>>
      %dma_start3A_75 = arith.constant 0 : i32
      %dma_start3A_76 = tpu.memref_slice %arg7[%mul3A_11, %dma_start3A_75] : memref<32x128xi32, #tpu.memory_space<vmem>> -> memref<16x128xi32, #tpu.memory_space<vmem>>
      %dma_start3A_77 = arith.constant 0 : i32
      %dma_start3A_78 = tpu.memref_slice %arg3[%arg0, %add3A_13, %dma_start3A_77] : memref<2x2560x128xi32, #tpu.memory_space<hbm>> -> memref<1x16x128xi32, #tpu.memory_space<hbm>>
      %dma_start3A_79 = tpu.memref_squeeze %dma_start3A_78 : memref<1x16x128xi32, #tpu.memory_space<hbm>> -> memref<16x128xi32, #tpu.memory_space<hbm>>
      tpu.enqueue_dma source(%dma_start3A_79 : memref<16x128xi32, #tpu.memory_space<hbm>>) target(%dma_start3A_76 : memref<16x128xi32, #tpu.memory_space<vmem>>) target_semaphore(%run_scoped3A : memref<!tpu.dma_semaphore, #tpu.memory_space<semaphore_mem>>)
      %dma_wait3A_80 = arith.constant 0 : i32
      %dma_wait3A_81 = tpu.memref_slice %arg7[%mul3A_11, %dma_wait3A_80] : memref<32x128xi32, #tpu.memory_space<vmem>> -> memref<16x128xi32, #tpu.memory_space<vmem>>
      %dma_wait3A_82 = arith.constant 0 : i32
      %dma_wait3A_83 = tpu.memref_slice %arg3[%arg0, %add3A_13, %dma_wait3A_82] : memref<2x2560x128xi32, #tpu.memory_space<hbm>> -> memref<1x16x128xi32, #tpu.memory_space<hbm>>
      %dma_wait3A_84 = tpu.memref_squeeze %dma_wait3A_83 : memref<1x16x128xi32, #tpu.memory_space<hbm>> -> memref<16x128xi32, #tpu.memory_space<hbm>>
      %dma_wait3A_85 = arith.constant 0 : i32
      %dma_wait3A_86 = tpu.memref_slice %arg7[%mul3A_11, %dma_wait3A_85] : memref<32x128xi32, #tpu.memory_space<vmem>> -> memref<16x128xi32, #tpu.memory_space<vmem>>
      %dma_wait3A_87 = arith.constant 0 : i32
      %dma_wait3A_88 = tpu.memref_slice %arg3[%arg0, %add3A_13, %dma_wait3A_87] : memref<2x2560x128xi32, #tpu.memory_space<hbm>> -> memref<1x16x128xi32, #tpu.memory_space<hbm>>
      %dma_wait3A_89 = tpu.memref_squeeze %dma_wait3A_88 : memref<1x16x128xi32, #tpu.memory_space<hbm>> -> memref<16x128xi32, #tpu.memory_space<hbm>>
      tpu.wait_dma2 semaphore(%run_scoped3A : memref<!tpu.dma_semaphore, #tpu.memory_space<semaphore_mem>>) src(%dma_wait3A_89 : memref<16x128xi32, #tpu.memory_space<hbm>>) dst(%dma_wait3A_86 : memref<16x128xi32, #tpu.memory_space<vmem>>)
      tpu.yield
    }) : () -> ()
    %add3A_14 = arith.constant 0 : i32
    %add3A_15 = arith.addi %mul3A_2, %add3A_14 : i32
    "tpu.region"() ({
      %run_scoped3A = tpu.sem_alloc : memref<!tpu.dma_semaphore, #tpu.memory_space<semaphore_mem>>
      %dma_start3A_70 = arith.constant 0 : i32
      %dma_start3A_71 = tpu.memref_slice %arg8[%mul3A_11, %dma_start3A_70] : memref<32x128xi32, #tpu.memory_space<vmem>> -> memref<16x128xi32, #tpu.memory_space<vmem>>
      %dma_start3A_72 = arith.constant 0 : i32
      %dma_start3A_73 = tpu.memref_slice %arg4[%add3A_15, %dma_start3A_72] : memref<2560x128xi32, #tpu.memory_space<hbm>> -> memref<16x128xi32, #tpu.memory_space<hbm>>
      %dma_start3A_74 = arith.constant 0 : i32
      %dma_start3A_75 = tpu.memref_slice %arg8[%mul3A_11, %dma_start3A_74] : memref<32x128xi32, #tpu.memory_space<vmem>> -> memref<16x128xi32, #tpu.memory_space<vmem>>
      %dma_start3A_76 = arith.constant 0 : i32
      %dma_start3A_77 = tpu.memref_slice %arg4[%add3A_15, %dma_start3A_76] : memref<2560x128xi32, #tpu.memory_space<hbm>> -> memref<16x128xi32, #tpu.memory_space<hbm>>
      tpu.enqueue_dma source(%dma_start3A_77 : memref<16x128xi32, #tpu.memory_space<hbm>>) target(%dma_start3A_75 : memref<16x128xi32, #tpu.memory_space<vmem>>) target_semaphore(%run_scoped3A : memref<!tpu.dma_semaphore, #tpu.memory_space<semaphore_mem>>)
      %dma_wait3A_78 = arith.constant 0 : i32
      %dma_wait3A_79 = tpu.memref_slice %arg8[%mul3A_11, %dma_wait3A_78] : memref<32x128xi32, #tpu.memory_space<vmem>> -> memref<16x128xi32, #tpu.memory_space<vmem>>
      %dma_wait3A_80 = arith.constant 0 : i32
      %dma_wait3A_81 = tpu.memref_slice %arg4[%add3A_15, %dma_wait3A_80] : memref<2560x128xi32, #tpu.memory_space<hbm>> -> memref<16x128xi32, #tpu.memory_space<hbm>>
      %dma_wait3A_82 = arith.constant 0 : i32
      %dma_wait3A_83 = tpu.memref_slice %arg8[%mul3A_11, %dma_wait3A_82] : memref<32x128xi32, #tpu.memory_space<vmem>> -> memref<16x128xi32, #tpu.memory_space<vmem>>
      %dma_wait3A_84 = arith.constant 0 : i32
      %dma_wait3A_85 = tpu.memref_slice %arg4[%add3A_15, %dma_wait3A_84] : memref<2560x128xi32, #tpu.memory_space<hbm>> -> memref<16x128xi32, #tpu.memory_space<hbm>>
      tpu.wait_dma2 semaphore(%run_scoped3A : memref<!tpu.dma_semaphore, #tpu.memory_space<semaphore_mem>>) src(%dma_wait3A_85 : memref<16x128xi32, #tpu.memory_space<hbm>>) dst(%dma_wait3A_83 : memref<16x128xi32, #tpu.memory_space<vmem>>)
      tpu.yield
    }) : () -> ()
    %rem3A_16 = arith.constant 0 : i32
    %rem3A_17 = arith.constant 2 : i32
    %rem3A_18 = arith.remsi %rem3A_16, %rem3A_17 : i32
    %mul3A_19 = arith.constant 128 : i32
    %mul3A_20 = arith.muli %rem3A_18, %mul3A_19 : i32
    %rem3A_21 = arith.constant 0 : i32
    %rem3A_22 = arith.constant 2 : i32
    %rem3A_23 = arith.remsi %rem3A_21, %rem3A_22 : i32
    %mul3A_24 = arith.constant 16 : i32
    %mul3A_25 = arith.muli %rem3A_23, %mul3A_24 : i32
    %rem3A_26 = arith.constant 0 : i32
    %rem3A_27 = arith.constant 16 : i32
    %rem3A_28 = arith.remsi %rem3A_26, %rem3A_27 : i32
    %add3A_29 = arith.addi %mul3A_25, %rem3A_28 : i32
    %dma_start3A_30 = arith.constant 0 : i32
    %dma_start3A_31 = tpu.memref_slice %arg9[%mul3A_20, %dma_start3A_30] : memref<256x128xf32, #tpu.memory_space<vmem>> -> memref<128x128xf32, #tpu.memory_space<vmem>>
    %dma_start3A_32 = arith.constant 0 : i32
    %dma_start3A_33 = tpu.memref_slice %arg7[%add3A_29, %dma_start3A_32] : memref<32x128xi32, #tpu.memory_space<vmem>> -> memref<1x128xi32, #tpu.memory_space<vmem>>
    %dma_start3A_34 = tpu.memref_squeeze %dma_start3A_33 : memref<1x128xi32, #tpu.memory_space<vmem>> -> memref<128xi32, #tpu.memory_space<vmem>>
    %dma_start3A_35 = arith.constant 0 : i32
    %dma_start3A_36 = arith.constant 0 : i32
    %dma_start3A_37 = tpu.memref_slice %arg2[%dma_start3A_35, %dma_start3A_36] : memref<20480x128xf32, #tpu.memory_space<hbm>> -> memref<20480x128xf32, #tpu.memory_space<hbm>>
    tpu.enqueue_indirect_dma source(%dma_start3A_37 : memref<20480x128xf32, #tpu.memory_space<hbm>>) target(%dma_start3A_31 : memref<128x128xf32, #tpu.memory_space<vmem>>) offsets(%dma_start3A_34 : memref<128xi32, #tpu.memory_space<vmem>>) semaphore(%arg10 : memref<!tpu.dma_semaphore, #tpu.memory_space<semaphore_mem>>)
    %rem3A_38 = arith.constant 1 : i32
    %rem3A_39 = arith.constant 2 : i32
    %rem3A_40 = arith.remsi %rem3A_38, %rem3A_39 : i32
    %mul3A_41 = arith.constant 128 : i32
    %mul3A_42 = arith.muli %rem3A_40, %mul3A_41 : i32
    %rem3A_43 = arith.constant 0 : i32
    %rem3A_44 = arith.constant 2 : i32
    %rem3A_45 = arith.remsi %rem3A_43, %rem3A_44 : i32
    %mul3A_46 = arith.constant 16 : i32
    %mul3A_47 = arith.muli %rem3A_45, %mul3A_46 : i32
    %rem3A_48 = arith.constant 1 : i32
    %rem3A_49 = arith.constant 16 : i32
    %rem3A_50 = arith.remsi %rem3A_48, %rem3A_49 : i32
    %add3A_51 = arith.addi %mul3A_47, %rem3A_50 : i32
    %dma_start3A_52 = arith.constant 0 : i32
    %dma_start3A_53 = tpu.memref_slice %arg9[%mul3A_42, %dma_start3A_52] : memref<256x128xf32, #tpu.memory_space<vmem>> -> memref<128x128xf32, #tpu.memory_space<vmem>>
    %dma_start3A_54 = arith.constant 0 : i32
    %dma_start3A_55 = tpu.memref_slice %arg7[%add3A_51, %dma_start3A_54] : memref<32x128xi32, #tpu.memory_space<vmem>> -> memref<1x128xi32, #tpu.memory_space<vmem>>
    %dma_start3A_56 = tpu.memref_squeeze %dma_start3A_55 : memref<1x128xi32, #tpu.memory_space<vmem>> -> memref<128xi32, #tpu.memory_space<vmem>>
    %dma_start3A_57 = arith.constant 0 : i32
    %dma_start3A_58 = arith.constant 0 : i32
    %dma_start3A_59 = tpu.memref_slice %arg2[%dma_start3A_57, %dma_start3A_58] : memref<20480x128xf32, #tpu.memory_space<hbm>> -> memref<20480x128xf32, #tpu.memory_space<hbm>>
    tpu.enqueue_indirect_dma source(%dma_start3A_59 : memref<20480x128xf32, #tpu.memory_space<hbm>>) target(%dma_start3A_53 : memref<128x128xf32, #tpu.memory_space<vmem>>) offsets(%dma_start3A_56 : memref<128xi32, #tpu.memory_space<vmem>>) semaphore(%arg10 : memref<!tpu.dma_semaphore, #tpu.memory_space<semaphore_mem>>)
    %dma_wait3A = arith.constant 0 : i32
    %dma_wait3A_60 = tpu.memref_slice %arg6[%mul3A_0, %dma_wait3A] : memref<10240x128xf32, #tpu.memory_space<vmem_shared>> -> memref<640x128xf32, #tpu.memory_space<vmem_shared>>
    %dma_wait3A_61 = arith.constant 0 : i32
    %dma_wait3A_62 = tpu.memref_slice %arg2[%add3A, %dma_wait3A_61] : memref<20480x128xf32, #tpu.memory_space<hbm>> -> memref<640x128xf32, #tpu.memory_space<hbm>>
    tpu.wait_dma2 semaphore(%arg12 : memref<!tpu.dma_semaphore, #tpu.memory_space<semaphore_mem>>) src(%dma_wait3A_62 : memref<640x128xf32, #tpu.memory_space<hbm>>) dst(%dma_wait3A_60 : memref<640x128xf32, #tpu.memory_space<vmem_shared>>)
    %barrier3A = arith.constant 0 : index
    tpu.barrier barrier_id(%barrier3A)
    %scan3A = arith.constant 0 : i32
    %scan3A_63 = arith.constant 0 : i32
    %scan3A_64 = arith.constant 160 : i32
    %scan3A_65 = arith.addi %scan3A_63, %scan3A_64 : i32
    %scan3A_66 = arith.constant 1 : i32
    %scan3A_67 = scf.for %scan3A_70 = %scan3A_63 to %scan3A_65 step %scan3A_66 iter_args(%scan3A_71 = %scan3A) -> (i32)  : i32 {
      %rem3A_72 = arith.constant 2 : i32
      %rem3A_73 = arith.remsi %scan3A_70, %rem3A_72 : i32
      %mul3A_74 = arith.constant 128 : i32
      %mul3A_75 = arith.muli %rem3A_73, %mul3A_74 : i32
      %jit3A = arith.constant 16 : i32
      %div3A = arith.divsi %scan3A_70, %jit3A : i32
      %sign3A = arith.constant 0 : i32
      %sign3A_76 = arith.cmpi sgt, %scan3A_70, %sign3A : i32
      %sign3A_77 = arith.extui %sign3A_76 : i1 to i32
      %sign3A_78 = arith.constant 0 : i32
      %sign3A_79 = arith.cmpi slt, %scan3A_70, %sign3A_78 : i32
      %sign3A_80 = arith.extui %sign3A_79 : i1 to i32
      %sign3A_81 = arith.subi %sign3A_77, %sign3A_80 : i32
      %sign3A_82 = arith.constant 0 : i32
      %sign3A_83 = arith.cmpi sgt, %jit3A, %sign3A_82 : i32
      %sign3A_84 = arith.extui %sign3A_83 : i1 to i32
      %sign3A_85 = arith.constant 0 : i32
      %sign3A_86 = arith.cmpi slt, %jit3A, %sign3A_85 : i32
      %sign3A_87 = arith.extui %sign3A_86 : i1 to i32
      %sign3A_88 = arith.subi %sign3A_84, %sign3A_87 : i32
      %ne3A = arith.cmpi ne, %sign3A_81, %sign3A_88 : i32
      %rem3A_89 = arith.remsi %scan3A_70, %jit3A : i32
      %ne3A_90 = arith.constant 0 : i32
      %ne3A_91 = arith.cmpi ne, %rem3A_89, %ne3A_90 : i32
      %and3A = arith.andi %ne3A, %ne3A_91 : i1
      %sub3A = arith.constant 1 : i32
      %sub3A_92 = arith.subi %div3A, %sub3A : i32
      %select_n3A = arith.select %and3A, %sub3A_92, %div3A : i32
      %rem3A_93 = arith.constant 2 : i32
      %rem3A_94 = arith.remsi %select_n3A, %rem3A_93 : i32
      %mul3A_95 = arith.constant 16 : i32
      %mul3A_96 = arith.muli %rem3A_94, %mul3A_95 : i32
      %rem3A_97 = arith.constant 16 : i32
      %rem3A_98 = arith.remsi %scan3A_70, %rem3A_97 : i32
      %add3A_99 = arith.addi %mul3A_96, %rem3A_98 : i32
      %dma_wait3A_100 = arith.constant 0 : i32
      %dma_wait3A_101 = tpu.memref_slice %arg9[%mul3A_75, %dma_wait3A_100] : memref<256x128xf32, #tpu.memory_space<vmem>> -> memref<128x128xf32, #tpu.memory_space<vmem>>
      %dma_wait3A_102 = arith.constant 0 : i32
      %dma_wait3A_103 = tpu.memref_slice %arg7[%add3A_99, %dma_wait3A_102] : memref<32x128xi32, #tpu.memory_space<vmem>> -> memref<1x128xi32, #tpu.memory_space<vmem>>
      %dma_wait3A_104 = tpu.memref_squeeze %dma_wait3A_103 : memref<1x128xi32, #tpu.memory_space<vmem>> -> memref<128xi32, #tpu.memory_space<vmem>>
      %dma_wait3A_105 = arith.constant 0 : i32
      %dma_wait3A_106 = arith.constant 0 : i32
      %dma_wait3A_107 = tpu.memref_slice %arg2[%dma_wait3A_105, %dma_wait3A_106] : memref<20480x128xf32, #tpu.memory_space<hbm>> -> memref<20480x128xf32, #tpu.memory_space<hbm>>
      tpu.wait_indirect_dma semaphore(%arg10 : memref<!tpu.dma_semaphore, #tpu.memory_space<semaphore_mem>>) src(%dma_wait3A_107 : memref<20480x128xf32, #tpu.memory_space<hbm>>) dst(%dma_wait3A_101 : memref<128x128xf32, #tpu.memory_space<vmem>>)
      %rem3A_108 = arith.constant 2 : i32
      %rem3A_109 = arith.remsi %scan3A_70, %rem3A_108 : i32
      %mul3A_110 = arith.constant 128 : i32
      %mul3A_111 = arith.muli %rem3A_109, %mul3A_110 : i32
      %jit3A_112 = arith.constant 16 : i32
      %div3A_113 = arith.divsi %scan3A_70, %jit3A_112 : i32
      %sign3A_114 = arith.constant 0 : i32
      %sign3A_115 = arith.cmpi sgt, %scan3A_70, %sign3A_114 : i32
      %sign3A_116 = arith.extui %sign3A_115 : i1 to i32
      %sign3A_117 = arith.constant 0 : i32
      %sign3A_118 = arith.cmpi slt, %scan3A_70, %sign3A_117 : i32
      %sign3A_119 = arith.extui %sign3A_118 : i1 to i32
      %sign3A_120 = arith.subi %sign3A_116, %sign3A_119 : i32
      %sign3A_121 = arith.constant 0 : i32
      %sign3A_122 = arith.cmpi sgt, %jit3A_112, %sign3A_121 : i32
      %sign3A_123 = arith.extui %sign3A_122 : i1 to i32
      %sign3A_124 = arith.constant 0 : i32
      %sign3A_125 = arith.cmpi slt, %jit3A_112, %sign3A_124 : i32
      %sign3A_126 = arith.extui %sign3A_125 : i1 to i32
      %sign3A_127 = arith.subi %sign3A_123, %sign3A_126 : i32
      %ne3A_128 = arith.cmpi ne, %sign3A_120, %sign3A_127 : i32
      %rem3A_129 = arith.remsi %scan3A_70, %jit3A_112 : i32
      %ne3A_130 = arith.constant 0 : i32
      %ne3A_131 = arith.cmpi ne, %rem3A_129, %ne3A_130 : i32
      %and3A_132 = arith.andi %ne3A_128, %ne3A_131 : i1
      %sub3A_133 = arith.constant 1 : i32
      %sub3A_134 = arith.subi %div3A_113, %sub3A_133 : i32
      %select_n3A_135 = arith.select %and3A_132, %sub3A_134, %div3A_113 : i32
      %rem3A_136 = arith.constant 2 : i32
      %rem3A_137 = arith.remsi %select_n3A_135, %rem3A_136 : i32
      %mul3A_138 = arith.constant 16 : i32
      %mul3A_139 = arith.muli %rem3A_137, %mul3A_138 : i32
      %rem3A_140 = arith.constant 16 : i32
      %rem3A_141 = arith.remsi %scan3A_70, %rem3A_140 : i32
      %add3A_142 = arith.addi %mul3A_139, %rem3A_141 : i32
      %dma_start3A_143 = arith.constant 0 : i32
      %dma_start3A_144 = tpu.memref_slice %arg9[%mul3A_111, %dma_start3A_143] : memref<256x128xf32, #tpu.memory_space<vmem>> -> memref<128x128xf32, #tpu.memory_space<vmem>>
      %dma_start3A_145 = arith.constant 0 : i32
      %dma_start3A_146 = tpu.memref_slice %arg8[%add3A_142, %dma_start3A_145] : memref<32x128xi32, #tpu.memory_space<vmem>> -> memref<1x128xi32, #tpu.memory_space<vmem>>
      %dma_start3A_147 = tpu.memref_squeeze %dma_start3A_146 : memref<1x128xi32, #tpu.memory_space<vmem>> -> memref<128xi32, #tpu.memory_space<vmem>>
      %dma_start3A_148 = arith.constant 0 : i32
      %dma_start3A_149 = arith.constant 0 : i32
      %dma_start3A_150 = tpu.memref_slice %arg6[%dma_start3A_148, %dma_start3A_149] : memref<10240x128xf32, #tpu.memory_space<vmem_shared>> -> memref<10240x128xf32, #tpu.memory_space<vmem_shared>>
      tpu.enqueue_indirect_dma source(%dma_start3A_144 : memref<128x128xf32, #tpu.memory_space<vmem>>) target(%dma_start3A_150 : memref<10240x128xf32, #tpu.memory_space<vmem_shared>>) offsets(%dma_start3A_147 : memref<128xi32, #tpu.memory_space<vmem>>) semaphore(%arg11 : memref<!tpu.dma_semaphore, #tpu.memory_space<semaphore_mem>>) {add = true}
      %rem3A_151 = arith.constant 16 : i32
      %rem3A_152 = arith.remsi %scan3A_70, %rem3A_151 : i32
      %eq3A = arith.constant 0 : i32
      %eq3A_153 = arith.cmpi eq, %rem3A_152, %eq3A : i32
      %jit3A_154 = arith.constant 16 : i32
      %div3A_155 = arith.divsi %scan3A_70, %jit3A_154 : i32
      %sign3A_156 = arith.constant 0 : i32
      %sign3A_157 = arith.cmpi sgt, %scan3A_70, %sign3A_156 : i32
      %sign3A_158 = arith.extui %sign3A_157 : i1 to i32
      %sign3A_159 = arith.constant 0 : i32
      %sign3A_160 = arith.cmpi slt, %scan3A_70, %sign3A_159 : i32
      %sign3A_161 = arith.extui %sign3A_160 : i1 to i32
      %sign3A_162 = arith.subi %sign3A_158, %sign3A_161 : i32
      %sign3A_163 = arith.constant 0 : i32
      %sign3A_164 = arith.cmpi sgt, %jit3A_154, %sign3A_163 : i32
      %sign3A_165 = arith.extui %sign3A_164 : i1 to i32
      %sign3A_166 = arith.constant 0 : i32
      %sign3A_167 = arith.cmpi slt, %jit3A_154, %sign3A_166 : i32
      %sign3A_168 = arith.extui %sign3A_167 : i1 to i32
      %sign3A_169 = arith.subi %sign3A_165, %sign3A_168 : i32
      %ne3A_170 = arith.cmpi ne, %sign3A_162, %sign3A_169 : i32
      %rem3A_171 = arith.remsi %scan3A_70, %jit3A_154 : i32
      %ne3A_172 = arith.constant 0 : i32
      %ne3A_173 = arith.cmpi ne, %rem3A_171, %ne3A_172 : i32
      %and3A_174 = arith.andi %ne3A_170, %ne3A_173 : i1
      %sub3A_175 = arith.constant 1 : i32
      %sub3A_176 = arith.subi %div3A_155, %sub3A_175 : i32
      %select_n3A_177 = arith.select %and3A_174, %sub3A_176, %div3A_155 : i32
      %add3A_178 = arith.constant 1 : i32
      %add3A_179 = arith.addi %select_n3A_177, %add3A_178 : i32
      %lt3A = arith.constant 10 : i32
      %lt3A_180 = arith.cmpi slt, %add3A_179, %lt3A : i32
      %and3A_181 = arith.andi %eq3A_153, %lt3A_180 : i1
      %convert_element_type3A = arith.extui %and3A_181 : i1 to i32
      %cond3A = arith.constant 0 : i32
      %cond3A_182 = arith.cmpi ne, %convert_element_type3A, %cond3A : i32
      scf.if %cond3A_182 {
        %jit3A_248 = arith.constant 16 : i32
        %div3A_249 = arith.divsi %scan3A_70, %jit3A_248 : i32
        %sign3A_250 = arith.constant 0 : i32
        %sign3A_251 = arith.cmpi sgt, %scan3A_70, %sign3A_250 : i32
        %sign3A_252 = arith.extui %sign3A_251 : i1 to i32
        %sign3A_253 = arith.constant 0 : i32
        %sign3A_254 = arith.cmpi slt, %scan3A_70, %sign3A_253 : i32
        %sign3A_255 = arith.extui %sign3A_254 : i1 to i32
        %sign3A_256 = arith.subi %sign3A_252, %sign3A_255 : i32
        %sign3A_257 = arith.constant 0 : i32
        %sign3A_258 = arith.cmpi sgt, %jit3A_248, %sign3A_257 : i32
        %sign3A_259 = arith.extui %sign3A_258 : i1 to i32
        %sign3A_260 = arith.constant 0 : i32
        %sign3A_261 = arith.cmpi slt, %jit3A_248, %sign3A_260 : i32
        %sign3A_262 = arith.extui %sign3A_261 : i1 to i32
        %sign3A_263 = arith.subi %sign3A_259, %sign3A_262 : i32
        %ne3A_264 = arith.cmpi ne, %sign3A_256, %sign3A_263 : i32
        %rem3A_265 = arith.remsi %scan3A_70, %jit3A_248 : i32
        %ne3A_266 = arith.constant 0 : i32
        %ne3A_267 = arith.cmpi ne, %rem3A_265, %ne3A_266 : i32
        %and3A_268 = arith.andi %ne3A_264, %ne3A_267 : i1
        %sub3A_269 = arith.constant 1 : i32
        %sub3A_270 = arith.subi %div3A_249, %sub3A_269 : i32
        %select_n3A_271 = arith.select %and3A_268, %sub3A_270, %div3A_249 : i32
        %add3A_272 = arith.constant 1 : i32
        %add3A_273 = arith.addi %select_n3A_271, %add3A_272 : i32
        %rem3A_274 = arith.constant 2 : i32
        %rem3A_275 = arith.remsi %add3A_273, %rem3A_274 : i32
        %mul3A_276 = arith.constant 16 : i32
        %mul3A_277 = arith.muli %rem3A_275, %mul3A_276 : i32
        %mul3A_278 = arith.constant 16 : i32
        %mul3A_279 = arith.muli %add3A_273, %mul3A_278 : i32
        %add3A_280 = arith.addi %mul3A_2, %mul3A_279 : i32
        %dma_start3A_281 = arith.constant 0 : i32
        %dma_start3A_282 = tpu.memref_slice %arg7[%mul3A_277, %dma_start3A_281] : memref<32x128xi32, #tpu.memory_space<vmem>> -> memref<16x128xi32, #tpu.memory_space<vmem>>
        %dma_start3A_283 = arith.constant 0 : i32
        %dma_start3A_284 = tpu.memref_slice %arg3[%arg0, %add3A_280, %dma_start3A_283] : memref<2x2560x128xi32, #tpu.memory_space<hbm>> -> memref<1x16x128xi32, #tpu.memory_space<hbm>>
        %dma_start3A_285 = tpu.memref_squeeze %dma_start3A_284 : memref<1x16x128xi32, #tpu.memory_space<hbm>> -> memref<16x128xi32, #tpu.memory_space<hbm>>
        %dma_start3A_286 = arith.constant 0 : i32
        %dma_start3A_287 = tpu.memref_slice %arg7[%mul3A_277, %dma_start3A_286] : memref<32x128xi32, #tpu.memory_space<vmem>> -> memref<16x128xi32, #tpu.memory_space<vmem>>
        %dma_start3A_288 = arith.constant 0 : i32
        %dma_start3A_289 = tpu.memref_slice %arg3[%arg0, %add3A_280, %dma_start3A_288] : memref<2x2560x128xi32, #tpu.memory_space<hbm>> -> memref<1x16x128xi32, #tpu.memory_space<hbm>>
        %dma_start3A_290 = tpu.memref_squeeze %dma_start3A_289 : memref<1x16x128xi32, #tpu.memory_space<hbm>> -> memref<16x128xi32, #tpu.memory_space<hbm>>
        tpu.enqueue_dma source(%dma_start3A_290 : memref<16x128xi32, #tpu.memory_space<hbm>>) target(%dma_start3A_287 : memref<16x128xi32, #tpu.memory_space<vmem>>) target_semaphore(%arg12 : memref<!tpu.dma_semaphore, #tpu.memory_space<semaphore_mem>>)
        %mul3A_291 = arith.constant 16 : i32
        %mul3A_292 = arith.muli %add3A_273, %mul3A_291 : i32
        %add3A_293 = arith.addi %mul3A_2, %mul3A_292 : i32
        %dma_start3A_294 = arith.constant 0 : i32
        %dma_start3A_295 = tpu.memref_slice %arg8[%mul3A_277, %dma_start3A_294] : memref<32x128xi32, #tpu.memory_space<vmem>> -> memref<16x128xi32, #tpu.memory_space<vmem>>
        %dma_start3A_296 = arith.constant 0 : i32
        %dma_start3A_297 = tpu.memref_slice %arg4[%add3A_293, %dma_start3A_296] : memref<2560x128xi32, #tpu.memory_space<hbm>> -> memref<16x128xi32, #tpu.memory_space<hbm>>
        %dma_start3A_298 = arith.constant 0 : i32
        %dma_start3A_299 = tpu.memref_slice %arg8[%mul3A_277, %dma_start3A_298] : memref<32x128xi32, #tpu.memory_space<vmem>> -> memref<16x128xi32, #tpu.memory_space<vmem>>
        %dma_start3A_300 = arith.constant 0 : i32
        %dma_start3A_301 = tpu.memref_slice %arg4[%add3A_293, %dma_start3A_300] : memref<2560x128xi32, #tpu.memory_space<hbm>> -> memref<16x128xi32, #tpu.memory_space<hbm>>
        tpu.enqueue_dma source(%dma_start3A_301 : memref<16x128xi32, #tpu.memory_space<hbm>>) target(%dma_start3A_299 : memref<16x128xi32, #tpu.memory_space<vmem>>) target_semaphore(%arg12 : memref<!tpu.dma_semaphore, #tpu.memory_space<semaphore_mem>>)
      } else {
      }
      %add3A_183 = arith.constant 2 : i32
      %add3A_184 = arith.addi %scan3A_70, %add3A_183 : i32
      %rem3A_185 = arith.constant 16 : i32
      %rem3A_186 = arith.remsi %add3A_184, %rem3A_185 : i32
      %eq3A_187 = arith.constant 0 : i32
      %eq3A_188 = arith.cmpi eq, %rem3A_186, %eq3A_187 : i32
      %add3A_189 = arith.constant 2 : i32
      %add3A_190 = arith.addi %scan3A_70, %add3A_189 : i32
      %lt3A_191 = arith.constant 160 : i32
      %lt3A_192 = arith.cmpi slt, %add3A_190, %lt3A_191 : i32
      %and3A_193 = arith.andi %eq3A_188, %lt3A_192 : i1
      %convert_element_type3A_194 = arith.extui %and3A_193 : i1 to i32
      %cond3A_195 = arith.constant 0 : i32
      %cond3A_196 = arith.cmpi ne, %convert_element_type3A_194, %cond3A_195 : i32
      scf.if %cond3A_196 {
        %add3A_248 = arith.constant 2 : i32
        %add3A_249 = arith.addi %scan3A_70, %add3A_248 : i32
        %jit3A_250 = arith.constant 16 : i32
        %div3A_251 = arith.divsi %add3A_249, %jit3A_250 : i32
        %sign3A_252 = arith.constant 0 : i32
        %sign3A_253 = arith.cmpi sgt, %add3A_249, %sign3A_252 : i32
        %sign3A_254 = arith.extui %sign3A_253 : i1 to i32
        %sign3A_255 = arith.constant 0 : i32
        %sign3A_256 = arith.cmpi slt, %add3A_249, %sign3A_255 : i32
        %sign3A_257 = arith.extui %sign3A_256 : i1 to i32
        %sign3A_258 = arith.subi %sign3A_254, %sign3A_257 : i32
        %sign3A_259 = arith.constant 0 : i32
        %sign3A_260 = arith.cmpi sgt, %jit3A_250, %sign3A_259 : i32
        %sign3A_261 = arith.extui %sign3A_260 : i1 to i32
        %sign3A_262 = arith.constant 0 : i32
        %sign3A_263 = arith.cmpi slt, %jit3A_250, %sign3A_262 : i32
        %sign3A_264 = arith.extui %sign3A_263 : i1 to i32
        %sign3A_265 = arith.subi %sign3A_261, %sign3A_264 : i32
        %ne3A_266 = arith.cmpi ne, %sign3A_258, %sign3A_265 : i32
        %rem3A_267 = arith.remsi %add3A_249, %jit3A_250 : i32
        %ne3A_268 = arith.constant 0 : i32
        %ne3A_269 = arith.cmpi ne, %rem3A_267, %ne3A_268 : i32
        %and3A_270 = arith.andi %ne3A_266, %ne3A_269 : i1
        %sub3A_271 = arith.constant 1 : i32
        %sub3A_272 = arith.subi %div3A_251, %sub3A_271 : i32
        %select_n3A_273 = arith.select %and3A_270, %sub3A_272, %div3A_251 : i32
        %rem3A_274 = arith.constant 2 : i32
        %rem3A_275 = arith.remsi %select_n3A_273, %rem3A_274 : i32
        %mul3A_276 = arith.constant 16 : i32
        %mul3A_277 = arith.muli %rem3A_275, %mul3A_276 : i32
        %mul3A_278 = arith.constant 16 : i32
        %mul3A_279 = arith.muli %select_n3A_273, %mul3A_278 : i32
        %add3A_280 = arith.addi %mul3A_2, %mul3A_279 : i32
        %dma_wait3A_281 = arith.constant 0 : i32
        %dma_wait3A_282 = tpu.memref_slice %arg7[%mul3A_277, %dma_wait3A_281] : memref<32x128xi32, #tpu.memory_space<vmem>> -> memref<16x128xi32, #tpu.memory_space<vmem>>
        %dma_wait3A_283 = arith.constant 0 : i32
        %dma_wait3A_284 = tpu.memref_slice %arg3[%arg0, %add3A_280, %dma_wait3A_283] : memref<2x2560x128xi32, #tpu.memory_space<hbm>> -> memref<1x16x128xi32, #tpu.memory_space<hbm>>
        %dma_wait3A_285 = tpu.memref_squeeze %dma_wait3A_284 : memref<1x16x128xi32, #tpu.memory_space<hbm>> -> memref<16x128xi32, #tpu.memory_space<hbm>>
        %dma_wait3A_286 = arith.constant 0 : i32
        %dma_wait3A_287 = tpu.memref_slice %arg7[%mul3A_277, %dma_wait3A_286] : memref<32x128xi32, #tpu.memory_space<vmem>> -> memref<16x128xi32, #tpu.memory_space<vmem>>
        %dma_wait3A_288 = arith.constant 0 : i32
        %dma_wait3A_289 = tpu.memref_slice %arg3[%arg0, %add3A_280, %dma_wait3A_288] : memref<2x2560x128xi32, #tpu.memory_space<hbm>> -> memref<1x16x128xi32, #tpu.memory_space<hbm>>
        %dma_wait3A_290 = tpu.memref_squeeze %dma_wait3A_289 : memref<1x16x128xi32, #tpu.memory_space<hbm>> -> memref<16x128xi32, #tpu.memory_space<hbm>>
        tpu.wait_dma2 semaphore(%arg12 : memref<!tpu.dma_semaphore, #tpu.memory_space<semaphore_mem>>) src(%dma_wait3A_290 : memref<16x128xi32, #tpu.memory_space<hbm>>) dst(%dma_wait3A_287 : memref<16x128xi32, #tpu.memory_space<vmem>>)
        %mul3A_291 = arith.constant 16 : i32
        %mul3A_292 = arith.muli %select_n3A_273, %mul3A_291 : i32
        %add3A_293 = arith.addi %mul3A_2, %mul3A_292 : i32
        %dma_wait3A_294 = arith.constant 0 : i32
        %dma_wait3A_295 = tpu.memref_slice %arg8[%mul3A_277, %dma_wait3A_294] : memref<32x128xi32, #tpu.memory_space<vmem>> -> memref<16x128xi32, #tpu.memory_space<vmem>>
        %dma_wait3A_296 = arith.constant 0 : i32
        %dma_wait3A_297 = tpu.memref_slice %arg4[%add3A_293, %dma_wait3A_296] : memref<2560x128xi32, #tpu.memory_space<hbm>> -> memref<16x128xi32, #tpu.memory_space<hbm>>
        %dma_wait3A_298 = arith.constant 0 : i32
        %dma_wait3A_299 = tpu.memref_slice %arg8[%mul3A_277, %dma_wait3A_298] : memref<32x128xi32, #tpu.memory_space<vmem>> -> memref<16x128xi32, #tpu.memory_space<vmem>>
        %dma_wait3A_300 = arith.constant 0 : i32
        %dma_wait3A_301 = tpu.memref_slice %arg4[%add3A_293, %dma_wait3A_300] : memref<2560x128xi32, #tpu.memory_space<hbm>> -> memref<16x128xi32, #tpu.memory_space<hbm>>
        tpu.wait_dma2 semaphore(%arg12 : memref<!tpu.dma_semaphore, #tpu.memory_space<semaphore_mem>>) src(%dma_wait3A_301 : memref<16x128xi32, #tpu.memory_space<hbm>>) dst(%dma_wait3A_299 : memref<16x128xi32, #tpu.memory_space<vmem>>)
      } else {
      }
      %rem3A_197 = arith.constant 2 : i32
      %rem3A_198 = arith.remsi %scan3A_70, %rem3A_197 : i32
      %mul3A_199 = arith.constant 128 : i32
      %mul3A_200 = arith.muli %rem3A_198, %mul3A_199 : i32
      %jit3A_201 = arith.constant 16 : i32
      %div3A_202 = arith.divsi %scan3A_70, %jit3A_201 : i32
      %sign3A_203 = arith.constant 0 : i32
      %sign3A_204 = arith.cmpi sgt, %scan3A_70, %sign3A_203 : i32
      %sign3A_205 = arith.extui %sign3A_204 : i1 to i32
      %sign3A_206 = arith.constant 0 : i32
      %sign3A_207 = arith.cmpi slt, %scan3A_70, %sign3A_206 : i32
      %sign3A_208 = arith.extui %sign3A_207 : i1 to i32
      %sign3A_209 = arith.subi %sign3A_205, %sign3A_208 : i32
      %sign3A_210 = arith.constant 0 : i32
      %sign3A_211 = arith.cmpi sgt, %jit3A_201, %sign3A_210 : i32
      %sign3A_212 = arith.extui %sign3A_211 : i1 to i32
      %sign3A_213 = arith.constant 0 : i32
      %sign3A_214 = arith.cmpi slt, %jit3A_201, %sign3A_213 : i32
      %sign3A_215 = arith.extui %sign3A_214 : i1 to i32
      %sign3A_216 = arith.subi %sign3A_212, %sign3A_215 : i32
      %ne3A_217 = arith.cmpi ne, %sign3A_209, %sign3A_216 : i32
      %rem3A_218 = arith.remsi %scan3A_70, %jit3A_201 : i32
      %ne3A_219 = arith.constant 0 : i32
      %ne3A_220 = arith.cmpi ne, %rem3A_218, %ne3A_219 : i32
      %and3A_221 = arith.andi %ne3A_217, %ne3A_220 : i1
      %sub3A_222 = arith.constant 1 : i32
      %sub3A_223 = arith.subi %div3A_202, %sub3A_222 : i32
      %select_n3A_224 = arith.select %and3A_221, %sub3A_223, %div3A_202 : i32
      %rem3A_225 = arith.constant 2 : i32
      %rem3A_226 = arith.remsi %select_n3A_224, %rem3A_225 : i32
      %mul3A_227 = arith.constant 16 : i32
      %mul3A_228 = arith.muli %rem3A_226, %mul3A_227 : i32
      %rem3A_229 = arith.constant 16 : i32
      %rem3A_230 = arith.remsi %scan3A_70, %rem3A_229 : i32
      %add3A_231 = arith.addi %mul3A_228, %rem3A_230 : i32
      %dma_wait3A_232 = arith.constant 0 : i32
      %dma_wait3A_233 = tpu.memref_slice %arg9[%mul3A_200, %dma_wait3A_232] : memref<256x128xf32, #tpu.memory_space<vmem>> -> memref<128x128xf32, #tpu.memory_space<vmem>>
      %dma_wait3A_234 = arith.constant 0 : i32
      %dma_wait3A_235 = tpu.memref_slice %arg8[%add3A_231, %dma_wait3A_234] : memref<32x128xi32, #tpu.memory_space<vmem>> -> memref<1x128xi32, #tpu.memory_space<vmem>>
      %dma_wait3A_236 = tpu.memref_squeeze %dma_wait3A_235 : memref<1x128xi32, #tpu.memory_space<vmem>> -> memref<128xi32, #tpu.memory_space<vmem>>
      %dma_wait3A_237 = arith.constant 0 : i32
      %dma_wait3A_238 = arith.constant 0 : i32
      %dma_wait3A_239 = tpu.memref_slice %arg6[%dma_wait3A_237, %dma_wait3A_238] : memref<10240x128xf32, #tpu.memory_space<vmem_shared>> -> memref<10240x128xf32, #tpu.memory_space<vmem_shared>>
      tpu.wait_indirect_dma semaphore(%arg11 : memref<!tpu.dma_semaphore, #tpu.memory_space<semaphore_mem>>) src(%dma_wait3A_233 : memref<128x128xf32, #tpu.memory_space<vmem>>) dst(%dma_wait3A_239 : memref<10240x128xf32, #tpu.memory_space<vmem_shared>>)
      %add3A_240 = arith.constant 2 : i32
      %add3A_241 = arith.addi %scan3A_70, %add3A_240 : i32
      %lt3A_242 = arith.constant 160 : i32
      %lt3A_243 = arith.cmpi slt, %add3A_241, %lt3A_242 : i32
      %convert_element_type3A_244 = arith.extui %lt3A_243 : i1 to i32
      %cond3A_245 = arith.constant 0 : i32
      %cond3A_246 = arith.cmpi ne, %convert_element_type3A_244, %cond3A_245 : i32
      scf.if %cond3A_246 {
        %add3A_248 = arith.constant 2 : i32
        %add3A_249 = arith.addi %scan3A_70, %add3A_248 : i32
        %rem3A_250 = arith.constant 2 : i32
        %rem3A_251 = arith.remsi %add3A_249, %rem3A_250 : i32
        %mul3A_252 = arith.constant 128 : i32
        %mul3A_253 = arith.muli %rem3A_251, %mul3A_252 : i32
        %jit3A_254 = arith.constant 16 : i32
        %div3A_255 = arith.divsi %add3A_249, %jit3A_254 : i32
        %sign3A_256 = arith.constant 0 : i32
        %sign3A_257 = arith.cmpi sgt, %add3A_249, %sign3A_256 : i32
        %sign3A_258 = arith.extui %sign3A_257 : i1 to i32
        %sign3A_259 = arith.constant 0 : i32
        %sign3A_260 = arith.cmpi slt, %add3A_249, %sign3A_259 : i32
        %sign3A_261 = arith.extui %sign3A_260 : i1 to i32
        %sign3A_262 = arith.subi %sign3A_258, %sign3A_261 : i32
        %sign3A_263 = arith.constant 0 : i32
        %sign3A_264 = arith.cmpi sgt, %jit3A_254, %sign3A_263 : i32
        %sign3A_265 = arith.extui %sign3A_264 : i1 to i32
        %sign3A_266 = arith.constant 0 : i32
        %sign3A_267 = arith.cmpi slt, %jit3A_254, %sign3A_266 : i32
        %sign3A_268 = arith.extui %sign3A_267 : i1 to i32
        %sign3A_269 = arith.subi %sign3A_265, %sign3A_268 : i32
        %ne3A_270 = arith.cmpi ne, %sign3A_262, %sign3A_269 : i32
        %rem3A_271 = arith.remsi %add3A_249, %jit3A_254 : i32
        %ne3A_272 = arith.constant 0 : i32
        %ne3A_273 = arith.cmpi ne, %rem3A_271, %ne3A_272 : i32
        %and3A_274 = arith.andi %ne3A_270, %ne3A_273 : i1
        %sub3A_275 = arith.constant 1 : i32
        %sub3A_276 = arith.subi %div3A_255, %sub3A_275 : i32
        %select_n3A_277 = arith.select %and3A_274, %sub3A_276, %div3A_255 : i32
        %rem3A_278 = arith.constant 2 : i32
        %rem3A_279 = arith.remsi %select_n3A_277, %rem3A_278 : i32
        %mul3A_280 = arith.constant 16 : i32
        %mul3A_281 = arith.muli %rem3A_279, %mul3A_280 : i32
        %rem3A_282 = arith.constant 16 : i32
        %rem3A_283 = arith.remsi %add3A_249, %rem3A_282 : i32
        %add3A_284 = arith.addi %mul3A_281, %rem3A_283 : i32
        %dma_start3A_285 = arith.constant 0 : i32
        %dma_start3A_286 = tpu.memref_slice %arg9[%mul3A_253, %dma_start3A_285] : memref<256x128xf32, #tpu.memory_space<vmem>> -> memref<128x128xf32, #tpu.memory_space<vmem>>
        %dma_start3A_287 = arith.constant 0 : i32
        %dma_start3A_288 = tpu.memref_slice %arg7[%add3A_284, %dma_start3A_287] : memref<32x128xi32, #tpu.memory_space<vmem>> -> memref<1x128xi32, #tpu.memory_space<vmem>>
        %dma_start3A_289 = tpu.memref_squeeze %dma_start3A_288 : memref<1x128xi32, #tpu.memory_space<vmem>> -> memref<128xi32, #tpu.memory_space<vmem>>
        %dma_start3A_290 = arith.constant 0 : i32
        %dma_start3A_291 = arith.constant 0 : i32
        %dma_start3A_292 = tpu.memref_slice %arg2[%dma_start3A_290, %dma_start3A_291] : memref<20480x128xf32, #tpu.memory_space<hbm>> -> memref<20480x128xf32, #tpu.memory_space<hbm>>
        tpu.enqueue_indirect_dma source(%dma_start3A_292 : memref<20480x128xf32, #tpu.memory_space<hbm>>) target(%dma_start3A_286 : memref<128x128xf32, #tpu.memory_space<vmem>>) offsets(%dma_start3A_289 : memref<128xi32, #tpu.memory_space<vmem>>) semaphore(%arg10 : memref<!tpu.dma_semaphore, #tpu.memory_space<semaphore_mem>>)
      } else {
      }
      %scan3A_247 = arith.constant 0 : i32
      scf.yield %scan3A_247 : i32
    }
    %scan3A_68 = arith.constant 160 : i32
    %barrier3A_69 = arith.constant 0 : index
    tpu.barrier barrier_id(%barrier3A_69)
    "tpu.region"() ({
      %run_scoped3A = tpu.sem_alloc : memref<!tpu.dma_semaphore, #tpu.memory_space<semaphore_mem>>
      %dma_start3A_70 = arith.constant 0 : i32
      %dma_start3A_71 = tpu.memref_slice %arg5[%arg0, %mul3A_0, %dma_start3A_70] : memref<2x10240x128xf32, #tpu.memory_space<hbm>> -> memref<1x640x128xf32, #tpu.memory_space<hbm>>
      %dma_start3A_72 = tpu.memref_squeeze %dma_start3A_71 : memref<1x640x128xf32, #tpu.memory_space<hbm>> -> memref<640x128xf32, #tpu.memory_space<hbm>>
      %dma_start3A_73 = arith.constant 0 : i32
      %dma_start3A_74 = tpu.memref_slice %arg6[%mul3A_0, %dma_start3A_73] : memref<10240x128xf32, #tpu.memory_space<vmem_shared>> -> memref<640x128xf32, #tpu.memory_space<vmem_shared>>
      tpu.enqueue_dma source(%dma_start3A_74 : memref<640x128xf32, #tpu.memory_space<vmem_shared>>) target(%dma_start3A_72 : memref<640x128xf32, #tpu.memory_space<hbm>>) target_semaphore(%run_scoped3A : memref<!tpu.dma_semaphore, #tpu.memory_space<semaphore_mem>>)
      %dma_wait3A_75 = arith.constant 0 : i32
      %dma_wait3A_76 = tpu.memref_slice %arg5[%arg0, %mul3A_0, %dma_wait3A_75] : memref<2x10240x128xf32, #tpu.memory_space<hbm>> -> memref<1x640x128xf32, #tpu.memory_space<hbm>>
      %dma_wait3A_77 = tpu.memref_squeeze %dma_wait3A_76 : memref<1x640x128xf32, #tpu.memory_space<hbm>> -> memref<640x128xf32, #tpu.memory_space<hbm>>
      %dma_wait3A_78 = arith.constant 0 : i32
      %dma_wait3A_79 = tpu.memref_slice %arg6[%mul3A_0, %dma_wait3A_78] : memref<10240x128xf32, #tpu.memory_space<vmem_shared>> -> memref<640x128xf32, #tpu.memory_space<vmem_shared>>
      tpu.wait_dma2 semaphore(%run_scoped3A : memref<!tpu.dma_semaphore, #tpu.memory_space<semaphore_mem>>) src(%dma_wait3A_79 : memref<640x128xf32, #tpu.memory_space<vmem_shared>>) dst(%dma_wait3A_77 : memref<640x128xf32, #tpu.memory_space<hbm>>)
      tpu.yield
    }) : () -> ()
    return
  }
}

#map = affine_map<(d0, d1) -> (0, 0)>
#map1 = affine_map<(d0, d1) -> (0, 0, 0)>
module attributes {stable_mosaic.version = 14 : i64} {
  func.func @_agg_body(%arg0: i32, %arg1: i32, %arg2: memref<20480x128xf32, #tpu.memory_space<hbm>>, %arg3: memref<2x2560x128xi32, #tpu.memory_space<hbm>>, %arg4: memref<2560x128xi32, #tpu.memory_space<hbm>>, %arg5: memref<2x10240x128xf32, #tpu.memory_space<hbm>>, %arg6: memref<10240x128xf32, #tpu.memory_space<vmem_shared>>, %arg7: memref<32x128xi32, #tpu.memory_space<vmem>>, %arg8: memref<32x128xi32, #tpu.memory_space<vmem>>, %arg9: memref<256x128xf32, #tpu.memory_space<vmem>>, %arg10: memref<!tpu.dma_semaphore, #tpu.memory_space<semaphore_mem>>, %arg11: memref<!tpu.dma_semaphore, #tpu.memory_space<semaphore_mem>>, %arg12: memref<!tpu.dma_semaphore, #tpu.memory_space<semaphore_mem>>) attributes {dimension_semantics = [#tpu.dimension_semantics<core_parallel>, #tpu.dimension_semantics<subcore_parallel>], iteration_bounds = array<i64: 2, 16>, scalar_prefetch = 0 : i64, scratch_operands = 7 : i64, tpu.core_type = #tpu.core_type<sc_vector_subcore>, window_params = [{transform_indices = #map}, {transform_indices = #map1}, {transform_indices = #map}, {transform_indices = #map1}]} {
    %mul3A = arith.constant 640 : i32
    %mul3A_0 = arith.muli %arg1, %mul3A : i32
    %mul3A_1 = arith.constant 160 : i32
    %mul3A_2 = arith.muli %arg1, %mul3A_1 : i32
    %mul3A_3 = arith.constant 10240 : i32
    %mul3A_4 = arith.muli %arg0, %mul3A_3 : i32
    %add3A = arith.addi %mul3A_4, %mul3A_0 : i32
    %dma_start3A = arith.constant 0 : i32
    %dma_start3A_5 = tpu.memref_slice %arg6[%mul3A_0, %dma_start3A] : memref<10240x128xf32, #tpu.memory_space<vmem_shared>> -> memref<640x128xf32, #tpu.memory_space<vmem_shared>>
    %dma_start3A_6 = arith.constant 0 : i32
    %dma_start3A_7 = tpu.memref_slice %arg2[%add3A, %dma_start3A_6] : memref<20480x128xf32, #tpu.memory_space<hbm>> -> memref<640x128xf32, #tpu.memory_space<hbm>>
    tpu.enqueue_dma source(%dma_start3A_7 : memref<640x128xf32, #tpu.memory_space<hbm>>) target(%dma_start3A_5 : memref<640x128xf32, #tpu.memory_space<vmem_shared>>) target_semaphore(%arg12 : memref<!tpu.dma_semaphore, #tpu.memory_space<semaphore_mem>>)
    %rem3A = arith.constant 0 : i32
    %rem3A_8 = arith.constant 2 : i32
    %rem3A_9 = arith.remsi %rem3A, %rem3A_8 : i32
    %mul3A_10 = arith.constant 16 : i32
    %mul3A_11 = arith.muli %rem3A_9, %mul3A_10 : i32
    %add3A_12 = arith.constant 0 : i32
    %add3A_13 = arith.addi %mul3A_2, %add3A_12 : i32
    "tpu.region"() ({
      %run_scoped3A = tpu.sem_alloc : memref<!tpu.dma_semaphore, #tpu.memory_space<semaphore_mem>>
      %dma_start3A_70 = arith.constant 0 : i32
      %dma_start3A_71 = tpu.memref_slice %arg7[%mul3A_11, %dma_start3A_70] : memref<32x128xi32, #tpu.memory_space<vmem>> -> memref<16x128xi32, #tpu.memory_space<vmem>>
      %dma_start3A_72 = arith.constant 0 : i32
      %dma_start3A_73 = tpu.memref_slice %arg3[%arg0, %add3A_13, %dma_start3A_72] : memref<2x2560x128xi32, #tpu.memory_space<hbm>> -> memref<1x16x128xi32, #tpu.memory_space<hbm>>
      %dma_start3A_74 = tpu.memref_squeeze %dma_start3A_73 : memref<1x16x128xi32, #tpu.memory_space<hbm>> -> memref<16x128xi32, #tpu.memory_space<hbm>>
      %dma_start3A_75 = arith.constant 0 : i32
      %dma_start3A_76 = tpu.memref_slice %arg7[%mul3A_11, %dma_start3A_75] : memref<32x128xi32, #tpu.memory_space<vmem>> -> memref<16x128xi32, #tpu.memory_space<vmem>>
      %dma_start3A_77 = arith.constant 0 : i32
      %dma_start3A_78 = tpu.memref_slice %arg3[%arg0, %add3A_13, %dma_start3A_77] : memref<2x2560x128xi32, #tpu.memory_space<hbm>> -> memref<1x16x128xi32, #tpu.memory_space<hbm>>
      %dma_start3A_79 = tpu.memref_squeeze %dma_start3A_78 : memref<1x16x128xi32, #tpu.memory_space<hbm>> -> memref<16x128xi32, #tpu.memory_space<hbm>>
      tpu.enqueue_dma source(%dma_start3A_79 : memref<16x128xi32, #tpu.memory_space<hbm>>) target(%dma_start3A_76 : memref<16x128xi32, #tpu.memory_space<vmem>>) target_semaphore(%run_scoped3A : memref<!tpu.dma_semaphore, #tpu.memory_space<semaphore_mem>>)
      %dma_wait3A_80 = arith.constant 0 : i32
      %dma_wait3A_81 = tpu.memref_slice %arg7[%mul3A_11, %dma_wait3A_80] : memref<32x128xi32, #tpu.memory_space<vmem>> -> memref<16x128xi32, #tpu.memory_space<vmem>>
      %dma_wait3A_82 = arith.constant 0 : i32
      %dma_wait3A_83 = tpu.memref_slice %arg3[%arg0, %add3A_13, %dma_wait3A_82] : memref<2x2560x128xi32, #tpu.memory_space<hbm>> -> memref<1x16x128xi32, #tpu.memory_space<hbm>>
      %dma_wait3A_84 = tpu.memref_squeeze %dma_wait3A_83 : memref<1x16x128xi32, #tpu.memory_space<hbm>> -> memref<16x128xi32, #tpu.memory_space<hbm>>
      %dma_wait3A_85 = arith.constant 0 : i32
      %dma_wait3A_86 = tpu.memref_slice %arg7[%mul3A_11, %dma_wait3A_85] : memref<32x128xi32, #tpu.memory_space<vmem>> -> memref<16x128xi32, #tpu.memory_space<vmem>>
      %dma_wait3A_87 = arith.constant 0 : i32
      %dma_wait3A_88 = tpu.memref_slice %arg3[%arg0, %add3A_13, %dma_wait3A_87] : memref<2x2560x128xi32, #tpu.memory_space<hbm>> -> memref<1x16x128xi32, #tpu.memory_space<hbm>>
      %dma_wait3A_89 = tpu.memref_squeeze %dma_wait3A_88 : memref<1x16x128xi32, #tpu.memory_space<hbm>> -> memref<16x128xi32, #tpu.memory_space<hbm>>
      tpu.wait_dma2 semaphore(%run_scoped3A : memref<!tpu.dma_semaphore, #tpu.memory_space<semaphore_mem>>) src(%dma_wait3A_89 : memref<16x128xi32, #tpu.memory_space<hbm>>) dst(%dma_wait3A_86 : memref<16x128xi32, #tpu.memory_space<vmem>>)
      tpu.yield
    }) : () -> ()
    %add3A_14 = arith.constant 0 : i32
    %add3A_15 = arith.addi %mul3A_2, %add3A_14 : i32
    "tpu.region"() ({
      %run_scoped3A = tpu.sem_alloc : memref<!tpu.dma_semaphore, #tpu.memory_space<semaphore_mem>>
      %dma_start3A_70 = arith.constant 0 : i32
      %dma_start3A_71 = tpu.memref_slice %arg8[%mul3A_11, %dma_start3A_70] : memref<32x128xi32, #tpu.memory_space<vmem>> -> memref<16x128xi32, #tpu.memory_space<vmem>>
      %dma_start3A_72 = arith.constant 0 : i32
      %dma_start3A_73 = tpu.memref_slice %arg4[%add3A_15, %dma_start3A_72] : memref<2560x128xi32, #tpu.memory_space<hbm>> -> memref<16x128xi32, #tpu.memory_space<hbm>>
      %dma_start3A_74 = arith.constant 0 : i32
      %dma_start3A_75 = tpu.memref_slice %arg8[%mul3A_11, %dma_start3A_74] : memref<32x128xi32, #tpu.memory_space<vmem>> -> memref<16x128xi32, #tpu.memory_space<vmem>>
      %dma_start3A_76 = arith.constant 0 : i32
      %dma_start3A_77 = tpu.memref_slice %arg4[%add3A_15, %dma_start3A_76] : memref<2560x128xi32, #tpu.memory_space<hbm>> -> memref<16x128xi32, #tpu.memory_space<hbm>>
      tpu.enqueue_dma source(%dma_start3A_77 : memref<16x128xi32, #tpu.memory_space<hbm>>) target(%dma_start3A_75 : memref<16x128xi32, #tpu.memory_space<vmem>>) target_semaphore(%run_scoped3A : memref<!tpu.dma_semaphore, #tpu.memory_space<semaphore_mem>>)
      %dma_wait3A_78 = arith.constant 0 : i32
      %dma_wait3A_79 = tpu.memref_slice %arg8[%mul3A_11, %dma_wait3A_78] : memref<32x128xi32, #tpu.memory_space<vmem>> -> memref<16x128xi32, #tpu.memory_space<vmem>>
      %dma_wait3A_80 = arith.constant 0 : i32
      %dma_wait3A_81 = tpu.memref_slice %arg4[%add3A_15, %dma_wait3A_80] : memref<2560x128xi32, #tpu.memory_space<hbm>> -> memref<16x128xi32, #tpu.memory_space<hbm>>
      %dma_wait3A_82 = arith.constant 0 : i32
      %dma_wait3A_83 = tpu.memref_slice %arg8[%mul3A_11, %dma_wait3A_82] : memref<32x128xi32, #tpu.memory_space<vmem>> -> memref<16x128xi32, #tpu.memory_space<vmem>>
      %dma_wait3A_84 = arith.constant 0 : i32
      %dma_wait3A_85 = tpu.memref_slice %arg4[%add3A_15, %dma_wait3A_84] : memref<2560x128xi32, #tpu.memory_space<hbm>> -> memref<16x128xi32, #tpu.memory_space<hbm>>
      tpu.wait_dma2 semaphore(%run_scoped3A : memref<!tpu.dma_semaphore, #tpu.memory_space<semaphore_mem>>) src(%dma_wait3A_85 : memref<16x128xi32, #tpu.memory_space<hbm>>) dst(%dma_wait3A_83 : memref<16x128xi32, #tpu.memory_space<vmem>>)
      tpu.yield
    }) : () -> ()
    %rem3A_16 = arith.constant 0 : i32
    %rem3A_17 = arith.constant 2 : i32
    %rem3A_18 = arith.remsi %rem3A_16, %rem3A_17 : i32
    %mul3A_19 = arith.constant 128 : i32
    %mul3A_20 = arith.muli %rem3A_18, %mul3A_19 : i32
    %rem3A_21 = arith.constant 0 : i32
    %rem3A_22 = arith.constant 2 : i32
    %rem3A_23 = arith.remsi %rem3A_21, %rem3A_22 : i32
    %mul3A_24 = arith.constant 16 : i32
    %mul3A_25 = arith.muli %rem3A_23, %mul3A_24 : i32
    %rem3A_26 = arith.constant 0 : i32
    %rem3A_27 = arith.constant 16 : i32
    %rem3A_28 = arith.remsi %rem3A_26, %rem3A_27 : i32
    %add3A_29 = arith.addi %mul3A_25, %rem3A_28 : i32
    %dma_start3A_30 = arith.constant 0 : i32
    %dma_start3A_31 = tpu.memref_slice %arg9[%mul3A_20, %dma_start3A_30] : memref<256x128xf32, #tpu.memory_space<vmem>> -> memref<128x128xf32, #tpu.memory_space<vmem>>
    %dma_start3A_32 = arith.constant 0 : i32
    %dma_start3A_33 = tpu.memref_slice %arg7[%add3A_29, %dma_start3A_32] : memref<32x128xi32, #tpu.memory_space<vmem>> -> memref<1x128xi32, #tpu.memory_space<vmem>>
    %dma_start3A_34 = tpu.memref_squeeze %dma_start3A_33 : memref<1x128xi32, #tpu.memory_space<vmem>> -> memref<128xi32, #tpu.memory_space<vmem>>
    %dma_start3A_35 = arith.constant 0 : i32
    %dma_start3A_36 = arith.constant 0 : i32
    %dma_start3A_37 = tpu.memref_slice %arg2[%dma_start3A_35, %dma_start3A_36] : memref<20480x128xf32, #tpu.memory_space<hbm>> -> memref<20480x128xf32, #tpu.memory_space<hbm>>
    tpu.enqueue_indirect_dma source(%dma_start3A_37 : memref<20480x128xf32, #tpu.memory_space<hbm>>) target(%dma_start3A_31 : memref<128x128xf32, #tpu.memory_space<vmem>>) offsets(%dma_start3A_34 : memref<128xi32, #tpu.memory_space<vmem>>) semaphore(%arg10 : memref<!tpu.dma_semaphore, #tpu.memory_space<semaphore_mem>>)
    %rem3A_38 = arith.constant 1 : i32
    %rem3A_39 = arith.constant 2 : i32
    %rem3A_40 = arith.remsi %rem3A_38, %rem3A_39 : i32
    %mul3A_41 = arith.constant 128 : i32
    %mul3A_42 = arith.muli %rem3A_40, %mul3A_41 : i32
    %rem3A_43 = arith.constant 0 : i32
    %rem3A_44 = arith.constant 2 : i32
    %rem3A_45 = arith.remsi %rem3A_43, %rem3A_44 : i32
    %mul3A_46 = arith.constant 16 : i32
    %mul3A_47 = arith.muli %rem3A_45, %mul3A_46 : i32
    %rem3A_48 = arith.constant 1 : i32
    %rem3A_49 = arith.constant 16 : i32
    %rem3A_50 = arith.remsi %rem3A_48, %rem3A_49 : i32
    %add3A_51 = arith.addi %mul3A_47, %rem3A_50 : i32
    %dma_start3A_52 = arith.constant 0 : i32
    %dma_start3A_53 = tpu.memref_slice %arg9[%mul3A_42, %dma_start3A_52] : memref<256x128xf32, #tpu.memory_space<vmem>> -> memref<128x128xf32, #tpu.memory_space<vmem>>
    %dma_start3A_54 = arith.constant 0 : i32
    %dma_start3A_55 = tpu.memref_slice %arg7[%add3A_51, %dma_start3A_54] : memref<32x128xi32, #tpu.memory_space<vmem>> -> memref<1x128xi32, #tpu.memory_space<vmem>>
    %dma_start3A_56 = tpu.memref_squeeze %dma_start3A_55 : memref<1x128xi32, #tpu.memory_space<vmem>> -> memref<128xi32, #tpu.memory_space<vmem>>
    %dma_start3A_57 = arith.constant 0 : i32
    %dma_start3A_58 = arith.constant 0 : i32
    %dma_start3A_59 = tpu.memref_slice %arg2[%dma_start3A_57, %dma_start3A_58] : memref<20480x128xf32, #tpu.memory_space<hbm>> -> memref<20480x128xf32, #tpu.memory_space<hbm>>
    tpu.enqueue_indirect_dma source(%dma_start3A_59 : memref<20480x128xf32, #tpu.memory_space<hbm>>) target(%dma_start3A_53 : memref<128x128xf32, #tpu.memory_space<vmem>>) offsets(%dma_start3A_56 : memref<128xi32, #tpu.memory_space<vmem>>) semaphore(%arg10 : memref<!tpu.dma_semaphore, #tpu.memory_space<semaphore_mem>>)
    %dma_wait3A = arith.constant 0 : i32
    %dma_wait3A_60 = tpu.memref_slice %arg6[%mul3A_0, %dma_wait3A] : memref<10240x128xf32, #tpu.memory_space<vmem_shared>> -> memref<640x128xf32, #tpu.memory_space<vmem_shared>>
    %dma_wait3A_61 = arith.constant 0 : i32
    %dma_wait3A_62 = tpu.memref_slice %arg2[%add3A, %dma_wait3A_61] : memref<20480x128xf32, #tpu.memory_space<hbm>> -> memref<640x128xf32, #tpu.memory_space<hbm>>
    tpu.wait_dma2 semaphore(%arg12 : memref<!tpu.dma_semaphore, #tpu.memory_space<semaphore_mem>>) src(%dma_wait3A_62 : memref<640x128xf32, #tpu.memory_space<hbm>>) dst(%dma_wait3A_60 : memref<640x128xf32, #tpu.memory_space<vmem_shared>>)
    %barrier3A = arith.constant 0 : index
    tpu.barrier barrier_id(%barrier3A)
    %scan3A = arith.constant 0 : i32
    %scan3A_63 = arith.constant 0 : i32
    %scan3A_64 = arith.constant 160 : i32
    %scan3A_65 = arith.addi %scan3A_63, %scan3A_64 : i32
    %scan3A_66 = arith.constant 1 : i32
    %scan3A_67 = scf.for %scan3A_70 = %scan3A_63 to %scan3A_65 step %scan3A_66 iter_args(%scan3A_71 = %scan3A) -> (i32)  : i32 {
      %rem3A_72 = arith.constant 2 : i32
      %rem3A_73 = arith.remsi %scan3A_70, %rem3A_72 : i32
      %mul3A_74 = arith.constant 128 : i32
      %mul3A_75 = arith.muli %rem3A_73, %mul3A_74 : i32
      %jit3A = arith.constant 16 : i32
      %div3A = arith.divsi %scan3A_70, %jit3A : i32
      %sign3A = arith.constant 0 : i32
      %sign3A_76 = arith.cmpi sgt, %scan3A_70, %sign3A : i32
      %sign3A_77 = arith.extui %sign3A_76 : i1 to i32
      %sign3A_78 = arith.constant 0 : i32
      %sign3A_79 = arith.cmpi slt, %scan3A_70, %sign3A_78 : i32
      %sign3A_80 = arith.extui %sign3A_79 : i1 to i32
      %sign3A_81 = arith.subi %sign3A_77, %sign3A_80 : i32
      %sign3A_82 = arith.constant 0 : i32
      %sign3A_83 = arith.cmpi sgt, %jit3A, %sign3A_82 : i32
      %sign3A_84 = arith.extui %sign3A_83 : i1 to i32
      %sign3A_85 = arith.constant 0 : i32
      %sign3A_86 = arith.cmpi slt, %jit3A, %sign3A_85 : i32
      %sign3A_87 = arith.extui %sign3A_86 : i1 to i32
      %sign3A_88 = arith.subi %sign3A_84, %sign3A_87 : i32
      %ne3A = arith.cmpi ne, %sign3A_81, %sign3A_88 : i32
      %rem3A_89 = arith.remsi %scan3A_70, %jit3A : i32
      %ne3A_90 = arith.constant 0 : i32
      %ne3A_91 = arith.cmpi ne, %rem3A_89, %ne3A_90 : i32
      %and3A = arith.andi %ne3A, %ne3A_91 : i1
      %sub3A = arith.constant 1 : i32
      %sub3A_92 = arith.subi %div3A, %sub3A : i32
      %select_n3A = arith.select %and3A, %sub3A_92, %div3A : i32
      %rem3A_93 = arith.constant 2 : i32
      %rem3A_94 = arith.remsi %select_n3A, %rem3A_93 : i32
      %mul3A_95 = arith.constant 16 : i32
      %mul3A_96 = arith.muli %rem3A_94, %mul3A_95 : i32
      %rem3A_97 = arith.constant 16 : i32
      %rem3A_98 = arith.remsi %scan3A_70, %rem3A_97 : i32
      %add3A_99 = arith.addi %mul3A_96, %rem3A_98 : i32
      %dma_wait3A_100 = arith.constant 0 : i32
      %dma_wait3A_101 = tpu.memref_slice %arg9[%mul3A_75, %dma_wait3A_100] : memref<256x128xf32, #tpu.memory_space<vmem>> -> memref<128x128xf32, #tpu.memory_space<vmem>>
      %dma_wait3A_102 = arith.constant 0 : i32
      %dma_wait3A_103 = tpu.memref_slice %arg7[%add3A_99, %dma_wait3A_102] : memref<32x128xi32, #tpu.memory_space<vmem>> -> memref<1x128xi32, #tpu.memory_space<vmem>>
      %dma_wait3A_104 = tpu.memref_squeeze %dma_wait3A_103 : memref<1x128xi32, #tpu.memory_space<vmem>> -> memref<128xi32, #tpu.memory_space<vmem>>
      %dma_wait3A_105 = arith.constant 0 : i32
      %dma_wait3A_106 = arith.constant 0 : i32
      %dma_wait3A_107 = tpu.memref_slice %arg2[%dma_wait3A_105, %dma_wait3A_106] : memref<20480x128xf32, #tpu.memory_space<hbm>> -> memref<20480x128xf32, #tpu.memory_space<hbm>>
      tpu.wait_indirect_dma semaphore(%arg10 : memref<!tpu.dma_semaphore, #tpu.memory_space<semaphore_mem>>) src(%dma_wait3A_107 : memref<20480x128xf32, #tpu.memory_space<hbm>>) dst(%dma_wait3A_101 : memref<128x128xf32, #tpu.memory_space<vmem>>)
      %rem3A_108 = arith.constant 2 : i32
      %rem3A_109 = arith.remsi %scan3A_70, %rem3A_108 : i32
      %mul3A_110 = arith.constant 128 : i32
      %mul3A_111 = arith.muli %rem3A_109, %mul3A_110 : i32
      %jit3A_112 = arith.constant 16 : i32
      %div3A_113 = arith.divsi %scan3A_70, %jit3A_112 : i32
      %sign3A_114 = arith.constant 0 : i32
      %sign3A_115 = arith.cmpi sgt, %scan3A_70, %sign3A_114 : i32
      %sign3A_116 = arith.extui %sign3A_115 : i1 to i32
      %sign3A_117 = arith.constant 0 : i32
      %sign3A_118 = arith.cmpi slt, %scan3A_70, %sign3A_117 : i32
      %sign3A_119 = arith.extui %sign3A_118 : i1 to i32
      %sign3A_120 = arith.subi %sign3A_116, %sign3A_119 : i32
      %sign3A_121 = arith.constant 0 : i32
      %sign3A_122 = arith.cmpi sgt, %jit3A_112, %sign3A_121 : i32
      %sign3A_123 = arith.extui %sign3A_122 : i1 to i32
      %sign3A_124 = arith.constant 0 : i32
      %sign3A_125 = arith.cmpi slt, %jit3A_112, %sign3A_124 : i32
      %sign3A_126 = arith.extui %sign3A_125 : i1 to i32
      %sign3A_127 = arith.subi %sign3A_123, %sign3A_126 : i32
      %ne3A_128 = arith.cmpi ne, %sign3A_120, %sign3A_127 : i32
      %rem3A_129 = arith.remsi %scan3A_70, %jit3A_112 : i32
      %ne3A_130 = arith.constant 0 : i32
      %ne3A_131 = arith.cmpi ne, %rem3A_129, %ne3A_130 : i32
      %and3A_132 = arith.andi %ne3A_128, %ne3A_131 : i1
      %sub3A_133 = arith.constant 1 : i32
      %sub3A_134 = arith.subi %div3A_113, %sub3A_133 : i32
      %select_n3A_135 = arith.select %and3A_132, %sub3A_134, %div3A_113 : i32
      %rem3A_136 = arith.constant 2 : i32
      %rem3A_137 = arith.remsi %select_n3A_135, %rem3A_136 : i32
      %mul3A_138 = arith.constant 16 : i32
      %mul3A_139 = arith.muli %rem3A_137, %mul3A_138 : i32
      %rem3A_140 = arith.constant 16 : i32
      %rem3A_141 = arith.remsi %scan3A_70, %rem3A_140 : i32
      %add3A_142 = arith.addi %mul3A_139, %rem3A_141 : i32
      %dma_start3A_143 = arith.constant 0 : i32
      %dma_start3A_144 = tpu.memref_slice %arg9[%mul3A_111, %dma_start3A_143] : memref<256x128xf32, #tpu.memory_space<vmem>> -> memref<128x128xf32, #tpu.memory_space<vmem>>
      %dma_start3A_145 = arith.constant 0 : i32
      %dma_start3A_146 = tpu.memref_slice %arg8[%add3A_142, %dma_start3A_145] : memref<32x128xi32, #tpu.memory_space<vmem>> -> memref<1x128xi32, #tpu.memory_space<vmem>>
      %dma_start3A_147 = tpu.memref_squeeze %dma_start3A_146 : memref<1x128xi32, #tpu.memory_space<vmem>> -> memref<128xi32, #tpu.memory_space<vmem>>
      %dma_start3A_148 = arith.constant 0 : i32
      %dma_start3A_149 = arith.constant 0 : i32
      %dma_start3A_150 = tpu.memref_slice %arg6[%dma_start3A_148, %dma_start3A_149] : memref<10240x128xf32, #tpu.memory_space<vmem_shared>> -> memref<10240x128xf32, #tpu.memory_space<vmem_shared>>
      tpu.enqueue_indirect_dma source(%dma_start3A_144 : memref<128x128xf32, #tpu.memory_space<vmem>>) target(%dma_start3A_150 : memref<10240x128xf32, #tpu.memory_space<vmem_shared>>) offsets(%dma_start3A_147 : memref<128xi32, #tpu.memory_space<vmem>>) semaphore(%arg11 : memref<!tpu.dma_semaphore, #tpu.memory_space<semaphore_mem>>) {add = true}
      %rem3A_151 = arith.constant 16 : i32
      %rem3A_152 = arith.remsi %scan3A_70, %rem3A_151 : i32
      %eq3A = arith.constant 0 : i32
      %eq3A_153 = arith.cmpi eq, %rem3A_152, %eq3A : i32
      %jit3A_154 = arith.constant 16 : i32
      %div3A_155 = arith.divsi %scan3A_70, %jit3A_154 : i32
      %sign3A_156 = arith.constant 0 : i32
      %sign3A_157 = arith.cmpi sgt, %scan3A_70, %sign3A_156 : i32
      %sign3A_158 = arith.extui %sign3A_157 : i1 to i32
      %sign3A_159 = arith.constant 0 : i32
      %sign3A_160 = arith.cmpi slt, %scan3A_70, %sign3A_159 : i32
      %sign3A_161 = arith.extui %sign3A_160 : i1 to i32
      %sign3A_162 = arith.subi %sign3A_158, %sign3A_161 : i32
      %sign3A_163 = arith.constant 0 : i32
      %sign3A_164 = arith.cmpi sgt, %jit3A_154, %sign3A_163 : i32
      %sign3A_165 = arith.extui %sign3A_164 : i1 to i32
      %sign3A_166 = arith.constant 0 : i32
      %sign3A_167 = arith.cmpi slt, %jit3A_154, %sign3A_166 : i32
      %sign3A_168 = arith.extui %sign3A_167 : i1 to i32
      %sign3A_169 = arith.subi %sign3A_165, %sign3A_168 : i32
      %ne3A_170 = arith.cmpi ne, %sign3A_162, %sign3A_169 : i32
      %rem3A_171 = arith.remsi %scan3A_70, %jit3A_154 : i32
      %ne3A_172 = arith.constant 0 : i32
      %ne3A_173 = arith.cmpi ne, %rem3A_171, %ne3A_172 : i32
      %and3A_174 = arith.andi %ne3A_170, %ne3A_173 : i1
      %sub3A_175 = arith.constant 1 : i32
      %sub3A_176 = arith.subi %div3A_155, %sub3A_175 : i32
      %select_n3A_177 = arith.select %and3A_174, %sub3A_176, %div3A_155 : i32
      %add3A_178 = arith.constant 1 : i32
      %add3A_179 = arith.addi %select_n3A_177, %add3A_178 : i32
      %lt3A = arith.constant 10 : i32
      %lt3A_180 = arith.cmpi slt, %add3A_179, %lt3A : i32
      %and3A_181 = arith.andi %eq3A_153, %lt3A_180 : i1
      %convert_element_type3A = arith.extui %and3A_181 : i1 to i32
      %cond3A = arith.constant 0 : i32
      %cond3A_182 = arith.cmpi ne, %convert_element_type3A, %cond3A : i32
      scf.if %cond3A_182 {
        %jit3A_248 = arith.constant 16 : i32
        %div3A_249 = arith.divsi %scan3A_70, %jit3A_248 : i32
        %sign3A_250 = arith.constant 0 : i32
        %sign3A_251 = arith.cmpi sgt, %scan3A_70, %sign3A_250 : i32
        %sign3A_252 = arith.extui %sign3A_251 : i1 to i32
        %sign3A_253 = arith.constant 0 : i32
        %sign3A_254 = arith.cmpi slt, %scan3A_70, %sign3A_253 : i32
        %sign3A_255 = arith.extui %sign3A_254 : i1 to i32
        %sign3A_256 = arith.subi %sign3A_252, %sign3A_255 : i32
        %sign3A_257 = arith.constant 0 : i32
        %sign3A_258 = arith.cmpi sgt, %jit3A_248, %sign3A_257 : i32
        %sign3A_259 = arith.extui %sign3A_258 : i1 to i32
        %sign3A_260 = arith.constant 0 : i32
        %sign3A_261 = arith.cmpi slt, %jit3A_248, %sign3A_260 : i32
        %sign3A_262 = arith.extui %sign3A_261 : i1 to i32
        %sign3A_263 = arith.subi %sign3A_259, %sign3A_262 : i32
        %ne3A_264 = arith.cmpi ne, %sign3A_256, %sign3A_263 : i32
        %rem3A_265 = arith.remsi %scan3A_70, %jit3A_248 : i32
        %ne3A_266 = arith.constant 0 : i32
        %ne3A_267 = arith.cmpi ne, %rem3A_265, %ne3A_266 : i32
        %and3A_268 = arith.andi %ne3A_264, %ne3A_267 : i1
        %sub3A_269 = arith.constant 1 : i32
        %sub3A_270 = arith.subi %div3A_249, %sub3A_269 : i32
        %select_n3A_271 = arith.select %and3A_268, %sub3A_270, %div3A_249 : i32
        %add3A_272 = arith.constant 1 : i32
        %add3A_273 = arith.addi %select_n3A_271, %add3A_272 : i32
        %rem3A_274 = arith.constant 2 : i32
        %rem3A_275 = arith.remsi %add3A_273, %rem3A_274 : i32
        %mul3A_276 = arith.constant 16 : i32
        %mul3A_277 = arith.muli %rem3A_275, %mul3A_276 : i32
        %mul3A_278 = arith.constant 16 : i32
        %mul3A_279 = arith.muli %add3A_273, %mul3A_278 : i32
        %add3A_280 = arith.addi %mul3A_2, %mul3A_279 : i32
        %dma_start3A_281 = arith.constant 0 : i32
        %dma_start3A_282 = tpu.memref_slice %arg7[%mul3A_277, %dma_start3A_281] : memref<32x128xi32, #tpu.memory_space<vmem>> -> memref<16x128xi32, #tpu.memory_space<vmem>>
        %dma_start3A_283 = arith.constant 0 : i32
        %dma_start3A_284 = tpu.memref_slice %arg3[%arg0, %add3A_280, %dma_start3A_283] : memref<2x2560x128xi32, #tpu.memory_space<hbm>> -> memref<1x16x128xi32, #tpu.memory_space<hbm>>
        %dma_start3A_285 = tpu.memref_squeeze %dma_start3A_284 : memref<1x16x128xi32, #tpu.memory_space<hbm>> -> memref<16x128xi32, #tpu.memory_space<hbm>>
        %dma_start3A_286 = arith.constant 0 : i32
        %dma_start3A_287 = tpu.memref_slice %arg7[%mul3A_277, %dma_start3A_286] : memref<32x128xi32, #tpu.memory_space<vmem>> -> memref<16x128xi32, #tpu.memory_space<vmem>>
        %dma_start3A_288 = arith.constant 0 : i32
        %dma_start3A_289 = tpu.memref_slice %arg3[%arg0, %add3A_280, %dma_start3A_288] : memref<2x2560x128xi32, #tpu.memory_space<hbm>> -> memref<1x16x128xi32, #tpu.memory_space<hbm>>
        %dma_start3A_290 = tpu.memref_squeeze %dma_start3A_289 : memref<1x16x128xi32, #tpu.memory_space<hbm>> -> memref<16x128xi32, #tpu.memory_space<hbm>>
        tpu.enqueue_dma source(%dma_start3A_290 : memref<16x128xi32, #tpu.memory_space<hbm>>) target(%dma_start3A_287 : memref<16x128xi32, #tpu.memory_space<vmem>>) target_semaphore(%arg12 : memref<!tpu.dma_semaphore, #tpu.memory_space<semaphore_mem>>)
        %mul3A_291 = arith.constant 16 : i32
        %mul3A_292 = arith.muli %add3A_273, %mul3A_291 : i32
        %add3A_293 = arith.addi %mul3A_2, %mul3A_292 : i32
        %dma_start3A_294 = arith.constant 0 : i32
        %dma_start3A_295 = tpu.memref_slice %arg8[%mul3A_277, %dma_start3A_294] : memref<32x128xi32, #tpu.memory_space<vmem>> -> memref<16x128xi32, #tpu.memory_space<vmem>>
        %dma_start3A_296 = arith.constant 0 : i32
        %dma_start3A_297 = tpu.memref_slice %arg4[%add3A_293, %dma_start3A_296] : memref<2560x128xi32, #tpu.memory_space<hbm>> -> memref<16x128xi32, #tpu.memory_space<hbm>>
        %dma_start3A_298 = arith.constant 0 : i32
        %dma_start3A_299 = tpu.memref_slice %arg8[%mul3A_277, %dma_start3A_298] : memref<32x128xi32, #tpu.memory_space<vmem>> -> memref<16x128xi32, #tpu.memory_space<vmem>>
        %dma_start3A_300 = arith.constant 0 : i32
        %dma_start3A_301 = tpu.memref_slice %arg4[%add3A_293, %dma_start3A_300] : memref<2560x128xi32, #tpu.memory_space<hbm>> -> memref<16x128xi32, #tpu.memory_space<hbm>>
        tpu.enqueue_dma source(%dma_start3A_301 : memref<16x128xi32, #tpu.memory_space<hbm>>) target(%dma_start3A_299 : memref<16x128xi32, #tpu.memory_space<vmem>>) target_semaphore(%arg12 : memref<!tpu.dma_semaphore, #tpu.memory_space<semaphore_mem>>)
      } else {
      }
      %add3A_183 = arith.constant 2 : i32
      %add3A_184 = arith.addi %scan3A_70, %add3A_183 : i32
      %rem3A_185 = arith.constant 16 : i32
      %rem3A_186 = arith.remsi %add3A_184, %rem3A_185 : i32
      %eq3A_187 = arith.constant 0 : i32
      %eq3A_188 = arith.cmpi eq, %rem3A_186, %eq3A_187 : i32
      %add3A_189 = arith.constant 2 : i32
      %add3A_190 = arith.addi %scan3A_70, %add3A_189 : i32
      %lt3A_191 = arith.constant 160 : i32
      %lt3A_192 = arith.cmpi slt, %add3A_190, %lt3A_191 : i32
      %and3A_193 = arith.andi %eq3A_188, %lt3A_192 : i1
      %convert_element_type3A_194 = arith.extui %and3A_193 : i1 to i32
      %cond3A_195 = arith.constant 0 : i32
      %cond3A_196 = arith.cmpi ne, %convert_element_type3A_194, %cond3A_195 : i32
      scf.if %cond3A_196 {
        %add3A_248 = arith.constant 2 : i32
        %add3A_249 = arith.addi %scan3A_70, %add3A_248 : i32
        %jit3A_250 = arith.constant 16 : i32
        %div3A_251 = arith.divsi %add3A_249, %jit3A_250 : i32
        %sign3A_252 = arith.constant 0 : i32
        %sign3A_253 = arith.cmpi sgt, %add3A_249, %sign3A_252 : i32
        %sign3A_254 = arith.extui %sign3A_253 : i1 to i32
        %sign3A_255 = arith.constant 0 : i32
        %sign3A_256 = arith.cmpi slt, %add3A_249, %sign3A_255 : i32
        %sign3A_257 = arith.extui %sign3A_256 : i1 to i32
        %sign3A_258 = arith.subi %sign3A_254, %sign3A_257 : i32
        %sign3A_259 = arith.constant 0 : i32
        %sign3A_260 = arith.cmpi sgt, %jit3A_250, %sign3A_259 : i32
        %sign3A_261 = arith.extui %sign3A_260 : i1 to i32
        %sign3A_262 = arith.constant 0 : i32
        %sign3A_263 = arith.cmpi slt, %jit3A_250, %sign3A_262 : i32
        %sign3A_264 = arith.extui %sign3A_263 : i1 to i32
        %sign3A_265 = arith.subi %sign3A_261, %sign3A_264 : i32
        %ne3A_266 = arith.cmpi ne, %sign3A_258, %sign3A_265 : i32
        %rem3A_267 = arith.remsi %add3A_249, %jit3A_250 : i32
        %ne3A_268 = arith.constant 0 : i32
        %ne3A_269 = arith.cmpi ne, %rem3A_267, %ne3A_268 : i32
        %and3A_270 = arith.andi %ne3A_266, %ne3A_269 : i1
        %sub3A_271 = arith.constant 1 : i32
        %sub3A_272 = arith.subi %div3A_251, %sub3A_271 : i32
        %select_n3A_273 = arith.select %and3A_270, %sub3A_272, %div3A_251 : i32
        %rem3A_274 = arith.constant 2 : i32
        %rem3A_275 = arith.remsi %select_n3A_273, %rem3A_274 : i32
        %mul3A_276 = arith.constant 16 : i32
        %mul3A_277 = arith.muli %rem3A_275, %mul3A_276 : i32
        %mul3A_278 = arith.constant 16 : i32
        %mul3A_279 = arith.muli %select_n3A_273, %mul3A_278 : i32
        %add3A_280 = arith.addi %mul3A_2, %mul3A_279 : i32
        %dma_wait3A_281 = arith.constant 0 : i32
        %dma_wait3A_282 = tpu.memref_slice %arg7[%mul3A_277, %dma_wait3A_281] : memref<32x128xi32, #tpu.memory_space<vmem>> -> memref<16x128xi32, #tpu.memory_space<vmem>>
        %dma_wait3A_283 = arith.constant 0 : i32
        %dma_wait3A_284 = tpu.memref_slice %arg3[%arg0, %add3A_280, %dma_wait3A_283] : memref<2x2560x128xi32, #tpu.memory_space<hbm>> -> memref<1x16x128xi32, #tpu.memory_space<hbm>>
        %dma_wait3A_285 = tpu.memref_squeeze %dma_wait3A_284 : memref<1x16x128xi32, #tpu.memory_space<hbm>> -> memref<16x128xi32, #tpu.memory_space<hbm>>
        %dma_wait3A_286 = arith.constant 0 : i32
        %dma_wait3A_287 = tpu.memref_slice %arg7[%mul3A_277, %dma_wait3A_286] : memref<32x128xi32, #tpu.memory_space<vmem>> -> memref<16x128xi32, #tpu.memory_space<vmem>>
        %dma_wait3A_288 = arith.constant 0 : i32
        %dma_wait3A_289 = tpu.memref_slice %arg3[%arg0, %add3A_280, %dma_wait3A_288] : memref<2x2560x128xi32, #tpu.memory_space<hbm>> -> memref<1x16x128xi32, #tpu.memory_space<hbm>>
        %dma_wait3A_290 = tpu.memref_squeeze %dma_wait3A_289 : memref<1x16x128xi32, #tpu.memory_space<hbm>> -> memref<16x128xi32, #tpu.memory_space<hbm>>
        tpu.wait_dma2 semaphore(%arg12 : memref<!tpu.dma_semaphore, #tpu.memory_space<semaphore_mem>>) src(%dma_wait3A_290 : memref<16x128xi32, #tpu.memory_space<hbm>>) dst(%dma_wait3A_287 : memref<16x128xi32, #tpu.memory_space<vmem>>)
        %mul3A_291 = arith.constant 16 : i32
        %mul3A_292 = arith.muli %select_n3A_273, %mul3A_291 : i32
        %add3A_293 = arith.addi %mul3A_2, %mul3A_292 : i32
        %dma_wait3A_294 = arith.constant 0 : i32
        %dma_wait3A_295 = tpu.memref_slice %arg8[%mul3A_277, %dma_wait3A_294] : memref<32x128xi32, #tpu.memory_space<vmem>> -> memref<16x128xi32, #tpu.memory_space<vmem>>
        %dma_wait3A_296 = arith.constant 0 : i32
        %dma_wait3A_297 = tpu.memref_slice %arg4[%add3A_293, %dma_wait3A_296] : memref<2560x128xi32, #tpu.memory_space<hbm>> -> memref<16x128xi32, #tpu.memory_space<hbm>>
        %dma_wait3A_298 = arith.constant 0 : i32
        %dma_wait3A_299 = tpu.memref_slice %arg8[%mul3A_277, %dma_wait3A_298] : memref<32x128xi32, #tpu.memory_space<vmem>> -> memref<16x128xi32, #tpu.memory_space<vmem>>
        %dma_wait3A_300 = arith.constant 0 : i32
        %dma_wait3A_301 = tpu.memref_slice %arg4[%add3A_293, %dma_wait3A_300] : memref<2560x128xi32, #tpu.memory_space<hbm>> -> memref<16x128xi32, #tpu.memory_space<hbm>>
        tpu.wait_dma2 semaphore(%arg12 : memref<!tpu.dma_semaphore, #tpu.memory_space<semaphore_mem>>) src(%dma_wait3A_301 : memref<16x128xi32, #tpu.memory_space<hbm>>) dst(%dma_wait3A_299 : memref<16x128xi32, #tpu.memory_space<vmem>>)
      } else {
      }
      %rem3A_197 = arith.constant 2 : i32
      %rem3A_198 = arith.remsi %scan3A_70, %rem3A_197 : i32
      %mul3A_199 = arith.constant 128 : i32
      %mul3A_200 = arith.muli %rem3A_198, %mul3A_199 : i32
      %jit3A_201 = arith.constant 16 : i32
      %div3A_202 = arith.divsi %scan3A_70, %jit3A_201 : i32
      %sign3A_203 = arith.constant 0 : i32
      %sign3A_204 = arith.cmpi sgt, %scan3A_70, %sign3A_203 : i32
      %sign3A_205 = arith.extui %sign3A_204 : i1 to i32
      %sign3A_206 = arith.constant 0 : i32
      %sign3A_207 = arith.cmpi slt, %scan3A_70, %sign3A_206 : i32
      %sign3A_208 = arith.extui %sign3A_207 : i1 to i32
      %sign3A_209 = arith.subi %sign3A_205, %sign3A_208 : i32
      %sign3A_210 = arith.constant 0 : i32
      %sign3A_211 = arith.cmpi sgt, %jit3A_201, %sign3A_210 : i32
      %sign3A_212 = arith.extui %sign3A_211 : i1 to i32
      %sign3A_213 = arith.constant 0 : i32
      %sign3A_214 = arith.cmpi slt, %jit3A_201, %sign3A_213 : i32
      %sign3A_215 = arith.extui %sign3A_214 : i1 to i32
      %sign3A_216 = arith.subi %sign3A_212, %sign3A_215 : i32
      %ne3A_217 = arith.cmpi ne, %sign3A_209, %sign3A_216 : i32
      %rem3A_218 = arith.remsi %scan3A_70, %jit3A_201 : i32
      %ne3A_219 = arith.constant 0 : i32
      %ne3A_220 = arith.cmpi ne, %rem3A_218, %ne3A_219 : i32
      %and3A_221 = arith.andi %ne3A_217, %ne3A_220 : i1
      %sub3A_222 = arith.constant 1 : i32
      %sub3A_223 = arith.subi %div3A_202, %sub3A_222 : i32
      %select_n3A_224 = arith.select %and3A_221, %sub3A_223, %div3A_202 : i32
      %rem3A_225 = arith.constant 2 : i32
      %rem3A_226 = arith.remsi %select_n3A_224, %rem3A_225 : i32
      %mul3A_227 = arith.constant 16 : i32
      %mul3A_228 = arith.muli %rem3A_226, %mul3A_227 : i32
      %rem3A_229 = arith.constant 16 : i32
      %rem3A_230 = arith.remsi %scan3A_70, %rem3A_229 : i32
      %add3A_231 = arith.addi %mul3A_228, %rem3A_230 : i32
      %dma_wait3A_232 = arith.constant 0 : i32
      %dma_wait3A_233 = tpu.memref_slice %arg9[%mul3A_200, %dma_wait3A_232] : memref<256x128xf32, #tpu.memory_space<vmem>> -> memref<128x128xf32, #tpu.memory_space<vmem>>
      %dma_wait3A_234 = arith.constant 0 : i32
      %dma_wait3A_235 = tpu.memref_slice %arg8[%add3A_231, %dma_wait3A_234] : memref<32x128xi32, #tpu.memory_space<vmem>> -> memref<1x128xi32, #tpu.memory_space<vmem>>
      %dma_wait3A_236 = tpu.memref_squeeze %dma_wait3A_235 : memref<1x128xi32, #tpu.memory_space<vmem>> -> memref<128xi32, #tpu.memory_space<vmem>>
      %dma_wait3A_237 = arith.constant 0 : i32
      %dma_wait3A_238 = arith.constant 0 : i32
      %dma_wait3A_239 = tpu.memref_slice %arg6[%dma_wait3A_237, %dma_wait3A_238] : memref<10240x128xf32, #tpu.memory_space<vmem_shared>> -> memref<10240x128xf32, #tpu.memory_space<vmem_shared>>
      tpu.wait_indirect_dma semaphore(%arg11 : memref<!tpu.dma_semaphore, #tpu.memory_space<semaphore_mem>>) src(%dma_wait3A_233 : memref<128x128xf32, #tpu.memory_space<vmem>>) dst(%dma_wait3A_239 : memref<10240x128xf32, #tpu.memory_space<vmem_shared>>)
      %add3A_240 = arith.constant 2 : i32
      %add3A_241 = arith.addi %scan3A_70, %add3A_240 : i32
      %lt3A_242 = arith.constant 160 : i32
      %lt3A_243 = arith.cmpi slt, %add3A_241, %lt3A_242 : i32
      %convert_element_type3A_244 = arith.extui %lt3A_243 : i1 to i32
      %cond3A_245 = arith.constant 0 : i32
      %cond3A_246 = arith.cmpi ne, %convert_element_type3A_244, %cond3A_245 : i32
      scf.if %cond3A_246 {
        %add3A_248 = arith.constant 2 : i32
        %add3A_249 = arith.addi %scan3A_70, %add3A_248 : i32
        %rem3A_250 = arith.constant 2 : i32
        %rem3A_251 = arith.remsi %add3A_249, %rem3A_250 : i32
        %mul3A_252 = arith.constant 128 : i32
        %mul3A_253 = arith.muli %rem3A_251, %mul3A_252 : i32
        %jit3A_254 = arith.constant 16 : i32
        %div3A_255 = arith.divsi %add3A_249, %jit3A_254 : i32
        %sign3A_256 = arith.constant 0 : i32
        %sign3A_257 = arith.cmpi sgt, %add3A_249, %sign3A_256 : i32
        %sign3A_258 = arith.extui %sign3A_257 : i1 to i32
        %sign3A_259 = arith.constant 0 : i32
        %sign3A_260 = arith.cmpi slt, %add3A_249, %sign3A_259 : i32
        %sign3A_261 = arith.extui %sign3A_260 : i1 to i32
        %sign3A_262 = arith.subi %sign3A_258, %sign3A_261 : i32
        %sign3A_263 = arith.constant 0 : i32
        %sign3A_264 = arith.cmpi sgt, %jit3A_254, %sign3A_263 : i32
        %sign3A_265 = arith.extui %sign3A_264 : i1 to i32
        %sign3A_266 = arith.constant 0 : i32
        %sign3A_267 = arith.cmpi slt, %jit3A_254, %sign3A_266 : i32
        %sign3A_268 = arith.extui %sign3A_267 : i1 to i32
        %sign3A_269 = arith.subi %sign3A_265, %sign3A_268 : i32
        %ne3A_270 = arith.cmpi ne, %sign3A_262, %sign3A_269 : i32
        %rem3A_271 = arith.remsi %add3A_249, %jit3A_254 : i32
        %ne3A_272 = arith.constant 0 : i32
        %ne3A_273 = arith.cmpi ne, %rem3A_271, %ne3A_272 : i32
        %and3A_274 = arith.andi %ne3A_270, %ne3A_273 : i1
        %sub3A_275 = arith.constant 1 : i32
        %sub3A_276 = arith.subi %div3A_255, %sub3A_275 : i32
        %select_n3A_277 = arith.select %and3A_274, %sub3A_276, %div3A_255 : i32
        %rem3A_278 = arith.constant 2 : i32
        %rem3A_279 = arith.remsi %select_n3A_277, %rem3A_278 : i32
        %mul3A_280 = arith.constant 16 : i32
        %mul3A_281 = arith.muli %rem3A_279, %mul3A_280 : i32
        %rem3A_282 = arith.constant 16 : i32
        %rem3A_283 = arith.remsi %add3A_249, %rem3A_282 : i32
        %add3A_284 = arith.addi %mul3A_281, %rem3A_283 : i32
        %dma_start3A_285 = arith.constant 0 : i32
        %dma_start3A_286 = tpu.memref_slice %arg9[%mul3A_253, %dma_start3A_285] : memref<256x128xf32, #tpu.memory_space<vmem>> -> memref<128x128xf32, #tpu.memory_space<vmem>>
        %dma_start3A_287 = arith.constant 0 : i32
        %dma_start3A_288 = tpu.memref_slice %arg7[%add3A_284, %dma_start3A_287] : memref<32x128xi32, #tpu.memory_space<vmem>> -> memref<1x128xi32, #tpu.memory_space<vmem>>
        %dma_start3A_289 = tpu.memref_squeeze %dma_start3A_288 : memref<1x128xi32, #tpu.memory_space<vmem>> -> memref<128xi32, #tpu.memory_space<vmem>>
        %dma_start3A_290 = arith.constant 0 : i32
        %dma_start3A_291 = arith.constant 0 : i32
        %dma_start3A_292 = tpu.memref_slice %arg2[%dma_start3A_290, %dma_start3A_291] : memref<20480x128xf32, #tpu.memory_space<hbm>> -> memref<20480x128xf32, #tpu.memory_space<hbm>>
        tpu.enqueue_indirect_dma source(%dma_start3A_292 : memref<20480x128xf32, #tpu.memory_space<hbm>>) target(%dma_start3A_286 : memref<128x128xf32, #tpu.memory_space<vmem>>) offsets(%dma_start3A_289 : memref<128xi32, #tpu.memory_space<vmem>>) semaphore(%arg10 : memref<!tpu.dma_semaphore, #tpu.memory_space<semaphore_mem>>)
      } else {
      }
      %scan3A_247 = arith.constant 0 : i32
      scf.yield %scan3A_247 : i32
    }
    %scan3A_68 = arith.constant 160 : i32
    %barrier3A_69 = arith.constant 0 : index
    tpu.barrier barrier_id(%barrier3A_69)
    "tpu.region"() ({
      %run_scoped3A = tpu.sem_alloc : memref<!tpu.dma_semaphore, #tpu.memory_space<semaphore_mem>>
      %dma_start3A_70 = arith.constant 0 : i32
      %dma_start3A_71 = tpu.memref_slice %arg5[%arg0, %mul3A_0, %dma_start3A_70] : memref<2x10240x128xf32, #tpu.memory_space<hbm>> -> memref<1x640x128xf32, #tpu.memory_space<hbm>>
      %dma_start3A_72 = tpu.memref_squeeze %dma_start3A_71 : memref<1x640x128xf32, #tpu.memory_space<hbm>> -> memref<640x128xf32, #tpu.memory_space<hbm>>
      %dma_start3A_73 = arith.constant 0 : i32
      %dma_start3A_74 = tpu.memref_slice %arg6[%mul3A_0, %dma_start3A_73] : memref<10240x128xf32, #tpu.memory_space<vmem_shared>> -> memref<640x128xf32, #tpu.memory_space<vmem_shared>>
      tpu.enqueue_dma source(%dma_start3A_74 : memref<640x128xf32, #tpu.memory_space<vmem_shared>>) target(%dma_start3A_72 : memref<640x128xf32, #tpu.memory_space<hbm>>) target_semaphore(%run_scoped3A : memref<!tpu.dma_semaphore, #tpu.memory_space<semaphore_mem>>)
      %dma_wait3A_75 = arith.constant 0 : i32
      %dma_wait3A_76 = tpu.memref_slice %arg5[%arg0, %mul3A_0, %dma_wait3A_75] : memref<2x10240x128xf32, #tpu.memory_space<hbm>> -> memref<1x640x128xf32, #tpu.memory_space<hbm>>
      %dma_wait3A_77 = tpu.memref_squeeze %dma_wait3A_76 : memref<1x640x128xf32, #tpu.memory_space<hbm>> -> memref<640x128xf32, #tpu.memory_space<hbm>>
      %dma_wait3A_78 = arith.constant 0 : i32
      %dma_wait3A_79 = tpu.memref_slice %arg6[%mul3A_0, %dma_wait3A_78] : memref<10240x128xf32, #tpu.memory_space<vmem_shared>> -> memref<640x128xf32, #tpu.memory_space<vmem_shared>>
      tpu.wait_dma2 semaphore(%run_scoped3A : memref<!tpu.dma_semaphore, #tpu.memory_space<semaphore_mem>>) src(%dma_wait3A_79 : memref<640x128xf32, #tpu.memory_space<vmem_shared>>) dst(%dma_wait3A_77 : memref<640x128xf32, #tpu.memory_space<hbm>>)
      tpu.yield
    }) : () -> ()
    return
  }
}

module attributes {stable_mosaic.version = 14 : i64} {
  func.func @_k0_body(%arg0: i32, %arg1: memref<640x128xf32, #tpu.memory_space<vmem>>, %arg2: memref<128x256xf32, #tpu.memory_space<vmem>>, %arg3: memref<640x1xf32, #tpu.memory_space<vmem>>, %arg4: memref<2x640x128xf32, #tpu.memory_space<vmem>>) attributes {dimension_semantics = [#tpu.dimension_semantics<arbitrary>], iteration_bounds = array<i64: 16>, scalar_prefetch = 0 : i64, scratch_operands = 0 : i64, tpu.core_type = #tpu.core_type<tc>, window_params = [{transform_indices = @transform_0, window_bounds = array<i64: 640, 128>}, {pipeline_mode = #tpu.pipeline_mode<synchronous>, transform_indices = @transform_1, window_bounds = array<i64: 128, 256>}, {transform_indices = @transform_2, window_bounds = array<i64: 640, 1>}, {transform_indices = @transform_3, window_bounds = array<i64: 2, 640, 128>}]} {
    %get3A = arith.constant 0 : index
    %get3A_0 = arith.constant 0 : index
    %get3A_1 = vector.load %arg1[%get3A, %get3A_0] : memref<640x128xf32, #tpu.memory_space<vmem>>, vector<640x128xf32>
    %get3A_2 = arith.constant 0 : index
    %get3A_3 = arith.constant 0 : index
    %get3A_4 = vector.load %arg2[%get3A_2, %get3A_3] : memref<128x256xf32, #tpu.memory_space<vmem>>, vector<128x256xf32>
    %dot_general3A = arith.constant dense<0.000000e+00> : vector<640x256xf32>
    %dot_general3A_5 = tpu.matmul %get3A_1, %get3A_4, %dot_general3A {dimension_numbers = #tpu.dot_dimension_numbers<[1], [0], [0], [1], [0, 0, 1, 1], [], []>, transpose_lhs_hint = false} : vector<640x128xf32>, vector<128x256xf32>, vector<640x256xf32> -> vector<640x256xf32>
    %get3A_6 = arith.constant 0 : index
    %get3A_7 = arith.constant 0 : index
    %get3A_8 = vector.load %arg3[%get3A_6, %get3A_7] : memref<640x1xf32, #tpu.memory_space<vmem>>, vector<640x1xf32>
    %mul3A = vector.broadcast %get3A_8 : vector<640x1xf32> to vector<640x256xf32>
    %mul3A_9 = arith.mulf %mul3A, %dot_general3A_5 : vector<640x256xf32>
    %slice3A = vector.extract_strided_slice %mul3A_9 {offsets = [0, 0], sizes = [640, 128], strides = [1, 1]} : vector<640x256xf32> to vector<640x128xf32>
    %swap3A = arith.constant 0 : index
    %swap3A_10 = arith.constant 0 : index
    %swap3A_11 = arith.constant 0 : index
    %swap3A_12 = vector.load %arg4[%swap3A, %swap3A_10, %swap3A_11] : memref<2x640x128xf32, #tpu.memory_space<vmem>>, vector<1x640x128xf32>
    %swap3A_13 = vector.shape_cast %swap3A_12 : vector<1x640x128xf32> to vector<640x128xf32>
    %swap3A_14 = vector.shape_cast %slice3A : vector<640x128xf32> to vector<1x640x128xf32>
    tpu.vector_store %arg4[%swap3A, %swap3A_10, %swap3A_11], %swap3A_14 {strides = array<i32>} : memref<2x640x128xf32, #tpu.memory_space<vmem>>, vector<1x640x128xf32>,
    %slice3A_15 = vector.extract_strided_slice %mul3A_9 {offsets = [0, 128], sizes = [640, 128], strides = [1, 1]} : vector<640x256xf32> to vector<640x128xf32>
    %swap3A_16 = arith.constant 1 : index
    %swap3A_17 = arith.constant 0 : index
    %swap3A_18 = arith.constant 0 : index
    %swap3A_19 = vector.load %arg4[%swap3A_16, %swap3A_17, %swap3A_18] : memref<2x640x128xf32, #tpu.memory_space<vmem>>, vector<1x640x128xf32>
    %swap3A_20 = vector.shape_cast %swap3A_19 : vector<1x640x128xf32> to vector<640x128xf32>
    %swap3A_21 = vector.shape_cast %slice3A_15 : vector<640x128xf32> to vector<1x640x128xf32>
    tpu.vector_store %arg4[%swap3A_16, %swap3A_17, %swap3A_18], %swap3A_21 {strides = array<i32>} : memref<2x640x128xf32, #tpu.memory_space<vmem>>, vector<1x640x128xf32>,
    return
  }
  func.func @transform_0(%arg0: i32) -> (i32, i32) {
    %c0_i32 = arith.constant 0 : i32
    %c0_i32_0 = arith.constant 0 : i32
    return %arg0, %c0_i32 : i32, i32
  }
  func.func @transform_1(%arg0: i32) -> (i32, i32) {
    %c0_i32 = arith.constant 0 : i32
    %c0_i32_0 = arith.constant 0 : i32
    %c0_i32_1 = arith.constant 0 : i32
    return %c0_i32, %c0_i32_0 : i32, i32
  }
  func.func @transform_2(%arg0: i32) -> (i32, i32) {
    %c0_i32 = arith.constant 0 : i32
    %c0_i32_0 = arith.constant 0 : i32
    return %arg0, %c0_i32 : i32, i32
  }
  func.func @transform_3(%arg0: i32) -> (i32, i32, i32) {
    %c0_i32 = arith.constant 0 : i32
    %c0_i32_0 = arith.constant 0 : i32
    %c0_i32_1 = arith.constant 0 : i32
    return %c0_i32, %arg0, %c0_i32_0 : i32, i32, i32
  }
}

module attributes {stable_mosaic.version = 14 : i64} {
  func.func @_mid_body(%arg0: i32, %arg1: memref<2x640x128xf32, #tpu.memory_space<vmem>>, %arg2: memref<640x1xf32, #tpu.memory_space<vmem>>, %arg3: memref<1x256xf32, #tpu.memory_space<vmem>>, %arg4: memref<256x256xf32, #tpu.memory_space<vmem>>, %arg5: memref<2x640x128xf32, #tpu.memory_space<vmem>>) attributes {dimension_semantics = [#tpu.dimension_semantics<arbitrary>], iteration_bounds = array<i64: 16>, scalar_prefetch = 0 : i64, scratch_operands = 0 : i64, tpu.core_type = #tpu.core_type<tc>, window_params = [{transform_indices = @transform_0, window_bounds = array<i64: 2, 640, 128>}, {transform_indices = @transform_1, window_bounds = array<i64: 640, 1>}, {pipeline_mode = #tpu.pipeline_mode<synchronous>, transform_indices = @transform_2, window_bounds = array<i64: 1, 256>}, {pipeline_mode = #tpu.pipeline_mode<synchronous>, transform_indices = @transform_3, window_bounds = array<i64: 256, 256>}, {transform_indices = @transform_4, window_bounds = array<i64: 2, 640, 128>}]} {
    %get3A = arith.constant 0 : index
    %get3A_0 = arith.constant 0 : index
    %get3A_1 = arith.constant 0 : index
    %get3A_2 = vector.load %arg1[%get3A, %get3A_0, %get3A_1] : memref<2x640x128xf32, #tpu.memory_space<vmem>>, vector<1x640x128xf32>
    %get3A_3 = vector.shape_cast %get3A_2 : vector<1x640x128xf32> to vector<640x128xf32>
    %get3A_4 = arith.constant 1 : index
    %get3A_5 = arith.constant 0 : index
    %get3A_6 = arith.constant 0 : index
    %get3A_7 = vector.load %arg1[%get3A_4, %get3A_5, %get3A_6] : memref<2x640x128xf32, #tpu.memory_space<vmem>>, vector<1x640x128xf32>
    %get3A_8 = vector.shape_cast %get3A_7 : vector<1x640x128xf32> to vector<640x128xf32>
    %concatenate3A = tpu.concatenate %get3A_3, %get3A_8 in 1 : vector<640x128xf32>, vector<640x128xf32> -> vector<640x256xf32>
    %get3A_9 = arith.constant 0 : index
    %get3A_10 = arith.constant 0 : index
    %get3A_11 = vector.load %arg2[%get3A_9, %get3A_10] : memref<640x1xf32, #tpu.memory_space<vmem>>, vector<640x1xf32>
    %mul3A = vector.broadcast %get3A_11 : vector<640x1xf32> to vector<640x256xf32>
    %mul3A_12 = arith.mulf %mul3A, %concatenate3A : vector<640x256xf32>
    %get3A_13 = arith.constant 0 : index
    %get3A_14 = arith.constant 0 : index
    %get3A_15 = vector.load %arg3[%get3A_13, %get3A_14] : memref<1x256xf32, #tpu.memory_space<vmem>>, vector<1x256xf32>
    %add3A = vector.broadcast %get3A_15 : vector<1x256xf32> to vector<640x256xf32>
    %add3A_16 = arith.addf %mul3A_12, %add3A : vector<640x256xf32>
    %max3A = arith.constant 0.000000e+00 : f32
    %max3A_17 = vector.broadcast %max3A : f32 to vector<640x256xf32>
    %max3A_18 = arith.maximumf %add3A_16, %max3A_17 : vector<640x256xf32>
    %get3A_19 = arith.constant 0 : index
    %get3A_20 = arith.constant 0 : index
    %get3A_21 = vector.load %arg4[%get3A_19, %get3A_20] : memref<256x256xf32, #tpu.memory_space<vmem>>, vector<256x256xf32>
    %dot_general3A = arith.constant dense<0.000000e+00> : vector<640x256xf32>
    %dot_general3A_22 = tpu.matmul %max3A_18, %get3A_21, %dot_general3A {dimension_numbers = #tpu.dot_dimension_numbers<[1], [0], [0], [1], [0, 0, 1, 1], [], []>, transpose_lhs_hint = false} : vector<640x256xf32>, vector<256x256xf32>, vector<640x256xf32> -> vector<640x256xf32>
    %mul3A_23 = vector.broadcast %get3A_11 : vector<640x1xf32> to vector<640x256xf32>
    %mul3A_24 = arith.mulf %mul3A_23, %dot_general3A_22 : vector<640x256xf32>
    %slice3A = vector.extract_strided_slice %mul3A_24 {offsets = [0, 0], sizes = [640, 128], strides = [1, 1]} : vector<640x256xf32> to vector<640x128xf32>
    %swap3A = arith.constant 0 : index
    %swap3A_25 = arith.constant 0 : index
    %swap3A_26 = arith.constant 0 : index
    %swap3A_27 = vector.load %arg5[%swap3A, %swap3A_25, %swap3A_26] : memref<2x640x128xf32, #tpu.memory_space<vmem>>, vector<1x640x128xf32>
    %swap3A_28 = vector.shape_cast %swap3A_27 : vector<1x640x128xf32> to vector<640x128xf32>
    %swap3A_29 = vector.shape_cast %slice3A : vector<640x128xf32> to vector<1x640x128xf32>
    tpu.vector_store %arg5[%swap3A, %swap3A_25, %swap3A_26], %swap3A_29 {strides = array<i32>} : memref<2x640x128xf32, #tpu.memory_space<vmem>>, vector<1x640x128xf32>,
    %slice3A_30 = vector.extract_strided_slice %mul3A_24 {offsets = [0, 128], sizes = [640, 128], strides = [1, 1]} : vector<640x256xf32> to vector<640x128xf32>
    %swap3A_31 = arith.constant 1 : index
    %swap3A_32 = arith.constant 0 : index
    %swap3A_33 = arith.constant 0 : index
    %swap3A_34 = vector.load %arg5[%swap3A_31, %swap3A_32, %swap3A_33] : memref<2x640x128xf32, #tpu.memory_space<vmem>>, vector<1x640x128xf32>
    %swap3A_35 = vector.shape_cast %swap3A_34 : vector<1x640x128xf32> to vector<640x128xf32>
    %swap3A_36 = vector.shape_cast %slice3A_30 : vector<640x128xf32> to vector<1x640x128xf32>
    tpu.vector_store %arg5[%swap3A_31, %swap3A_32, %swap3A_33], %swap3A_36 {strides = array<i32>} : memref<2x640x128xf32, #tpu.memory_space<vmem>>, vector<1x640x128xf32>,
    return
  }
  func.func @transform_0(%arg0: i32) -> (i32, i32, i32) {
    %c0_i32 = arith.constant 0 : i32
    %c0_i32_0 = arith.constant 0 : i32
    %c0_i32_1 = arith.constant 0 : i32
    return %c0_i32, %arg0, %c0_i32_0 : i32, i32, i32
  }
  func.func @transform_1(%arg0: i32) -> (i32, i32) {
    %c0_i32 = arith.constant 0 : i32
    %c0_i32_0 = arith.constant 0 : i32
    return %arg0, %c0_i32 : i32, i32
  }
  func.func @transform_2(%arg0: i32) -> (i32, i32) {
    %c0_i32 = arith.constant 0 : i32
    %c0_i32_0 = arith.constant 0 : i32
    %c0_i32_1 = arith.constant 0 : i32
    return %c0_i32, %c0_i32_0 : i32, i32
  }
  func.func @transform_3(%arg0: i32) -> (i32, i32) {
    %c0_i32 = arith.constant 0 : i32
    %c0_i32_0 = arith.constant 0 : i32
    %c0_i32_1 = arith.constant 0 : i32
    return %c0_i32, %c0_i32_0 : i32, i32
  }
  func.func @transform_4(%arg0: i32) -> (i32, i32, i32) {
    %c0_i32 = arith.constant 0 : i32
    %c0_i32_0 = arith.constant 0 : i32
    %c0_i32_1 = arith.constant 0 : i32
    return %c0_i32, %arg0, %c0_i32_0 : i32, i32, i32
  }
}

module attributes {stable_mosaic.version = 14 : i64} {
  func.func @_k3_body(%arg0: i32, %arg1: memref<2x640x128xf32, #tpu.memory_space<vmem>>, %arg2: memref<640x1xf32, #tpu.memory_space<vmem>>, %arg3: memref<1x256xf32, #tpu.memory_space<vmem>>, %arg4: memref<1x1x640xi32, #tpu.memory_space<vmem>>, %arg5: memref<1x256xf32, #tpu.memory_space<vmem>>, %arg6: memref<1x1xf32, #tpu.memory_space<vmem>>, %arg7: memref<64x1xf32, #tpu.memory_space<vmem>>, %arg8: memref<64x256xf32, #tpu.memory_space<vmem>>, %arg9: memref<64x1xf32, #tpu.memory_space<vmem>>) attributes {dimension_semantics = [#tpu.dimension_semantics<arbitrary>], iteration_bounds = array<i64: 16>, scalar_prefetch = 0 : i64, scratch_operands = 2 : i64, tpu.core_type = #tpu.core_type<tc>, window_params = [{transform_indices = @transform_0, window_bounds = array<i64: 2, 640, 128>}, {transform_indices = @transform_1, window_bounds = array<i64: 640, 1>}, {pipeline_mode = #tpu.pipeline_mode<synchronous>, transform_indices = @transform_2, window_bounds = array<i64: 1, 256>}, {transform_indices = @transform_3, window_bounds = array<i64: 1, 1, 640>}, {pipeline_mode = #tpu.pipeline_mode<synchronous>, transform_indices = @transform_4, window_bounds = array<i64: 1, 256>}, {pipeline_mode = #tpu.pipeline_mode<synchronous>, transform_indices = @transform_5, window_bounds = array<i64: 1, 1>}, {pipeline_mode = #tpu.pipeline_mode<synchronous>, transform_indices = @transform_6, window_bounds = array<i64: 64, 1>}]} {
    %eq3A = arith.constant 0 : i32
    %eq3A_0 = arith.cmpi eq, %arg0, %eq3A : i32
    %convert_element_type3A = arith.extui %eq3A_0 : i1 to i32
    %cond3A = arith.constant 0 : i32
    %cond3A_1 = arith.cmpi ne, %convert_element_type3A, %cond3A : i32
    scf.if %cond3A_1 {
      %broadcast_in_dim3A_50 = arith.constant 0.000000e+00 : f32
      %broadcast_in_dim3A_51 = vector.broadcast %broadcast_in_dim3A_50 : f32 to vector<64x256xf32>
      %swap3A_52 = arith.constant 0 : index
      %swap3A_53 = arith.constant 0 : index
      %swap3A_54 = vector.load %arg8[%swap3A_52, %swap3A_53] : memref<64x256xf32, #tpu.memory_space<vmem>>, vector<64x256xf32>
      tpu.vector_store %arg8[%swap3A_52, %swap3A_53], %broadcast_in_dim3A_51 {strides = array<i32>} : memref<64x256xf32, #tpu.memory_space<vmem>>, vector<64x256xf32>,
      %broadcast_in_dim3A_55 = arith.constant 0.000000e+00 : f32
      %broadcast_in_dim3A_56 = vector.broadcast %broadcast_in_dim3A_55 : f32 to vector<64x1xf32>
      %swap3A_57 = arith.constant 0 : index
      %swap3A_58 = arith.constant 0 : index
      %swap3A_59 = vector.load %arg9[%swap3A_57, %swap3A_58] : memref<64x1xf32, #tpu.memory_space<vmem>>, vector<64x1xf32>
      tpu.vector_store %arg9[%swap3A_57, %swap3A_58], %broadcast_in_dim3A_56 {strides = array<i32>} : memref<64x1xf32, #tpu.memory_space<vmem>>, vector<64x1xf32>,
    } else {
    }
    %get3A = arith.constant 0 : index
    %get3A_2 = arith.constant 0 : index
    %get3A_3 = arith.constant 0 : index
    %get3A_4 = vector.load %arg1[%get3A, %get3A_2, %get3A_3] : memref<2x640x128xf32, #tpu.memory_space<vmem>>, vector<1x640x128xf32>
    %get3A_5 = vector.shape_cast %get3A_4 : vector<1x640x128xf32> to vector<640x128xf32>
    %get3A_6 = arith.constant 1 : index
    %get3A_7 = arith.constant 0 : index
    %get3A_8 = arith.constant 0 : index
    %get3A_9 = vector.load %arg1[%get3A_6, %get3A_7, %get3A_8] : memref<2x640x128xf32, #tpu.memory_space<vmem>>, vector<1x640x128xf32>
    %get3A_10 = vector.shape_cast %get3A_9 : vector<1x640x128xf32> to vector<640x128xf32>
    %concatenate3A = tpu.concatenate %get3A_5, %get3A_10 in 1 : vector<640x128xf32>, vector<640x128xf32> -> vector<640x256xf32>
    %get3A_11 = arith.constant 0 : index
    %get3A_12 = arith.constant 0 : index
    %get3A_13 = vector.load %arg2[%get3A_11, %get3A_12] : memref<640x1xf32, #tpu.memory_space<vmem>>, vector<640x1xf32>
    %mul3A = vector.broadcast %get3A_13 : vector<640x1xf32> to vector<640x256xf32>
    %mul3A_14 = arith.mulf %mul3A, %concatenate3A : vector<640x256xf32>
    %get3A_15 = arith.constant 0 : index
    %get3A_16 = arith.constant 0 : index
    %get3A_17 = vector.load %arg3[%get3A_15, %get3A_16] : memref<1x256xf32, #tpu.memory_space<vmem>>, vector<1x256xf32>
    %add3A = vector.broadcast %get3A_17 : vector<1x256xf32> to vector<640x256xf32>
    %add3A_18 = arith.addf %mul3A_14, %add3A : vector<640x256xf32>
    %max3A = arith.constant 0.000000e+00 : f32
    %max3A_19 = vector.broadcast %max3A : f32 to vector<640x256xf32>
    %max3A_20 = arith.maximumf %add3A_18, %max3A_19 : vector<640x256xf32>
    %get3A_21 = arith.constant 0 : index
    %get3A_22 = arith.constant 0 : index
    %get3A_23 = arith.constant 0 : index
    %get3A_24 = vector.load %arg4[%get3A_21, %get3A_22, %get3A_23] : memref<1x1x640xi32, #tpu.memory_space<vmem>>, vector<1x1x640xi32>
    %get3A_25 = vector.shape_cast %get3A_24 : vector<1x1x640xi32> to vector<1x640xi32>
    %iota3A = tpu.iota {dimensions = array<i32: 0>} : vector<64x640xi32>
    %eq3A_26 = vector.broadcast %get3A_25 : vector<1x640xi32> to vector<64x640xi32>
    %eq3A_27 = arith.cmpi eq, %iota3A, %eq3A_26 : vector<64x640xi32>
    %convert_element_type3A_28 = arith.extui %eq3A_27 : vector<64x640xi1> to vector<64x640xi32>
    %convert_element_type3A_29 = arith.sitofp %convert_element_type3A_28 : vector<64x640xi32> to vector<64x640xf32>
    %get3A_30 = arith.constant 0 : index
    %get3A_31 = arith.constant 0 : index
    %get3A_32 = vector.load %arg8[%get3A_30, %get3A_31] : memref<64x256xf32, #tpu.memory_space<vmem>>, vector<64x256xf32>
    %dot_general3A = arith.constant dense<0.000000e+00> : vector<64x256xf32>
    %dot_general3A_33 = tpu.matmul %convert_element_type3A_29, %max3A_20, %dot_general3A {dimension_numbers = #tpu.dot_dimension_numbers<[1], [0], [0], [1], [0, 0, 1, 1], [], []>, transpose_lhs_hint = false} : vector<64x640xf32>, vector<640x256xf32>, vector<64x256xf32> -> vector<64x256xf32>
    %add3A_34 = arith.addf %get3A_32, %dot_general3A_33 : vector<64x256xf32>
    %swap3A = arith.constant 0 : index
    %swap3A_35 = arith.constant 0 : index
    %swap3A_36 = vector.load %arg8[%swap3A, %swap3A_35] : memref<64x256xf32, #tpu.memory_space<vmem>>, vector<64x256xf32>
    tpu.vector_store %arg8[%swap3A, %swap3A_35], %add3A_34 {strides = array<i32>} : memref<64x256xf32, #tpu.memory_space<vmem>>, vector<64x256xf32>,
    %get3A_37 = arith.constant 0 : index
    %get3A_38 = arith.constant 0 : index
    %get3A_39 = vector.load %arg9[%get3A_37, %get3A_38] : memref<64x1xf32, #tpu.memory_space<vmem>>, vector<64x1xf32>
    %reduce_sum3A = arith.constant dense<0.000000e+00> : vector<64xf32>
    %reduce_sum3A_40 = vector.multi_reduction <add>, %convert_element_type3A_29, %reduce_sum3A [1] : vector<64x640xf32> to vector<64xf32>
    %broadcast_in_dim3A = vector.shape_cast %reduce_sum3A_40 : vector<64xf32> to vector<64x1xf32>
    %add3A_41 = arith.addf %get3A_39, %broadcast_in_dim3A : vector<64x1xf32>
    %swap3A_42 = arith.constant 0 : index
    %swap3A_43 = arith.constant 0 : index
    %swap3A_44 = vector.load %arg9[%swap3A_42, %swap3A_43] : memref<64x1xf32, #tpu.memory_space<vmem>>, vector<64x1xf32>
    tpu.vector_store %arg9[%swap3A_42, %swap3A_43], %add3A_41 {strides = array<i32>} : memref<64x1xf32, #tpu.memory_space<vmem>>, vector<64x1xf32>,
    %eq3A_45 = arith.constant 15 : i32
    %eq3A_46 = arith.cmpi eq, %arg0, %eq3A_45 : i32
    %convert_element_type3A_47 = arith.extui %eq3A_46 : i1 to i32
    %cond3A_48 = arith.constant 0 : i32
    %cond3A_49 = arith.cmpi ne, %convert_element_type3A_47, %cond3A_48 : i32
    scf.if %cond3A_49 {
      %get3A_50 = arith.constant 0 : index
      %get3A_51 = arith.constant 0 : index
      %get3A_52 = vector.load %arg8[%get3A_50, %get3A_51] : memref<64x256xf32, #tpu.memory_space<vmem>>, vector<64x256xf32>
      %get3A_53 = arith.constant 0 : index
      %get3A_54 = arith.constant 0 : index
      %get3A_55 = vector.load %arg9[%get3A_53, %get3A_54] : memref<64x1xf32, #tpu.memory_space<vmem>>, vector<64x1xf32>
      %max3A_56 = arith.constant 1.000000e+00 : f32
      %max3A_57 = vector.broadcast %max3A_56 : f32 to vector<64x1xf32>
      %max3A_58 = arith.maximumf %get3A_55, %max3A_57 : vector<64x1xf32>
      %div3A = vector.broadcast %max3A_58 : vector<64x1xf32> to vector<64x256xf32>
      %div3A_59 = arith.divf %get3A_52, %div3A : vector<64x256xf32>
      %get3A_60 = arith.constant 0 : index
      %get3A_61 = arith.constant 0 : index
      %get3A_62 = vector.load %arg5[%get3A_60, %get3A_61] : memref<1x256xf32, #tpu.memory_space<vmem>>, vector<1x256xf32>
      %mul3A_63 = vector.broadcast %get3A_62 : vector<1x256xf32> to vector<64x256xf32>
      %mul3A_64 = arith.mulf %div3A_59, %mul3A_63 : vector<64x256xf32>
      %reduce_sum3A_65 = arith.constant dense<0.000000e+00> : vector<64xf32>
      %reduce_sum3A_66 = vector.multi_reduction <add>, %mul3A_64, %reduce_sum3A_65 [1] : vector<64x256xf32> to vector<64xf32>
      %broadcast_in_dim3A_67 = vector.shape_cast %reduce_sum3A_66 : vector<64xf32> to vector<64x1xf32>
      %get3A_68 = arith.constant 0 : index
      %get3A_69 = arith.constant 0 : index
      %get3A_70 = vector.load %arg6[%get3A_68, %get3A_69] : memref<1x1xf32, #tpu.memory_space<vmem>>, vector<1x1xf32>
      %add3A_71 = vector.broadcast %get3A_70 : vector<1x1xf32> to vector<64x1xf32>
      %add3A_72 = arith.addf %broadcast_in_dim3A_67, %add3A_71 : vector<64x1xf32>
      %neg3A = arith.constant 0.000000e+00 : f32
      %neg3A_73 = vector.broadcast %neg3A : f32 to vector<64x1xf32>
      %neg3A_74 = arith.subf %neg3A_73, %add3A_72 : vector<64x1xf32>
      %exp3A = math.exp %neg3A_74 : vector<64x1xf32>
      %add3A_75 = arith.constant 1.000000e+00 : f32
      %add3A_76 = vector.broadcast %add3A_75 : f32 to vector<64x1xf32>
      %add3A_77 = arith.addf %add3A_76, %exp3A : vector<64x1xf32>
      %div3A_78 = arith.constant 1.000000e+00 : f32
      %div3A_79 = vector.broadcast %div3A_78 : f32 to vector<64x1xf32>
      %div3A_80 = arith.divf %div3A_79, %add3A_77 : vector<64x1xf32>
      %swap3A_81 = arith.constant 0 : index
      %swap3A_82 = arith.constant 0 : index
      %swap3A_83 = vector.load %arg7[%swap3A_81, %swap3A_82] : memref<64x1xf32, #tpu.memory_space<vmem>>, vector<64x1xf32>
      tpu.vector_store %arg7[%swap3A_81, %swap3A_82], %div3A_80 {strides = array<i32>} : memref<64x1xf32, #tpu.memory_space<vmem>>, vector<64x1xf32>,
    } else {
    }
    return
  }
  func.func @transform_0(%arg0: i32) -> (i32, i32, i32) {
    %c0_i32 = arith.constant 0 : i32
    %c0_i32_0 = arith.constant 0 : i32
    %c0_i32_1 = arith.constant 0 : i32
    return %c0_i32, %arg0, %c0_i32_0 : i32, i32, i32
  }
  func.func @transform_1(%arg0: i32) -> (i32, i32) {
    %c0_i32 = arith.constant 0 : i32
    %c0_i32_0 = arith.constant 0 : i32
    return %arg0, %c0_i32 : i32, i32
  }
  func.func @transform_2(%arg0: i32) -> (i32, i32) {
    %c0_i32 = arith.constant 0 : i32
    %c0_i32_0 = arith.constant 0 : i32
    %c0_i32_1 = arith.constant 0 : i32
    return %c0_i32, %c0_i32_0 : i32, i32
  }
  func.func @transform_3(%arg0: i32) -> (i32, i32, i32) {
    %c0_i32 = arith.constant 0 : i32
    %c0_i32_0 = arith.constant 0 : i32
    %c0_i32_1 = arith.constant 0 : i32
    return %arg0, %c0_i32, %c0_i32_0 : i32, i32, i32
  }
  func.func @transform_4(%arg0: i32) -> (i32, i32) {
    %c0_i32 = arith.constant 0 : i32
    %c0_i32_0 = arith.constant 0 : i32
    %c0_i32_1 = arith.constant 0 : i32
    return %c0_i32, %c0_i32_0 : i32, i32
  }
  func.func @transform_5(%arg0: i32) -> (i32, i32) {
    %c0_i32 = arith.constant 0 : i32
    %c0_i32_0 = arith.constant 0 : i32
    %c0_i32_1 = arith.constant 0 : i32
    return %c0_i32, %c0_i32_0 : i32, i32
  }
  func.func @transform_6(%arg0: i32) -> (i32, i32) {
    %c0_i32 = arith.constant 0 : i32
    %c0_i32_0 = arith.constant 0 : i32
    %c0_i32_1 = arith.constant 0 : i32
    return %c0_i32, %c0_i32_0 : i32, i32
  }
}

</mosaic_0001>

<sc_bundles>
// kernel: kernel.10.cloned.1.call-start
scs
__scs_entry_jumppad:
0x0: {  	(pc) =	sbr.rel $0x88, $3  }
0x1: {  	(tag) =	ssettag $0x0;
	lr =	simm.s32 $0x1  }
0x2: {  	[smem:$0x3F96] =	sst lr;
	_ =	strace $0xD0000000  }
0x3: {  	_ = 	snop  }
0x4: {  	_ = 	snop  }
0x5: {  	_ = 	snop  }
0x6: {  	_ = 	snop  }
0x7: {  	_ = 	snop  }
__scs_overlays_trampoline_lowered:
0x8: {  	[smem:$0x3FA5] =	sst s0  }
0x9: {  	[smem:$0x3FA6] =	sst s1  }
0xa: {  	[smem:$0x3FA7] =	sst s2  }
0xb: {  	[smem:$0x3FA8] =	sst s3  }
0xc: {  	[smem:$0x3FA9] =	sst s4  }
0xd: {  	[smem:$0x3FAA] =	sst s5  }
0xe: {  	[smem:$0x3FAB] =	sst s6  }
0xf: {  	[smem:$0x3FAC] =	sst s7  }
0x10: {  	[smem:$0x3FAD] =	sst s8  }
0x11: {  	[smem:$0x3FAE] =	sst s9;
	s0 =	simm.s32 @!p0 $0x0  }
0x12: {  	s1 =	sld [smem:$0x3F94];
	s0 =	simm.s32 @p0 $0x1  }
0x13: {  	[smem:$0x3FAF] =	sst s0;
	s0 =	simm.s32 @!p1 $0x0  }
0x14: {  	s2 =	sld [smem:$0x3F93];
	s0 =	simm.s32 @p1 $0x1  }
0x15: {  	[smem:$0x3FB0] =	sst s0;
	s0 =	simm.s32 @!p2 $0x0  }
0x16: {  	s3 =	sld [smem:$0x3FDB];
	s0 =	simm.s32 @p2 $0x1  }
0x17: {  	s4 =	simm.s32 $0x1BF5;
	[smem:$0x3FB2] =	sst s0  }
0x18: {  	s0 =	sld [smem:$0x3F95];
	_ =	swait.ge [sflag:s4], $0x0  }
0x19: {  	s7 =	sld [smem:$0x3F96]  }
0x1a: {  	s8 =	sadd.s32 $0xFFFFE003, lr  }
0x1b: {  	s9 =	sadd.s32 $0xFFFFFEF7, lr;
	s5 =	simm.s32 $0xFFFFFFFF;
	p2 =	slt.u32 s8, $0xFFFFF086  }
0x1c: {  	p1 =	slt.u32 s9, $0xF7A;
	s5 =	simm.s32 @!p2 $0x0  }
0x1d: {  	s5 =	simm.s32 @p1 $0x1;
	p0 =	seq.s32 s7, s2  }
0x1e: {  	s7 =	smul.u32 @!p0 $0xF7A, s2;
	p2 =	seq.s32 @!p0 s5, $0x0  }
0x1f: {  	s9 =	smul.u32 $0xF7A, s1;
	s8 =	simm.s32 @!p0 $0x1BF5;
	p2 =	por !p2, p0  }
0x20: {  	[sflag:s8] =	ssyncset.s32 @!p0 $0xFFFFF086;
	s6 =	sadd.s32 @!p0 s3, s7;
	s7 =	simm.s32 @!p0 $0x108  }
0x21: {  	s3 =	sadd.s32 s3, s9;
	s6 =	sadd.s32 @!p0 $0x88, s6;
	s7 =	simm.s32 @p2 $0x1082  }
0x22: {  	[simem:s7], [sflag:s8] =	dma.local @!p0 [hbm:s6], $0xF7A  }
0x23: {  	s9 =	sor.u32 $0xD0000000, s2;
	s6 =	simm.s32 $0x108;
	_ =	swait.ge @!p0 [sflag:s8], $0x0  }
0x24: {  	s3 =	sadd.s32 $0x88, s3;
	s6 =	simm.s32 @!p1 $0x1082;
	[sflag:s4] =	ssyncset.s32 $0xFFFFF086  }
0x25: {  	[simem:s6], [sflag:s4] =	dma.local [hbm:s3], $0xF7A  }
0x26: {  	[smem:$0x3F96] =	sst s1;
	(tag) =	ssettag s2;
	_ =	strace s9  }
0x27: {  	s1 =	sld [smem:$0x3FA6]  }
0x28: {  	s2 =	sld [smem:$0x3FA7]  }
0x29: {  	s4 =	sld [smem:$0x3FA9]  }
0x2a: {  	p0 =	seq.s32 s5, $0x0;
	s5 =	sld [smem:$0x3FAA]  }
0x2b: {  	s6 =	sld [smem:$0x3FAB]  }
0x2c: {  	s7 =	sld [smem:$0x3FAC]  }
0x2d: {  	s3 =	simm.s32 $0x108;
	s8 =	sld [smem:$0x3FAD]  }
0x2e: {  	s3 =	simm.s32 @!p0 $0x1082;
	s9 =	sld [smem:$0x3FAE]  }
0x2f: {  	lr =	sadd.s32 s0, s3;
	s0 =	sld [smem:$0x3FA5]  }
0x30: {  	s3 =	sld [smem:$0x3FA8]  }
0x31: {  	[smem:$0x3FB1] =	sst s10  }
0x32: {  	s10 =	sld [smem:$0x3FAF];
	_ =	sdelay $0x3  }
0x33: {  	p0 =	seq.s32 s10, $0x1;
	s10 =	sld [smem:$0x3FB1];
	_ =	sdelay $0x3  }
0x34: {  	[smem:$0x3FB1] =	sst s10  }
0x35: {  	s10 =	sld [smem:$0x3FB0];
	_ =	sdelay $0x3  }
0x36: {  	p1 =	seq.s32 s10, $0x1;
	s10 =	sld [smem:$0x3FB1];
	_ =	sdelay $0x3  }
0x37: {  	[smem:$0x3FB1] =	sst s10  }
0x38: {  	s10 =	sld [smem:$0x3FB2]  }
0x39: {  	_ = 	snop;
	(pc) =	sbr.ind lr, $3  }
0x3a: {  	_ = 	snop  }
0x3b: {  	_ = 	snop  }
0x3c: {  	p2 =	seq.s32 s10, $0x1;
	s10 =	sld [smem:$0x3FB1]  }
0x3d: {  	_ =	shalt  }
0x3e: {  	_ =	shalt  }
0x3f: {  	_ =	shalt  }
0x40: {  	_ =	shalt  }
0x41: {  	_ =	shalt  }
0x42: {  	_ =	shalt  }
0x43: {  	_ =	shalt  }
0x44: {  	_ =	shalt  }
0x45: {  	_ =	shalt  }
0x46: {  	_ =	shalt  }
0x47: {  	_ =	shalt  }
0x48: {  	_ =	shalt  }
0x49: {  	_ =	shalt  }
0x4a: {  	_ =	shalt  }
0x4b: {  	_ =	shalt  }
0x4c: {  	_ =	shalt  }
0x4d: {  	_ =	shalt  }
0x4e: {  	_ =	shalt  }
0x4f: {  	_ =	shalt  }
0x50: {  	_ =	shalt  }
0x51: {  	_ =	shalt  }
0x52: {  	_ =	shalt  }
0x53: {  	_ =	shalt  }
0x54: {  	_ =	shalt  }
0x55: {  	_ =	shalt  }
0x56: {  	_ =	shalt  }
0x57: {  	_ =	shalt  }
0x58: {  	_ =	shalt  }
0x59: {  	_ =	shalt  }
0x5a: {  	_ =	shalt  }
0x5b: {  	_ =	shalt  }
0x5c: {  	_ =	shalt  }
0x5d: {  	_ =	shalt  }
0x5e: {  	_ =	shalt  }
0x5f: {  	_ =	shalt  }
0x60: {  	_ =	shalt  }
0x61: {  	_ =	shalt  }
0x62: {  	_ =	shalt  }
0x63: {  	_ =	shalt  }
0x64: {  	_ =	shalt  }
0x65: {  	_ =	shalt  }
0x66: {  	_ =	shalt  }
0x67: {  	_ =	shalt  }
0x68: {  	_ =	shalt  }
0x69: {  	_ =	shalt  }
0x6a: {  	_ =	shalt  }
0x6b: {  	_ =	shalt  }
0x6c: {  	_ =	shalt  }
0x6d: {  	_ =	shalt  }
0x6e: {  	_ =	shalt  }
0x6f: {  	_ =	shalt  }
0x70: {  	_ =	shalt  }
0x71: {  	_ =	shalt  }
0x72: {  	_ =	shalt  }
0x73: {  	_ =	shalt  }
0x74: {  	_ =	shalt  }
0x75: {  	_ =	shalt  }
0x76: {  	_ =	shalt  }
0x77: {  	_ =	shalt  }
0x78: {  	_ =	shalt  }
0x79: {  	_ =	shalt  }
0x7a: {  	_ =	shalt  }
0x7b: {  	_ =	shalt  }
0x7c: {  	_ =	shalt  }
0x7d: {  	_ =	shalt  }
0x7e: {  	_ =	shalt  }
0x7f: {  	_ =	shalt  }
0x80: {  	_ =	shalt  }
0x81: {  	_ =	shalt  }
0x82: {  	_ =	shalt  }
0x83: {  	_ =	shalt  }
0x84: {  	_ =	shalt  }
0x85: {  	_ =	shalt  }
0x86: {  	_ =	shalt  }
0x87: {  	_ =	shalt  }
.Lfunc_end0:
.L_simem_size_0:
called_computation_lowered:
.L_overlay_start_0:
0x88: {  	s2 =	sld [smem:$0x3FD9]  }
0x89: {  	s3 =	sld [smem:$0x3FFE];
	_ =	sdelay $0x1  }
0x8a: {  	s1 =	srdreg.scid  }
0x8b: {  	s0 =	sand.u32 $0x1, s1  }
0x8c: {  	s16 =	sshll.u32 s0, $0xA;
	s2 =	sadd.s32 s3, s2  }
0x8d: {  	s2 =	sadd.s32 s2, s16  }
0x8e: {  	[smem:$0x3FBD] =	sst s2  }
0x8f: {  	_ = 	snop  }
0x90: {  	(tm) =	ssettm $0x1  }
0x91: {  	s17 =	sld [smem:$0x3FFB];
	_ =	sdelay $0x3  }
0x92: {  	_ =	strace s17  }
0x93: {  	s2 =	sld [smem:$0x3FFC];
	_ =	sdelay $0x3  }
0x94: {  	_ =	strace s2  }
0x95: {  	s2 =	sld [smem:$0x3FFD];
	_ =	sdelay $0x3  }
0x96: {  	_ =	strace s2  }
0x97: {  	_ =	strace $0x8FFFFFFF  }
0x98: {  	s18 =	sld [smem:$0x3FDB];
	_ =	sdelay $0x1  }
0x99: {  	s19 =	simm.s32 $_scs_section_size  }
0x9a: {  	s4 =	simm.s32 $_size__tile_overlayer_lowered;
	s5 =	simm.s32 $_tile_overlayer_lowered  }
0x9b: {  	s22 =	simm.s32 $0x1BFF;
	s21 =	sshll.u32 s5, $0x1;
	s2 =	sadd.s32 s19, s18  }
0x9c: {  	s6 =	simm.s32 $0x0;
	s20 =	sshll.u32 s4, $0x1;
	s4 =	sadd.s32 s21, s2  }
0x9d: {  	[timem:s6], [sflag:s22] =	dma.local [hbm:s4], s20  }
0x9e: {  	_ =	swait.ge [sflag:s22], s20  }
0x9f: {  	s3 =	ssub.s32 $0x0, s20;
	[sflag:s22] =	ssyncset.done $0x0  }
0xa0: {  	[sflag:s22] =	ssyncadd.s32 s3;
	_ =	sdelay $0x1  }
0xa1: {  	s23 =	simm.s32 $0x1B8B  }
0xa2: {  	_ =	swait.ge [sflag:s23], $0x1  }
0xa3: {  	[sflag:s23] =	ssyncset.done $0x0  }
0xa4: {  	s25 =	simm.s32 $0x1B8E;
	s24 =	sld [smem:$0x3FFE];
	[sflag:s23] =	ssyncadd.s32 $0xFFFFFFFF  }
0xa5: {  	s26 =	simm.s32 $execute0_lowered;
	[smem:$0x3FD2] =	sst s25  }
0xa6: {  	s4 =	sshll.u32 s26, $0x1;
	_ =	strace $0x80000046;
	[dreg:$0x1] =	wrdreg $0xFFFFFFFF  }
0xa7: {  	s28 =	simm.s32 $_size_execute0_lowered;
	s2 =	sadd.s32 s2, s4;
	[dreg:$0x0] =	wrdreg $0x0  }
0xa8: {  	s4 =	sshll.u32 s28, $0x1;
	[dreg:$0x2] =	wrdreg s2  }
0xa9: {  	[dreg:$0x3] =	wrdreg s4  }
0xaa: {  	[dreg:$0x4] =	wrdreg $0xC0  }
0xab: {  	_ =	task [dreg:s6], $0x5FFFF  }
0xac: {  	[dreg:$0x1] =	wrdreg $0xFFFFFFFF  }
0xad: {  	[dreg:$0x0] =	wrdreg $0x60  }
0xae: {  	[dreg:$0x2] =	wrdreg s24  }
0xaf: {  	[dreg:$0x3] =	wrdreg $0x35000  }
0xb0: {  	[dreg:$0x4] =	wrdreg $0x9  }
0xb1: {  	_ =	task.clear_ibuf [dreg:s6], $0x5FFFF;
	_ =	strace $0x90000046  }
0xb2: {  	s29 =	simm.s32 $0x9;
	_ =	strace $0x80000048  }
0xb3: {  	_ =	swait.ge [sflag:s29], $0x1  }
0xb4: {  	[sflag:s29] =	ssyncadd.s32 $0xFFFFFFFF  }
0xb5: {  	_ =	strace $0x90000048  }
0xb6: {  	_ =	sfence  }
0xb7: {  	s30 =	sld [smem:$0x0];
	_ =	sdelay $0x2  }
0xb8: {  	s31 =	sshll.u32 s1, $0xD;
	s1 =	sshrl.u32 s1, $0x2  }
0xb9: {  	s3 =	sand.u32 $0x4000, s31;
	s1 =	sadd.s32 s1, s30  }
0xba: {  	s0 =	sor.u32 s3, s0;
	s1 =	sshll.u32 s1, $0x11  }
0xbb: {  	s0 =	sor.u32 s1, s0  }
0xbc: {  	s0 =	sadd.s32 $0x8F2B, s0  }
0xbd: {  	[sflag:s0] =	ssyncadd.remote.s32 $0x1  }
0xbe: {  	_ =	sfence.sel $0xFFFF  }
0xbf: {  	[dreg:$0x0] =	wrdreg $0xFFFFFFFF;
	(pc) =	sbr.abs _section_cstart, $3  }
0xc0: {  	[dreg:$0x1] =	wrdreg $0xFFFFFFFF  }
0xc1: {  	_ =	task.clear_ibuf [dreg:s6], $0x2FFFF;
	_ =	strace $0x9FFFFFFF  }
0xc2: {  	(tm) =	ssettm $0x7FFFFFFF  }
0xc3: {  	_ =	shalt  }
tec
execute0_lowered:
.L_overlay_start_1:
0x0: {  	(tag) =	ssettag $0x1  }
0x1: {  	s0 =	rddreg [dreg:$0x0];
	s1 =	srdreg.scid  }
0x2: {  	s3 =	rddreg [dreg:$0x1];
	s7 =	stileid.u32;
	s2 =	simm.s32 $0x0  }
0x3: {  	s28 =	simm.s32 $0x2800;
	s29 =	simm.s32 $0x1;
	s5 =	smul.u32 $0x2800, s7  }
0x4: {  	s30 =	simm.s32 $0x80;
	s31 =	simm.s32 $0x400;
	s6 =	smul.u32 $0x500, s7  }
0x5: {  	s1 =	sand.u32 $0x1, s1;
	[smem:$0x7FF] =	sst s2;
	s23 =	smul.u32 $0x5000, s7  }
0x6: {  	s20 =	sshrl.u32 s7, $0x3;
	s7 =	sshll.u32 s7, $0x7;
	s4 =	smul.u32 $0x28000, s1  }
0x7: {  	_ =	strace $0x80000047;
	s19 =	sshll.u32 s1, $0x7;
	s1 =	ssub.s32 $0x2, s1  }
0x8: {  	s22 =	smul.u32 $0x50000, s20;
	s7 =	sand.u32 $0x380, s7;
	s24 =	sshrl.u32 s1, $0x1  }
0x9: {  	s4 =	sadd.s32 s5, s4;
	s5 =	sor.u32 s19, s6;
	s1 =	ssub.s32 s1, s24  }
0xa: {  	s4 =	sshrl.u32 s4, $0x3;
	s21 =	sshrl.u32 s5, $0x3;
	s5 =	sshrl.u32 s22, $0x2  }
0xb: {  	s20 =	smax.u32 s1, $0x1;
	s1 =	simm.s32 $0x0;
	s25 =	sadd.s32 s4, s0  }
0xc: {  	s0 =	sadd.s32 s21, s0;
	s5 =	sadd.s32 s5, s3;
	s4 =	sshrl.u32 s23, $0x2  }
0xd: {  	s5 =	sadd.s32 s7, s5;
	s4 =	sadd.s32 s4, s3;
	s19 =	sadd.s32 $0x16400, s0  }
0xe: {  	s21 =	sadd.s32 $0x2400, s25;
	s22 =	sadd.s32 $0x2500, s25;
	s23 =	sadd.s32 $0x2600, s25  }
0xf: {  	s24 =	sadd.s32 $0x2700, s25;
	s25 =	sadd.s32 $0x2800, s25;
	s0 =	simm.s32 $0x3280  }
0x10: {  	[dreg:$0x3] =	wrdreg s5;
	s3 =	sadd.s32 $0x80, s4;
	s26 =	sadd.s32 $0x100, s4  }
0x11: {  	s7 =	sadd.s32 $0x180, s4;
	s8 =	sadd.s32 $0x200, s4;
	s9 =	sadd.s32 $0x280, s4  }
0x12: {  	s10 =	sadd.s32 $0x300, s4;
	s11 =	sadd.s32 $0x380, s4;
	s12 =	sadd.s32 $0x14000, s4  }
0x13: {  	s13 =	sadd.s32 $0x14080, s4;
	s14 =	sadd.s32 $0x14100, s4;
	s15 =	sadd.s32 $0x14180, s4  }
0x14: {  	s16 =	sadd.s32 $0x14200, s4;
	s17 =	sadd.s32 $0x14280, s4;
	[dreg:$0x4] =	wrdreg s3  }
0x15: {  	v0 =	vimm.f32 $0.0e+00;
	v1 =	vimm.f32 $1.000000000e+00;
	s18 =	sadd.s32 $0x14300, s4;
	[dreg:$0x5] =	wrdreg s26;
	s26 =	sadd.s32 $0x14380, s4  }
.LBB2_1:
0x16: {  	s3 =	simm.s32 $0x40;
	s5 =	simm.s32 $0x0  }
.LBB2_2:
0x17: {  	p0 =	sne.s32 s3, $0x9FC0;
	[tilespmem:s5+$0x0] =	vst v0;
	s5 =	smov.u32 s3;
	s3 =	sadd.s32 $0x40, s3  }
.Ltmp0:
0x18: {  	(pc) =	sbr.rel @p0 .LBB2_2-.Ltmp0, $2  }
0x19: {  	_ =	sdelay $0x2  }
0x1a: {  	s5 =	sshra.s32 s5, $0x2  }
0x1b: {  	[tilespmem:s5+$0x0] =	vst v0;
	s3 =	simm.s32 $0x0  }
0x1c: {  	[tilespmem:s28], [sflag:$0x1] =	stream.linear.gather [hbm4b:s21+s3], $0x800, $0x38;
	[tilespmem:$0x5D00] =	vst v63  }
0x1d: {  	_ =	swait.ge [sflag:s29], $0x800  }
0x1e: {  	[sflag:s29] =	ssyncset.done $0x0  }
0x1f: {  	s5 =	simm.s32 $0x0;
	s3 =	simm.s32 $0x40;
	[sflag:s29] =	ssyncadd.s32 $0xFFFFF800  }
.LBB2_4:
0x20: {  	p0 =	sne.s32 s3, $0x1FC0;
	v2 =	vld [tilespmem:s5+$0x2800];
	_ =	sdelay $0x3  }
.Ltmp1:
0x21: {  	(pc) =	sbr.rel @p0 .LBB2_4-.Ltmp1, $2  }
0x22: {  	_ =	sdelay $0x2  }
0x23: {  	s5 =	sshra.s32 s3, $0x2;
	s3 =	sadd.s32 $0x40, s3;
	[tilespmem:v2+s2+$0x0] =	vst.idx.add.f32.msk $0xffff, v1  }
0x24: {  	v2 =	vld [tilespmem:s5+$0x2800];
	_ =	sdelay $0x7  }
0x25: {  	s3 =	simm.s32 $0x0;
	[tilespmem:v2+s2+$0x0] =	vst.idx.add.f32.msk $0xffff, v1  }
0x26: {  	[tilespmem:s28], [sflag:$0x1] =	stream.linear.gather [hbm4b:s22+s3], $0x800, $0x38;
	[tilespmem:$0x5D00] =	vst v63  }
0x27: {  	_ =	swait.ge [sflag:s29], $0x800  }
0x28: {  	[sflag:s29] =	ssyncset.done $0x0  }
0x29: {  	s5 =	simm.s32 $0x0;
	s3 =	simm.s32 $0x40;
	[sflag:s29] =	ssyncadd.s32 $0xFFFFF800  }
.LBB2_6:
0x2a: {  	p0 =	sne.s32 s3, $0x1FC0;
	v2 =	vld [tilespmem:s5+$0x2800];
	_ =	sdelay $0x3  }
.Ltmp2:
0x2b: {  	(pc) =	sbr.rel @p0 .LBB2_6-.Ltmp2, $2  }
0x2c: {  	_ =	sdelay $0x2  }
0x2d: {  	s5 =	sshra.s32 s3, $0x2;
	s3 =	sadd.s32 $0x40, s3;
	[tilespmem:v2+s2+$0x0] =	vst.idx.add.f32.msk $0xffff, v1  }
0x2e: {  	v2 =	vld [tilespmem:s5+$0x2800];
	_ =	sdelay $0x7  }
0x2f: {  	s3 =	simm.s32 $0x0;
	[tilespmem:v2+s2+$0x0] =	vst.idx.add.f32.msk $0xffff, v1  }
0x30: {  	[tilespmem:s28], [sflag:$0x1] =	stream.linear.gather [hbm4b:s23+s3], $0x800, $0x38;
	[tilespmem:$0x5D00] =	vst v63  }
0x31: {  	_ =	swait.ge [sflag:s29], $0x800  }
0x32: {  	[sflag:s29] =	ssyncset.done $0x0  }
0x33: {  	s5 =	simm.s32 $0x0;
	s3 =	simm.s32 $0x40;
	[sflag:s29] =	ssyncadd.s32 $0xFFFFF800  }
.LBB2_8:
0x34: {  	p0 =	sne.s32 s3, $0x1FC0;
	v2 =	vld [tilespmem:s5+$0x2800];
	_ =	sdelay $0x3  }
.Ltmp3:
0x35: {  	(pc) =	sbr.rel @p0 .LBB2_8-.Ltmp3, $2  }
0x36: {  	_ =	sdelay $0x2  }
0x37: {  	s5 =	sshra.s32 s3, $0x2;
	s3 =	sadd.s32 $0x40, s3;
	[tilespmem:v2+s2+$0x0] =	vst.idx.add.f32.msk $0xffff, v1  }
0x38: {  	v2 =	vld [tilespmem:s5+$0x2800];
	_ =	sdelay $0x7  }
0x39: {  	s3 =	simm.s32 $0x0;
	[tilespmem:v2+s2+$0x0] =	vst.idx.add.f32.msk $0xffff, v1  }
0x3a: {  	[tilespmem:s28], [sflag:$0x1] =	stream.linear.gather [hbm4b:s24+s3], $0x800, $0x38;
	[tilespmem:$0x5D00] =	vst v63  }
0x3b: {  	_ =	swait.ge [sflag:s29], $0x800  }
0x3c: {  	[sflag:s29] =	ssyncset.done $0x0  }
0x3d: {  	s5 =	simm.s32 $0x0;
	s3 =	simm.s32 $0x40;
	[sflag:s29] =	ssyncadd.s32 $0xFFFFF800  }
.LBB2_10:
0x3e: {  	p0 =	sne.s32 s3, $0x1FC0;
	v2 =	vld [tilespmem:s5+$0x2800];
	_ =	sdelay $0x3  }
.Ltmp4:
0x3f: {  	(pc) =	sbr.rel @p0 .LBB2_10-.Ltmp4, $2  }
0x40: {  	_ =	sdelay $0x2  }
0x41: {  	s5 =	sshra.s32 s3, $0x2;
	s3 =	sadd.s32 $0x40, s3;
	[tilespmem:v2+s2+$0x0] =	vst.idx.add.f32.msk $0xffff, v1  }
0x42: {  	v2 =	vld [tilespmem:s5+$0x2800];
	_ =	sdelay $0x7  }
0x43: {  	s3 =	simm.s32 $0x0;
	[tilespmem:v2+s2+$0x0] =	vst.idx.add.f32.msk $0xffff, v1  }
0x44: {  	[tilespmem:s28], [sflag:$0x1] =	stream.linear.gather [hbm4b:s25+s3], $0x800, $0x38;
	[tilespmem:$0x5D00] =	vst v63  }
0x45: {  	_ =	swait.ge [sflag:s29], $0x800  }
0x46: {  	[sflag:s29] =	ssyncset.done $0x0  }
0x47: {  	s5 =	simm.s32 $0x0;
	s3 =	simm.s32 $0x40;
	[sflag:s29] =	ssyncadd.s32 $0xFFFFF800  }
.LBB2_12:
0x48: {  	p0 =	sne.s32 s3, $0x1FC0;
	v2 =	vld [tilespmem:s5+$0x2800];
	_ =	sdelay $0x3  }
.Ltmp5:
0x49: {  	(pc) =	sbr.rel @p0 .LBB2_12-.Ltmp5, $2  }
0x4a: {  	_ =	sdelay $0x2  }
0x4b: {  	s5 =	sshra.s32 s3, $0x2;
	s3 =	sadd.s32 $0x40, s3;
	[tilespmem:v2+s2+$0x0] =	vst.idx.add.f32.msk $0xffff, v1  }
0x4c: {  	v2 =	vld [tilespmem:s5+$0x2800];
	_ =	sdelay $0x7  }
0x4d: {  	s3 =	simm.s32 $0x0;
	s6 =	rddreg [dreg:$0x3];
	[tilespmem:v2+s2+$0x0] =	vst.idx.add.f32.msk $0xffff, v1  }
0x4e: {  	[spmem:s6] =	stream.strided.scatter [tilespmem:s3], [sflag:$0x1], $0x2800, s31, s30, $0x38;
	[tilespmem:$0x5D00] =	vst v63  }
0x4f: {  	_ =	swait.ge [sflag:s29], $0x2800  }
0x50: {  	[sflag:s29] =	ssyncset.done $0x0  }
0x51: {  	[sflag:s29] =	ssyncadd.s32 $0xFFFFD800  }
0x52: {  	[bflag:$0x0] =	sbarrier.arrive $0xFFFF  }
0x53: {  	[tilespmem:$0x3000] =	vst v0  }
0x54: {  	[tilespmem:$0x3010] =	vst v0  }
0x55: {  	[tilespmem:$0x3020] =	vst v0  }
0x56: {  	[tilespmem:$0x3030] =	vst v0  }
0x57: {  	[tilespmem:$0x3040] =	vst v0  }
0x58: {  	[tilespmem:$0x3050] =	vst v0  }
0x59: {  	[tilespmem:$0x3060] =	vst v0  }
0x5a: {  	[tilespmem:$0x3070] =	vst v0  }
0x5b: {  	[tilespmem:$0x3080] =	vst v0  }
0x5c: {  	[tilespmem:$0x3090] =	vst v0  }
0x5d: {  	[tilespmem:$0x30A0] =	vst v0  }
0x5e: {  	[tilespmem:$0x30B0] =	vst v0  }
0x5f: {  	[tilespmem:$0x30C0] =	vst v0  }
0x60: {  	[tilespmem:$0x30D0] =	vst v0  }
0x61: {  	[tilespmem:$0x30E0] =	vst v0  }
0x62: {  	[tilespmem:$0x30F0] =	vst v0  }
0x63: {  	[tilespmem:$0x3100] =	vst v0  }
0x64: {  	[tilespmem:$0x3110] =	vst v0  }
0x65: {  	[tilespmem:$0x3120] =	vst v0  }
0x66: {  	[tilespmem:$0x3130] =	vst v0  }
0x67: {  	[tilespmem:$0x3140] =	vst v0  }
0x68: {  	[tilespmem:$0x3150] =	vst v0  }
0x69: {  	[tilespmem:$0x3160] =	vst v0  }
0x6a: {  	[tilespmem:$0x3170] =	vst v0  }
0x6b: {  	[tilespmem:$0x3180] =	vst v0  }
0x6c: {  	[tilespmem:$0x3190] =	vst v0  }
0x6d: {  	[tilespmem:$0x31A0] =	vst v0  }
0x6e: {  	[tilespmem:$0x31B0] =	vst v0  }
0x6f: {  	[tilespmem:$0x31C0] =	vst v0  }
0x70: {  	[tilespmem:$0x31D0] =	vst v0  }
0x71: {  	[tilespmem:$0x31E0] =	vst v0  }
0x72: {  	[tilespmem:$0x31F0] =	vst v0  }
0x73: {  	[tilespmem:$0x3200] =	vst v0  }
0x74: {  	[tilespmem:$0x3210] =	vst v0  }
0x75: {  	[tilespmem:$0x3220] =	vst v0  }
0x76: {  	[tilespmem:$0x3230] =	vst v0  }
0x77: {  	[tilespmem:$0x3240] =	vst v0  }
0x78: {  	[tilespmem:$0x3250] =	vst v0  }
0x79: {  	[tilespmem:$0x3260] =	vst v0  }
0x7a: {  	[tilespmem:$0x3270] =	vst v0  }
0x7b: {  	[tilespmem:s0], [sflag:$0x1] =	stream.strided.gather [spmem:s4], $0x280, s31, s30, $0x38;
	[tilespmem:$0x5D00] =	vst v63  }
0x7c: {  	_ =	swait.ge [sflag:s29], $0x280  }
0x7d: {  	[sflag:s29] =	ssyncset.done $0x0  }
0x7e: {  	s3 =	simm.s32 $0x0;
	[sflag:s29] =	ssyncadd.s32 $0xFFFFFD80  }
0x7f: {  	s5 =	simm.s32 $0x40;
	v2 =	vld [tilespmem:s3+$0x3280]  }
.LBB2_14:
0x80: {  	p0 =	sne.s32 s5, $0x9C0;
	v3 =	vld [tilespmem:s3+$0x3000];
	_ =	sdelay $0x2  }
.Ltmp6:
0x81: {  	(pc) =	sbr.rel @p0 .LBB2_14-.Ltmp6, $4  }
0x82: {  	_ = 	snop  }
0x83: {  	v3 =	vadd.f32 v2, v3  }
0x84: {  	s6 =	sshra.s32 s5, $0x2  }
0x85: {  	s5 =	sadd.s32 $0x40, s5;
	v2 =	vld [tilespmem:s6+$0x3280];
	[tilespmem:s3+$0x3000] =	vst v3;
	s3 =	smov.u32 s6  }
0x86: {  	v3 =	vld [tilespmem:s3+$0x3000];
	_ =	sdelay $0x4  }
0x87: {  	v2 =	vadd.f32 v2, v3;
	_ =	sdelay $0x1  }
0x88: {  	s6 =	rddreg [dreg:$0x4];
	[tilespmem:s3+$0x3000] =	vst v2  }
0x89: {  	[tilespmem:s0], [sflag:$0x1] =	stream.strided.gather [spmem:s6], $0x280, s31, s30, $0x38;
	[tilespmem:$0x5D00] =	vst v63  }
0x8a: {  	_ =	swait.ge [sflag:s29], $0x280  }
0x8b: {  	[sflag:s29] =	ssyncset.done $0x0  }
0x8c: {  	s3 =	simm.s32 $0x0;
	[sflag:s29] =	ssyncadd.s32 $0xFFFFFD80  }
0x8d: {  	s5 =	simm.s32 $0x40;
	v2 =	vld [tilespmem:s3+$0x3280]  }
.LBB2_16:
0x8e: {  	p0 =	sne.s32 s5, $0x9C0;
	v3 =	vld [tilespmem:s3+$0x3000];
	_ =	sdelay $0x2  }
.Ltmp7:
0x8f: {  	(pc) =	sbr.rel @p0 .LBB2_16-.Ltmp7, $4  }
0x90: {  	_ = 	snop  }
0x91: {  	v3 =	vadd.f32 v2, v3  }
0x92: {  	s6 =	sshra.s32 s5, $0x2  }
0x93: {  	s5 =	sadd.s32 $0x40, s5;
	v2 =	vld [tilespmem:s6+$0x3280];
	[tilespmem:s3+$0x3000] =	vst v3;
	s3 =	smov.u32 s6  }
0x94: {  	v3 =	vld [tilespmem:s3+$0x3000];
	_ =	sdelay $0x4  }
0x95: {  	v2 =	vadd.f32 v2, v3;
	_ =	sdelay $0x1  }
0x96: {  	s6 =	rddreg [dreg:$0x5];
	[tilespmem:s3+$0x3000] =	vst v2  }
0x97: {  	[tilespmem:s0], [sflag:$0x1] =	stream.strided.gather [spmem:s6], $0x280, s31, s30, $0x38;
	[tilespmem:$0x5D00] =	vst v63  }
0x98: {  	_ =	swait.ge [sflag:s29], $0x280  }
0x99: {  	[sflag:s29] =	ssyncset.done $0x0  }
0x9a: {  	s3 =	simm.s32 $0x0;
	[sflag:s29] =	ssyncadd.s32 $0xFFFFFD80  }
0x9b: {  	s5 =	simm.s32 $0x40;
	v2 =	vld [tilespmem:s3+$0x3280]  }
.LBB2_18:
0x9c: {  	p0 =	sne.s32 s5, $0x9C0;
	v3 =	vld [tilespmem:s3+$0x3000];
	_ =	sdelay $0x2  }
.Ltmp8:
0x9d: {  	(pc) =	sbr.rel @p0 .LBB2_18-.Ltmp8, $4  }
0x9e: {  	_ = 	snop  }
0x9f: {  	v3 =	vadd.f32 v2, v3  }
0xa0: {  	s6 =	sshra.s32 s5, $0x2  }
0xa1: {  	s5 =	sadd.s32 $0x40, s5;
	v2 =	vld [tilespmem:s6+$0x3280];
	[tilespmem:s3+$0x3000] =	vst v3;
	s3 =	smov.u32 s6  }
0xa2: {  	v3 =	vld [tilespmem:s3+$0x3000];
	_ =	sdelay $0x4  }
0xa3: {  	v2 =	vadd.f32 v2, v3;
	_ =	sdelay $0x1  }
0xa4: {  	[tilespmem:s3+$0x3000] =	vst v2  }
0xa5: {  	[tilespmem:s0], [sflag:$0x1] =	stream.strided.gather [spmem:s7], $0x280, s31, s30, $0x38;
	[tilespmem:$0x5D00] =	vst v63  }
0xa6: {  	_ =	swait.ge [sflag:s29], $0x280  }
0xa7: {  	[sflag:s29] =	ssyncset.done $0x0  }
0xa8: {  	s3 =	simm.s32 $0x0;
	[sflag:s29] =	ssyncadd.s32 $0xFFFFFD80  }
0xa9: {  	s5 =	simm.s32 $0x40;
	v2 =	vld [tilespmem:s3+$0x3280]  }
.LBB2_20:
0xaa: {  	p0 =	sne.s32 s5, $0x9C0;
	v3 =	vld [tilespmem:s3+$0x3000];
	_ =	sdelay $0x2  }
.Ltmp9:
0xab: {  	(pc) =	sbr.rel @p0 .LBB2_20-.Ltmp9, $4  }
0xac: {  	_ = 	snop  }
0xad: {  	v3 =	vadd.f32 v2, v3  }
0xae: {  	s6 =	sshra.s32 s5, $0x2  }
0xaf: {  	s5 =	sadd.s32 $0x40, s5;
	v2 =	vld [tilespmem:s6+$0x3280];
	[tilespmem:s3+$0x3000] =	vst v3;
	s3 =	smov.u32 s6  }
0xb0: {  	v3 =	vld [tilespmem:s3+$0x3000];
	_ =	sdelay $0x4  }
0xb1: {  	v2 =	vadd.f32 v2, v3;
	_ =	sdelay $0x1  }
0xb2: {  	[tilespmem:s3+$0x3000] =	vst v2  }
0xb3: {  	[tilespmem:s0], [sflag:$0x1] =	stream.strided.gather [spmem:s8], $0x280, s31, s30, $0x38;
	[tilespmem:$0x5D00] =	vst v63  }
0xb4: {  	_ =	swait.ge [sflag:s29], $0x280  }
0xb5: {  	[sflag:s29] =	ssyncset.done $0x0  }
0xb6: {  	s3 =	simm.s32 $0x0;
	[sflag:s29] =	ssyncadd.s32 $0xFFFFFD80  }
0xb7: {  	s5 =	simm.s32 $0x40;
	v2 =	vld [tilespmem:s3+$0x3280]  }
.LBB2_22:
0xb8: {  	p0 =	sne.s32 s5, $0x9C0;
	v3 =	vld [tilespmem:s3+$0x3000];
	_ =	sdelay $0x2  }
.Ltmp10:
0xb9: {  	(pc) =	sbr.rel @p0 .LBB2_22-.Ltmp10, $4  }
0xba: {  	_ = 	snop  }
0xbb: {  	v3 =	vadd.f32 v2, v3  }
0xbc: {  	s6 =	sshra.s32 s5, $0x2  }
0xbd: {  	s5 =	sadd.s32 $0x40, s5;
	v2 =	vld [tilespmem:s6+$0x3280];
	[tilespmem:s3+$0x3000] =	vst v3;
	s3 =	smov.u32 s6  }
0xbe: {  	v3 =	vld [tilespmem:s3+$0x3000];
	_ =	sdelay $0x4  }
0xbf: {  	v2 =	vadd.f32 v2, v3;
	_ =	sdelay $0x1  }
0xc0: {  	[tilespmem:s3+$0x3000] =	vst v2  }
0xc1: {  	[tilespmem:s0], [sflag:$0x1] =	stream.strided.gather [spmem:s9], $0x280, s31, s30, $0x38;
	[tilespmem:$0x5D00] =	vst v63  }
0xc2: {  	_ =	swait.ge [sflag:s29], $0x280  }
0xc3: {  	[sflag:s29] =	ssyncset.done $0x0  }
0xc4: {  	s3 =	simm.s32 $0x0;
	[sflag:s29] =	ssyncadd.s32 $0xFFFFFD80  }
0xc5: {  	s5 =	simm.s32 $0x40;
	v2 =	vld [tilespmem:s3+$0x3280]  }
.LBB2_24:
0xc6: {  	p0 =	sne.s32 s5, $0x9C0;
	v3 =	vld [tilespmem:s3+$0x3000];
	_ =	sdelay $0x2  }
.Ltmp11:
0xc7: {  	(pc) =	sbr.rel @p0 .LBB2_24-.Ltmp11, $4  }
0xc8: {  	_ = 	snop  }
0xc9: {  	v3 =	vadd.f32 v2, v3  }
0xca: {  	s6 =	sshra.s32 s5, $0x2  }
0xcb: {  	s5 =	sadd.s32 $0x40, s5;
	v2 =	vld [tilespmem:s6+$0x3280];
	[tilespmem:s3+$0x3000] =	vst v3;
	s3 =	smov.u32 s6  }
0xcc: {  	v3 =	vld [tilespmem:s3+$0x3000];
	_ =	sdelay $0x4  }
0xcd: {  	v2 =	vadd.f32 v2, v3;
	_ =	sdelay $0x1  }
0xce: {  	[tilespmem:s3+$0x3000] =	vst v2  }
0xcf: {  	[tilespmem:s0], [sflag:$0x1] =	stream.strided.gather [spmem:s10], $0x280, s31, s30, $0x38;
	[tilespmem:$0x5D00] =	vst v63  }
0xd0: {  	_ =	swait.ge [sflag:s29], $0x280  }
0xd1: {  	[sflag:s29] =	ssyncset.done $0x0  }
0xd2: {  	s3 =	simm.s32 $0x0;
	[sflag:s29] =	ssyncadd.s32 $0xFFFFFD80  }
0xd3: {  	s5 =	simm.s32 $0x40;
	v2 =	vld [tilespmem:s3+$0x3280]  }
.LBB2_26:
0xd4: {  	p0 =	sne.s32 s5, $0x9C0;
	v3 =	vld [tilespmem:s3+$0x3000];
	_ =	sdelay $0x2  }
.Ltmp12:
0xd5: {  	(pc) =	sbr.rel @p0 .LBB2_26-.Ltmp12, $4  }
0xd6: {  	_ = 	snop  }
0xd7: {  	v3 =	vadd.f32 v2, v3  }
0xd8: {  	s6 =	sshra.s32 s5, $0x2  }
0xd9: {  	s5 =	sadd.s32 $0x40, s5;
	v2 =	vld [tilespmem:s6+$0x3280];
	[tilespmem:s3+$0x3000] =	vst v3;
	s3 =	smov.u32 s6  }
0xda: {  	v3 =	vld [tilespmem:s3+$0x3000];
	_ =	sdelay $0x4  }
0xdb: {  	v2 =	vadd.f32 v2, v3;
	_ =	sdelay $0x1  }
0xdc: {  	[tilespmem:s3+$0x3000] =	vst v2  }
0xdd: {  	[tilespmem:s0], [sflag:$0x1] =	stream.strided.gather [spmem:s11], $0x280, s31, s30, $0x38;
	[tilespmem:$0x5D00] =	vst v63  }
0xde: {  	_ =	swait.ge [sflag:s29], $0x280  }
0xdf: {  	[sflag:s29] =	ssyncset.done $0x0  }
0xe0: {  	s3 =	simm.s32 $0x0;
	[sflag:s29] =	ssyncadd.s32 $0xFFFFFD80  }
0xe1: {  	s5 =	simm.s32 $0x40;
	v2 =	vld [tilespmem:s3+$0x3280]  }
.LBB2_28:
0xe2: {  	p0 =	sne.s32 s5, $0x9C0;
	v3 =	vld [tilespmem:s3+$0x3000];
	_ =	sdelay $0x2  }
.Ltmp13:
0xe3: {  	(pc) =	sbr.rel @p0 .LBB2_28-.Ltmp13, $4  }
0xe4: {  	_ = 	snop  }
0xe5: {  	v3 =	vadd.f32 v2, v3  }
0xe6: {  	s6 =	sshra.s32 s5, $0x2  }
0xe7: {  	s5 =	sadd.s32 $0x40, s5;
	v2 =	vld [tilespmem:s6+$0x3280];
	[tilespmem:s3+$0x3000] =	vst v3;
	s3 =	smov.u32 s6  }
0xe8: {  	v3 =	vld [tilespmem:s3+$0x3000];
	_ =	sdelay $0x4  }
0xe9: {  	v2 =	vadd.f32 v2, v3;
	_ =	sdelay $0x1  }
0xea: {  	[tilespmem:s3+$0x3000] =	vst v2  }
0xeb: {  	[tilespmem:s0], [sflag:$0x1] =	stream.strided.gather [spmem:s12], $0x280, s31, s30, $0x38;
	[tilespmem:$0x5D00] =	vst v63  }
0xec: {  	_ =	swait.ge [sflag:s29], $0x280  }
0xed: {  	[sflag:s29] =	ssyncset.done $0x0  }
0xee: {  	s3 =	simm.s32 $0x0;
	[sflag:s29] =	ssyncadd.s32 $0xFFFFFD80  }
0xef: {  	s5 =	simm.s32 $0x40;
	v2 =	vld [tilespmem:s3+$0x3280]  }
.LBB2_30:
0xf0: {  	p0 =	sne.s32 s5, $0x9C0;
	v3 =	vld [tilespmem:s3+$0x3000];
	_ =	sdelay $0x2  }
.Ltmp14:
0xf1: {  	(pc) =	sbr.rel @p0 .LBB2_30-.Ltmp14, $4  }
0xf2: {  	_ = 	snop  }
0xf3: {  	v3 =	vadd.f32 v2, v3  }
0xf4: {  	s6 =	sshra.s32 s5, $0x2  }
0xf5: {  	s5 =	sadd.s32 $0x40, s5;
	v2 =	vld [tilespmem:s6+$0x3280];
	[tilespmem:s3+$0x3000] =	vst v3;
	s3 =	smov.u32 s6  }
0xf6: {  	v3 =	vld [tilespmem:s3+$0x3000];
	_ =	sdelay $0x4  }
0xf7: {  	v2 =	vadd.f32 v2, v3;
	_ =	sdelay $0x1  }
0xf8: {  	[tilespmem:s3+$0x3000] =	vst v2  }
0xf9: {  	[tilespmem:s0], [sflag:$0x1] =	stream.strided.gather [spmem:s13], $0x280, s31, s30, $0x38;
	[tilespmem:$0x5D00] =	vst v63  }
0xfa: {  	_ =	swait.ge [sflag:s29], $0x280  }
0xfb: {  	[sflag:s29] =	ssyncset.done $0x0  }
0xfc: {  	s3 =	simm.s32 $0x0;
	[sflag:s29] =	ssyncadd.s32 $0xFFFFFD80  }
0xfd: {  	s5 =	simm.s32 $0x40;
	v2 =	vld [tilespmem:s3+$0x3280]  }
.LBB2_32:
0xfe: {  	p0 =	sne.s32 s5, $0x9C0;
	v3 =	vld [tilespmem:s3+$0x3000];
	_ =	sdelay $0x2  }
.Ltmp15:
0xff: {  	(pc) =	sbr.rel @p0 .LBB2_32-.Ltmp15, $4  }
0x100: {  	_ = 	snop  }
0x101: {  	v3 =	vadd.f32 v2, v3  }
0x102: {  	s6 =	sshra.s32 s5, $0x2  }
0x103: {  	s5 =	sadd.s32 $0x40, s5;
	v2 =	vld [tilespmem:s6+$0x3280];
	[tilespmem:s3+$0x3000] =	vst v3;
	s3 =	smov.u32 s6  }
0x104: {  	v3 =	vld [tilespmem:s3+$0x3000];
	_ =	sdelay $0x4  }
0x105: {  	v2 =	vadd.f32 v2, v3;
	_ =	sdelay $0x1  }
0x106: {  	[tilespmem:s3+$0x3000] =	vst v2  }
0x107: {  	[tilespmem:s0], [sflag:$0x1] =	stream.strided.gather [spmem:s14], $0x280, s31, s30, $0x38;
	[tilespmem:$0x5D00] =	vst v63  }
0x108: {  	_ =	swait.ge [sflag:s29], $0x280  }
0x109: {  	[sflag:s29] =	ssyncset.done $0x0  }
0x10a: {  	s3 =	simm.s32 $0x0;
	[sflag:s29] =	ssyncadd.s32 $0xFFFFFD80  }
0x10b: {  	s5 =	simm.s32 $0x40;
	v2 =	vld [tilespmem:s3+$0x3280]  }
.LBB2_34:
0x10c: {  	p0 =	sne.s32 s5, $0x9C0;
	v3 =	vld [tilespmem:s3+$0x3000];
	_ =	sdelay $0x2  }
.Ltmp16:
0x10d: {  	(pc) =	sbr.rel @p0 .LBB2_34-.Ltmp16, $4  }
0x10e: {  	_ = 	snop  }
0x10f: {  	v3 =	vadd.f32 v2, v3  }
0x110: {  	s6 =	sshra.s32 s5, $0x2  }
0x111: {  	s5 =	sadd.s32 $0x40, s5;
	v2 =	vld [tilespmem:s6+$0x3280];
	[tilespmem:s3+$0x3000] =	vst v3;
	s3 =	smov.u32 s6  }
0x112: {  	v3 =	vld [tilespmem:s3+$0x3000];
	_ =	sdelay $0x4  }
0x113: {  	v2 =	vadd.f32 v2, v3;
	_ =	sdelay $0x1  }
0x114: {  	[tilespmem:s3+$0x3000] =	vst v2  }
0x115: {  	[tilespmem:s0], [sflag:$0x1] =	stream.strided.gather [spmem:s15], $0x280, s31, s30, $0x38;
	[tilespmem:$0x5D00] =	vst v63  }
0x116: {  	_ =	swait.ge [sflag:s29], $0x280  }
0x117: {  	[sflag:s29] =	ssyncset.done $0x0  }
0x118: {  	s3 =	simm.s32 $0x0;
	[sflag:s29] =	ssyncadd.s32 $0xFFFFFD80  }
0x119: {  	s5 =	simm.s32 $0x40;
	v2 =	vld [tilespmem:s3+$0x3280]  }
.LBB2_36:
0x11a: {  	p0 =	sne.s32 s5, $0x9C0;
	v3 =	vld [tilespmem:s3+$0x3000];
	_ =	sdelay $0x2  }
.Ltmp17:
0x11b: {  	(pc) =	sbr.rel @p0 .LBB2_36-.Ltmp17, $4  }
0x11c: {  	_ = 	snop  }
0x11d: {  	v3 =	vadd.f32 v2, v3  }
0x11e: {  	s6 =	sshra.s32 s5, $0x2  }
0x11f: {  	s5 =	sadd.s32 $0x40, s5;
	v2 =	vld [tilespmem:s6+$0x3280];
	[tilespmem:s3+$0x3000] =	vst v3;
	s3 =	smov.u32 s6  }
0x120: {  	v3 =	vld [tilespmem:s3+$0x3000];
	_ =	sdelay $0x4  }
0x121: {  	v2 =	vadd.f32 v2, v3;
	_ =	sdelay $0x1  }
0x122: {  	[tilespmem:s3+$0x3000] =	vst v2  }
0x123: {  	[tilespmem:s0], [sflag:$0x1] =	stream.strided.gather [spmem:s16], $0x280, s31, s30, $0x38;
	[tilespmem:$0x5D00] =	vst v63  }
0x124: {  	_ =	swait.ge [sflag:s29], $0x280  }
0x125: {  	[sflag:s29] =	ssyncset.done $0x0  }
0x126: {  	s3 =	simm.s32 $0x0;
	[sflag:s29] =	ssyncadd.s32 $0xFFFFFD80  }
0x127: {  	s5 =	simm.s32 $0x40;
	v2 =	vld [tilespmem:s3+$0x3280]  }
.LBB2_38:
0x128: {  	p0 =	sne.s32 s5, $0x9C0;
	v3 =	vld [tilespmem:s3+$0x3000];
	_ =	sdelay $0x2  }
.Ltmp18:
0x129: {  	(pc) =	sbr.rel @p0 .LBB2_38-.Ltmp18, $4  }
0x12a: {  	_ = 	snop  }
0x12b: {  	v3 =	vadd.f32 v2, v3  }
0x12c: {  	s6 =	sshra.s32 s5, $0x2  }
0x12d: {  	s5 =	sadd.s32 $0x40, s5;
	v2 =	vld [tilespmem:s6+$0x3280];
	[tilespmem:s3+$0x3000] =	vst v3;
	s3 =	smov.u32 s6  }
0x12e: {  	v3 =	vld [tilespmem:s3+$0x3000];
	_ =	sdelay $0x4  }
0x12f: {  	v2 =	vadd.f32 v2, v3;
	_ =	sdelay $0x1  }
0x130: {  	[tilespmem:s3+$0x3000] =	vst v2  }
0x131: {  	[tilespmem:s0], [sflag:$0x1] =	stream.strided.gather [spmem:s17], $0x280, s31, s30, $0x38;
	[tilespmem:$0x5D00] =	vst v63  }
0x132: {  	_ =	swait.ge [sflag:s29], $0x280  }
0x133: {  	[sflag:s29] =	ssyncset.done $0x0  }
0x134: {  	s3 =	simm.s32 $0x0;
	[sflag:s29] =	ssyncadd.s32 $0xFFFFFD80  }
0x135: {  	s5 =	simm.s32 $0x40;
	v2 =	vld [tilespmem:s3+$0x3280]  }
.LBB2_40:
0x136: {  	p0 =	sne.s32 s5, $0x9C0;
	v3 =	vld [tilespmem:s3+$0x3000];
	_ =	sdelay $0x2  }
.Ltmp19:
0x137: {  	(pc) =	sbr.rel @p0 .LBB2_40-.Ltmp19, $4  }
0x138: {  	_ = 	snop  }
0x139: {  	v3 =	vadd.f32 v2, v3  }
0x13a: {  	s6 =	sshra.s32 s5, $0x2  }
0x13b: {  	s5 =	sadd.s32 $0x40, s5;
	v2 =	vld [tilespmem:s6+$0x3280];
	[tilespmem:s3+$0x3000] =	vst v3;
	s3 =	smov.u32 s6  }
0x13c: {  	v3 =	vld [tilespmem:s3+$0x3000];
	_ =	sdelay $0x4  }
0x13d: {  	v2 =	vadd.f32 v2, v3;
	_ =	sdelay $0x1  }
0x13e: {  	[tilespmem:s3+$0x3000] =	vst v2  }
0x13f: {  	[tilespmem:s0], [sflag:$0x1] =	stream.strided.gather [spmem:s18], $0x280, s31, s30, $0x38;
	[tilespmem:$0x5D00] =	vst v63  }
0x140: {  	_ =	swait.ge [sflag:s29], $0x280  }
0x141: {  	[sflag:s29] =	ssyncset.done $0x0  }
0x142: {  	s3 =	simm.s32 $0x0;
	[sflag:s29] =	ssyncadd.s32 $0xFFFFFD80  }
0x143: {  	s5 =	simm.s32 $0x40;
	v2 =	vld [tilespmem:s3+$0x3280]  }
.LBB2_42:
0x144: {  	p0 =	sne.s32 s5, $0x9C0;
	v3 =	vld [tilespmem:s3+$0x3000];
	_ =	sdelay $0x2  }
.Ltmp20:
0x145: {  	(pc) =	sbr.rel @p0 .LBB2_42-.Ltmp20, $4  }
0x146: {  	_ = 	snop  }
0x147: {  	v3 =	vadd.f32 v2, v3  }
0x148: {  	s6 =	sshra.s32 s5, $0x2  }
0x149: {  	s5 =	sadd.s32 $0x40, s5;
	v2 =	vld [tilespmem:s6+$0x3280];
	[tilespmem:s3+$0x3000] =	vst v3;
	s3 =	smov.u32 s6  }
0x14a: {  	v3 =	vld [tilespmem:s3+$0x3000];
	_ =	sdelay $0x4  }
0x14b: {  	v2 =	vadd.f32 v2, v3;
	_ =	sdelay $0x1  }
0x14c: {  	[tilespmem:s3+$0x3000] =	vst v2  }
0x14d: {  	[tilespmem:s0], [sflag:$0x1] =	stream.strided.gather [spmem:s26], $0x280, s31, s30, $0x38;
	[tilespmem:$0x5D00] =	vst v63  }
0x14e: {  	_ =	swait.ge [sflag:s29], $0x280  }
0x14f: {  	[sflag:s29] =	ssyncset.done $0x0  }
0x150: {  	s3 =	simm.s32 $0x0;
	[sflag:s29] =	ssyncadd.s32 $0xFFFFFD80  }
0x151: {  	s5 =	simm.s32 $0x40;
	v2 =	vld [tilespmem:s3+$0x3280]  }
.LBB2_44:
0x152: {  	p0 =	sne.s32 s5, $0x9C0;
	v3 =	vld [tilespmem:s3+$0x3000];
	_ =	sdelay $0x2  }
.Ltmp21:
0x153: {  	(pc) =	sbr.rel @p0 .LBB2_44-.Ltmp21, $4  }
0x154: {  	_ = 	snop  }
0x155: {  	v3 =	vadd.f32 v2, v3  }
0x156: {  	s6 =	sshra.s32 s5, $0x2  }
0x157: {  	s5 =	sadd.s32 $0x40, s5;
	v2 =	vld [tilespmem:s6+$0x3280];
	[tilespmem:s3+$0x3000] =	vst v3;
	s3 =	smov.u32 s6  }
0x158: {  	v3 =	vld [tilespmem:s3+$0x3000];
	_ =	sdelay $0x4  }
0x159: {  	s1 =	sadd.s32 $0x1, s1;
	v2 =	vadd.f32 v2, v3  }
0x15a: {  	p0 =	sne.s32 s1, s20  }
.Ltmp22:
0x15b: {  	s6 =	simm.s32 $0x100;
	s5 =	simm.s32 $0x3000;
	[tilespmem:s3+$0x3000] =	vst v2;
	(pc) =	sbr.rel @p0 .LBB2_1-.Ltmp22, $4  }
0x15c: {  	[hbm4b:s19+s30] =	stream.strided.scatter [tilespmem:s5], [sflag:$0x1], $0x280, s6, s30, $0x38;
	[tilespmem:$0x5D00] =	vst v63  }
0x15d: {  	_ =	swait.ge [sflag:s29], $0x280  }
0x15e: {  	[sflag:s29] =	ssyncset.done $0x0  }
0x15f: {  	[sflag:s29] =	ssyncadd.s32 $0xFFFFFD80  }
0x160: {  	_ =	sfence.sel $0x180000  }
0x161: {  	[bflag:$0x0] =	sbarrier.arrive $0xFFFF  }
0x162: {  	_ =	strace $0x90000047  }
0x163: {  	s0 =	stileid.u32;
	[bflag:$0x2] =	sbarrier.arrive $0xFFFF  }
0x164: {  	p0 =	sne.s32 s0, $0x0;
	s0 =	rddreg [dreg:$0x2]  }
0x165: {  	s0 =	sadd.s32 @!p0 $0x100000, s0  }
0x166: {  	[sflag:s0] =	ssyncadd.tile.s32 @!p0 $0x1;
	_ =	shalt  }
.Lfunc_end2:
_tile_overlayer_lowered:
.L_overlay_start_2:
0x167: {  	(tag) =	ssettag $0x2  }
0x168: {  	s0 =	rddreg [dreg:$0x0];
	s2 =	stileid.u32  }
0x169: {  	s1 =	rddreg [dreg:$0x1];
	p0 =	sne.s32 s2, $0x0  }
0x16a: {  	s3 =	rddreg [dreg:$0x2];
	[bflag:$0x3] =	sbarrier.arrive $0xFFFF;
	s2 =	simm.s32 @!p0 $0x1C01  }
0x16b: {  	[timem:s3], [sflag:s2] =	dma.local @!p0 [hbm:s0], s1  }
0x16c: {  	s0 =	simm.s32 @!p0 $0x1  }
0x16d: {  	_ =	swait.ge @!p0 [sflag:s0], s1  }
0x16e: {  	s1 =	ssub.s32 @!p0 $0x0, s1;
	[sflag:s0] =	ssyncset.done @!p0 $0x0  }
0x16f: {  	[sflag:s0] =	ssyncadd.s32 @!p0 s1  }
0x170: {  	[bflag:$0x3] =	sbarrier.arrive $0xFFFF  }
0x171: {  	_ =	shalt  }

// kernel: kernel.13.cloned.1.call-start
scs
__scs_entry_jumppad:
0x0: {  	(pc) =	sbr.rel $0x88, $3  }
0x1: {  	(tag) =	ssettag $0x0;
	lr =	simm.s32 $0x1  }
0x2: {  	[smem:$0x3F96] =	sst lr;
	_ =	strace $0xD0000000  }
0x3: {  	_ = 	snop  }
0x4: {  	_ = 	snop  }
0x5: {  	_ = 	snop  }
0x6: {  	_ = 	snop  }
0x7: {  	_ = 	snop  }
__scs_overlays_trampoline_lowered:
0x8: {  	[smem:$0x3FA5] =	sst s0  }
0x9: {  	[smem:$0x3FA6] =	sst s1  }
0xa: {  	[smem:$0x3FA7] =	sst s2  }
0xb: {  	[smem:$0x3FA8] =	sst s3  }
0xc: {  	[smem:$0x3FA9] =	sst s4  }
0xd: {  	[smem:$0x3FAA] =	sst s5  }
0xe: {  	[smem:$0x3FAB] =	sst s6  }
0xf: {  	[smem:$0x3FAC] =	sst s7  }
0x10: {  	[smem:$0x3FAD] =	sst s8  }
0x11: {  	[smem:$0x3FAE] =	sst s9;
	s0 =	simm.s32 @!p0 $0x0  }
0x12: {  	s1 =	sld [smem:$0x3F94];
	s0 =	simm.s32 @p0 $0x1  }
0x13: {  	[smem:$0x3FAF] =	sst s0;
	s0 =	simm.s32 @!p1 $0x0  }
0x14: {  	s2 =	sld [smem:$0x3F93];
	s0 =	simm.s32 @p1 $0x1  }
0x15: {  	[smem:$0x3FB0] =	sst s0;
	s0 =	simm.s32 @!p2 $0x0  }
0x16: {  	s3 =	sld [smem:$0x3FDB];
	s0 =	simm.s32 @p2 $0x1  }
0x17: {  	s4 =	simm.s32 $0x1BF5;
	[smem:$0x3FB2] =	sst s0  }
0x18: {  	s0 =	sld [smem:$0x3F95];
	_ =	swait.ge [sflag:s4], $0x0  }
0x19: {  	s7 =	sld [smem:$0x3F96]  }
0x1a: {  	s8 =	sadd.s32 $0xFFFFE003, lr  }
0x1b: {  	s9 =	sadd.s32 $0xFFFFFEF7, lr;
	s5 =	simm.s32 $0xFFFFFFFF;
	p2 =	slt.u32 s8, $0xFFFFF086  }
0x1c: {  	p1 =	slt.u32 s9, $0xF7A;
	s5 =	simm.s32 @!p2 $0x0  }
0x1d: {  	s5 =	simm.s32 @p1 $0x1;
	p0 =	seq.s32 s7, s2  }
0x1e: {  	s7 =	smul.u32 @!p0 $0xF7A, s2;
	p2 =	seq.s32 @!p0 s5, $0x0  }
0x1f: {  	s9 =	smul.u32 $0xF7A, s1;
	s8 =	simm.s32 @!p0 $0x1BF5;
	p2 =	por !p2, p0  }
0x20: {  	[sflag:s8] =	ssyncset.s32 @!p0 $0xFFFFF086;
	s6 =	sadd.s32 @!p0 s3, s7;
	s7 =	simm.s32 @!p0 $0x108  }
0x21: {  	s3 =	sadd.s32 s3, s9;
	s6 =	sadd.s32 @!p0 $0x88, s6;
	s7 =	simm.s32 @p2 $0x1082  }
0x22: {  	[simem:s7], [sflag:s8] =	dma.local @!p0 [hbm:s6], $0xF7A  }
0x23: {  	s9 =	sor.u32 $0xD0000000, s2;
	s6 =	simm.s32 $0x108;
	_ =	swait.ge @!p0 [sflag:s8], $0x0  }
0x24: {  	s3 =	sadd.s32 $0x88, s3;
	s6 =	simm.s32 @!p1 $0x1082;
	[sflag:s4] =	ssyncset.s32 $0xFFFFF086  }
0x25: {  	[simem:s6], [sflag:s4] =	dma.local [hbm:s3], $0xF7A  }
0x26: {  	[smem:$0x3F96] =	sst s1;
	(tag) =	ssettag s2;
	_ =	strace s9  }
0x27: {  	s1 =	sld [smem:$0x3FA6]  }
0x28: {  	s2 =	sld [smem:$0x3FA7]  }
0x29: {  	s4 =	sld [smem:$0x3FA9]  }
0x2a: {  	p0 =	seq.s32 s5, $0x0;
	s5 =	sld [smem:$0x3FAA]  }
0x2b: {  	s6 =	sld [smem:$0x3FAB]  }
0x2c: {  	s7 =	sld [smem:$0x3FAC]  }
0x2d: {  	s3 =	simm.s32 $0x108;
	s8 =	sld [smem:$0x3FAD]  }
0x2e: {  	s3 =	simm.s32 @!p0 $0x1082;
	s9 =	sld [smem:$0x3FAE]  }
0x2f: {  	lr =	sadd.s32 s0, s3;
	s0 =	sld [smem:$0x3FA5]  }
0x30: {  	s3 =	sld [smem:$0x3FA8]  }
0x31: {  	[smem:$0x3FB1] =	sst s10  }
0x32: {  	s10 =	sld [smem:$0x3FAF];
	_ =	sdelay $0x3  }
0x33: {  	p0 =	seq.s32 s10, $0x1;
	s10 =	sld [smem:$0x3FB1];
	_ =	sdelay $0x3  }
0x34: {  	[smem:$0x3FB1] =	sst s10  }
0x35: {  	s10 =	sld [smem:$0x3FB0];
	_ =	sdelay $0x3  }
0x36: {  	p1 =	seq.s32 s10, $0x1;
	s10 =	sld [smem:$0x3FB1];
	_ =	sdelay $0x3  }
0x37: {  	[smem:$0x3FB1] =	sst s10  }
0x38: {  	s10 =	sld [smem:$0x3FB2]  }
0x39: {  	_ = 	snop;
	(pc) =	sbr.ind lr, $3  }
0x3a: {  	_ = 	snop  }
0x3b: {  	_ = 	snop  }
0x3c: {  	p2 =	seq.s32 s10, $0x1;
	s10 =	sld [smem:$0x3FB1]  }
0x3d: {  	_ =	shalt  }
0x3e: {  	_ =	shalt  }
0x3f: {  	_ =	shalt  }
0x40: {  	_ =	shalt  }
0x41: {  	_ =	shalt  }
0x42: {  	_ =	shalt  }
0x43: {  	_ =	shalt  }
0x44: {  	_ =	shalt  }
0x45: {  	_ =	shalt  }
0x46: {  	_ =	shalt  }
0x47: {  	_ =	shalt  }
0x48: {  	_ =	shalt  }
0x49: {  	_ =	shalt  }
0x4a: {  	_ =	shalt  }
0x4b: {  	_ =	shalt  }
0x4c: {  	_ =	shalt  }
0x4d: {  	_ =	shalt  }
0x4e: {  	_ =	shalt  }
0x4f: {  	_ =	shalt  }
0x50: {  	_ =	shalt  }
0x51: {  	_ =	shalt  }
0x52: {  	_ =	shalt  }
0x53: {  	_ =	shalt  }
0x54: {  	_ =	shalt  }
0x55: {  	_ =	shalt  }
0x56: {  	_ =	shalt  }
0x57: {  	_ =	shalt  }
0x58: {  	_ =	shalt  }
0x59: {  	_ =	shalt  }
0x5a: {  	_ =	shalt  }
0x5b: {  	_ =	shalt  }
0x5c: {  	_ =	shalt  }
0x5d: {  	_ =	shalt  }
0x5e: {  	_ =	shalt  }
0x5f: {  	_ =	shalt  }
0x60: {  	_ =	shalt  }
0x61: {  	_ =	shalt  }
0x62: {  	_ =	shalt  }
0x63: {  	_ =	shalt  }
0x64: {  	_ =	shalt  }
0x65: {  	_ =	shalt  }
0x66: {  	_ =	shalt  }
0x67: {  	_ =	shalt  }
0x68: {  	_ =	shalt  }
0x69: {  	_ =	shalt  }
0x6a: {  	_ =	shalt  }
0x6b: {  	_ =	shalt  }
0x6c: {  	_ =	shalt  }
0x6d: {  	_ =	shalt  }
0x6e: {  	_ =	shalt  }
0x6f: {  	_ =	shalt  }
0x70: {  	_ =	shalt  }
0x71: {  	_ =	shalt  }
0x72: {  	_ =	shalt  }
0x73: {  	_ =	shalt  }
0x74: {  	_ =	shalt  }
0x75: {  	_ =	shalt  }
0x76: {  	_ =	shalt  }
0x77: {  	_ =	shalt  }
0x78: {  	_ =	shalt  }
0x79: {  	_ =	shalt  }
0x7a: {  	_ =	shalt  }
0x7b: {  	_ =	shalt  }
0x7c: {  	_ =	shalt  }
0x7d: {  	_ =	shalt  }
0x7e: {  	_ =	shalt  }
0x7f: {  	_ =	shalt  }
0x80: {  	_ =	shalt  }
0x81: {  	_ =	shalt  }
0x82: {  	_ =	shalt  }
0x83: {  	_ =	shalt  }
0x84: {  	_ =	shalt  }
0x85: {  	_ =	shalt  }
0x86: {  	_ =	shalt  }
0x87: {  	_ =	shalt  }
.Lfunc_end0:
.L_simem_size_0:
called_computation.1_lowered:
.L_overlay_start_0:
0x88: {  	s2 =	sld [smem:$0x3FD9]  }
0x89: {  	s3 =	sld [smem:$0x3FFE];
	_ =	sdelay $0x1  }
0x8a: {  	s1 =	srdreg.scid  }
0x8b: {  	s0 =	sand.u32 $0x1, s1  }
0x8c: {  	s16 =	sshll.u32 s0, $0xA;
	s2 =	sadd.s32 s3, s2  }
0x8d: {  	s2 =	sadd.s32 s2, s16  }
0x8e: {  	[smem:$0x3FBD] =	sst s2  }
0x8f: {  	_ = 	snop  }
0x90: {  	(tm) =	ssettm $0x1  }
0x91: {  	s17 =	sld [smem:$0x3FFB];
	_ =	sdelay $0x3  }
0x92: {  	_ =	strace s17  }
0x93: {  	s2 =	sld [smem:$0x3FFC];
	_ =	sdelay $0x3  }
0x94: {  	_ =	strace s2  }
0x95: {  	s2 =	sld [smem:$0x3FFD];
	_ =	sdelay $0x3  }
0x96: {  	_ =	strace s2  }
0x97: {  	_ =	strace $0x8FFFFFFF  }
0x98: {  	s18 =	sld [smem:$0x3FDB];
	_ =	sdelay $0x1  }
0x99: {  	s19 =	simm.s32 $_scs_section_size  }
0x9a: {  	s4 =	simm.s32 $_size__tile_overlayer_lowered;
	s5 =	simm.s32 $_tile_overlayer_lowered  }
0x9b: {  	s22 =	simm.s32 $0x1BFF;
	s21 =	sshll.u32 s5, $0x1;
	s2 =	sadd.s32 s19, s18  }
0x9c: {  	s6 =	simm.s32 $0x0;
	s20 =	sshll.u32 s4, $0x1;
	s4 =	sadd.s32 s21, s2  }
0x9d: {  	[timem:s6], [sflag:s22] =	dma.local [hbm:s4], s20  }
0x9e: {  	_ =	swait.ge [sflag:s22], s20  }
0x9f: {  	s3 =	ssub.s32 $0x0, s20;
	[sflag:s22] =	ssyncset.done $0x0  }
0xa0: {  	[sflag:s22] =	ssyncadd.s32 s3;
	_ =	sdelay $0x1  }
0xa1: {  	s23 =	simm.s32 $0x1B8B  }
0xa2: {  	_ =	swait.ge [sflag:s23], $0x1  }
0xa3: {  	[sflag:s23] =	ssyncset.done $0x0  }
0xa4: {  	s25 =	simm.s32 $0x1B8E;
	s24 =	sld [smem:$0x3FFE];
	[sflag:s23] =	ssyncadd.s32 $0xFFFFFFFF  }
0xa5: {  	s26 =	simm.s32 $execute0_lowered;
	[smem:$0x3FD2] =	sst s25  }
0xa6: {  	s4 =	sshll.u32 s26, $0x1;
	_ =	strace $0x80000049;
	[dreg:$0x1] =	wrdreg $0xFFFFFFFF  }
0xa7: {  	s28 =	simm.s32 $_size_execute0_lowered;
	s2 =	sadd.s32 s2, s4;
	[dreg:$0x0] =	wrdreg $0x0  }
0xa8: {  	s4 =	sshll.u32 s28, $0x1;
	[dreg:$0x2] =	wrdreg s2  }
0xa9: {  	[dreg:$0x3] =	wrdreg s4  }
0xaa: {  	[dreg:$0x4] =	wrdreg $0xC0  }
0xab: {  	_ =	task [dreg:s6], $0x5FFFF  }
0xac: {  	[dreg:$0x1] =	wrdreg $0xFFFFFFFF  }
0xad: {  	[dreg:$0x0] =	wrdreg $0x60  }
0xae: {  	[dreg:$0x2] =	wrdreg s24  }
0xaf: {  	[dreg:$0x3] =	wrdreg $0x0  }
0xb0: {  	[dreg:$0x4] =	wrdreg $0x9  }
0xb1: {  	_ =	task.clear_ibuf [dreg:s6], $0x5FFFF;
	_ =	strace $0x90000049  }
0xb2: {  	s29 =	simm.s32 $0x9;
	_ =	strace $0x8000004B  }
0xb3: {  	_ =	swait.ge [sflag:s29], $0x1  }
0xb4: {  	[sflag:s29] =	ssyncadd.s32 $0xFFFFFFFF  }
0xb5: {  	_ =	strace $0x9000004B  }
0xb6: {  	_ =	sfence  }
0xb7: {  	s30 =	sld [smem:$0x0];
	_ =	sdelay $0x2  }
0xb8: {  	s31 =	sshll.u32 s1, $0xD;
	s1 =	sshrl.u32 s1, $0x2  }
0xb9: {  	s3 =	sand.u32 $0x4000, s31;
	s1 =	sadd.s32 s1, s30  }
0xba: {  	s0 =	sor.u32 s3, s0;
	s1 =	sshll.u32 s1, $0x11  }
0xbb: {  	s0 =	sor.u32 s1, s0  }
0xbc: {  	s0 =	sadd.s32 $0x8F2B, s0  }
0xbd: {  	[sflag:s0] =	ssyncadd.remote.s32 $0x1  }
0xbe: {  	_ =	sfence.sel $0xFFFF  }
0xbf: {  	[dreg:$0x0] =	wrdreg $0xFFFFFFFF;
	(pc) =	sbr.abs _section_cstart, $3  }
0xc0: {  	[dreg:$0x1] =	wrdreg $0xFFFFFFFF  }
0xc1: {  	_ =	task.clear_ibuf [dreg:s6], $0x2FFFF;
	_ =	strace $0x9FFFFFFF  }
0xc2: {  	(tm) =	ssettm $0x7FFFFFFF  }
0xc3: {  	_ =	shalt  }
tec
execute0_lowered:
.L_overlay_start_1:
0x0: {  	(tag) =	ssettag $0x1  }
0x1: {  	s0 =	rddreg [dreg:$0x0];
	s1 =	srdreg.scid  }
0x2: {  	s2 =	rddreg [dreg:$0x1];
	s3 =	stileid.u32  }
0x3: {  	s4 =	simm.s32 $0x0;
	s17 =	simm.s32 $0x14000;
	s18 =	simm.s32 $0x4  }
0x4: {  	s20 =	simm.s32 $0x80;
	s28 =	simm.s32 $0x0;
	s8 =	smul.u32 $0x14000, s3  }
0x5: {  	s1 =	sand.u32 $0x1, s1;
	[smem:$0x7FF] =	sst s4;
	s9 =	smul.u32 $0x50000, s3  }
0x6: {  	s4 =	sadd.s32 $0x2AE00, s0;
	s5 =	sadd.s32 $0x16E00, s0;
	s11 =	smul.u32 $0x2800, s3  }
0x7: {  	s6 =	sadd.s32 $0xC400, s0;
	s7 =	smul.u32 $0x140000, s1;
	s12 =	ssub.s32 $0x2, s1  }
0x8: {  	_ =	strace $0x8000004A;
	s10 =	smul.u32 $0x28000, s1;
	s13 =	sshrl.u32 s12, $0x1  }
0x9: {  	s9 =	sshrl.u32 s9, $0x2;
	s8 =	sadd.s32 s8, s7;
	s7 =	smul.u32 $0x50000, s1  }
0xa: {  	s25 =	ssub.s32 s12, s13;
	s16 =	sadd.s32 s9, s2;
	s26 =	sadd.s32 s11, s10  }
0xb: {  	s10 =	sshll.u32 s3, $0x6;
	s24 =	sshrl.u32 s8, $0x3;
	s8 =	smul.u32 $0x5000, s3  }
.Ltmp0:
0xc: {  	s9 =	sadd.s32 s4, s26;
	s11 =	sor.u32 $0x1C03, s10;
	(pc) =	sbr.rel .LBB2_1-.Ltmp0, $4  }
0xd: {  	s15 =	smax.u32 s25, $0x1;
	s16 =	sshrl.u32 s16, $0x3;
	s25 =	simm.s32 $0x1  }
0xe: {  	s26 =	simm.s32 $0x2;
	s0 =	sadd.s32 s24, s0;
	s29 =	sadd.s32 s8, s7  }
0xf: {  	s24 =	simm.s32 $0x3;
	s31 =	sshrl.u32 s8, $0x3;
	s30 =	sshrl.u32 s29, $0x3  }
0x10: {  	s14 =	sadd.s32 $0x7AE00, s0;
	s13 =	sadd.s32 s6, s31;
	s12 =	sadd.s32 s5, s30  }
.LBB2_7:
0x11: {  	s28 =	sadd.s32 $0x1, s28  }
0x12: {  	p0 =	sne.s32 s28, s15  }
.Ltmp1:
0x13: {  	[bflag:$0x0] =	sbarrier.arrive $0xFFFF;
	s0 =	sor.u32 $0x1C04, s10;
	(pc) =	sbr.rel @!p0 .LBB2_8-.Ltmp1, $4  }
0x14: {  	[hbm:s14], [sflag:s0] =	dma.local [spmem:s16], $0x2800  }
0x15: {  	_ =	swait.ge [sflag:s18], $0x2800  }
0x16: {  	[sflag:s18] =	ssyncset.done $0x0  }
0x17: {  	[sflag:s18] =	ssyncadd.s32 $0xFFFFD800  }
.LBB2_1:
0x18: {  	[spmem:s16], [sflag:s11] =	dma.local [hbm:s9], $0x2800  }
0x19: {  	s0 =	simm.s32 $0x0  }
0x1a: {  	[tilespmem:s17], [sflag:$0x4] =	stream.linear.gather [hbm4b:s12+s0], $0x800, $0x38;
	[tilespmem:$0x1E000] =	vst v63  }
0x1b: {  	_ =	swait.ge [sflag:s18], $0x800  }
0x1c: {  	[sflag:s18] =	ssyncset.done $0x0  }
0x1d: {  	s1 =	simm.s32 $0x15000;
	[sflag:s18] =	ssyncadd.s32 $0xFFFFF800  }
0x1e: {  	[tilespmem:s1], [sflag:$0x4] =	stream.linear.gather [hbm4b:s13+s0], $0x800, $0x38;
	[tilespmem:$0x1E000] =	vst v63  }
0x1f: {  	_ =	swait.ge [sflag:s18], $0x800  }
0x20: {  	[sflag:s18] =	ssyncset.done $0x0  }
0x21: {  	s21 =	simm.s32 $0x16000;
	[sflag:s18] =	ssyncadd.s32 $0xFFFFF800  }
0x22: {  	[tilespmem:s21], [sflag:$0x1] =	stream.indirect.gather [hbm4b:s4+s20], $0x80, s17, s20, $0xb8;
	[tilespmem:$0x1E000] =	vst v63  }
0x23: {  	s22 =	simm.s32 $0x14080;
	s23 =	simm.s32 $0x1A000  }
0x24: {  	[tilespmem:s23], [sflag:$0x1] =	stream.indirect.gather [hbm4b:s4+s20], $0x80, s22, s20, $0xb8;
	[tilespmem:$0x1E000] =	vst v63  }
.Ltmp2:
0x25: {  	_ =	swait.ge [sflag:s24], $0x2800;
	(pc) =	sbr.rel .LBB2_2-.Ltmp2, $4  }
0x26: {  	[sflag:s24] =	ssyncset.done $0x0  }
0x27: {  	[sflag:s24] =	ssyncadd.s32 $0xFFFFD800  }
0x28: {  	[bflag:$0x0] =	sbarrier.arrive $0xFFFF  }
0x29: {  	s29 =	simm.s32 $0x400;
	s30 =	simm.s32 $0x0;
	s31 =	simm.s32 $0x2  }
.LBB2_3:
0x2a: {  	_ =	swait.ge [sflag:s24], $0x800  }
0x2b: {  	[sflag:s24] =	ssyncset.done $0x0  }
0x2c: {  	[sflag:s24] =	ssyncadd.s32 $0xFFFFF800  }
0x2d: {  	_ =	swait.ge [sflag:s24], $0x800  }
0x2e: {  	[sflag:s24] =	ssyncset.done $0x0  }
0x2f: {  	[sflag:s24] =	ssyncadd.s32 $0xFFFFF800  }
0x30: {  	_ =	swait.ge [sflag:s26], $0x4000  }
0x31: {  	[sflag:s26] =	ssyncset.done $0x0  }
0x32: {  	[sflag:s26] =	ssyncadd.s32 $0xFFFFC000  }
.LBB2_5:
0x33: {  	s3 =	sand.u32 $0x2000, s29  }
0x34: {  	s1 =	sshll.u32 s1, $0x7;
	s3 =	sshrl.u32 s3, $0x2  }
0x35: {  	s1 =	sor.u32 s1, s3  }
0x36: {  	s1 =	sor.u32 $0x14000, s1  }
0x37: {  	[tilespmem:s0], [sflag:$0x1] =	stream.indirect.gather [hbm4b:s4+s20], $0x80, s1, s20, $0xb8;
	[tilespmem:$0x1E000] =	vst v63  }
.LBB2_6:
0x38: {  	s31 =	sadd.s32 $0x1, s31  }
0x39: {  	p0 =	sne.s32 s31, $0xA2  }
.Ltmp3:
0x3a: {  	_ = 	snop;
	(pc) =	sbr.rel @!p0 .LBB2_7-.Ltmp3, $2  }
0x3b: {  	_ =	sdelay $0x2  }
0x3c: {  	s29 =	sadd.s32 $0x200, s29;
	s30 =	sadd.s32 $0x10000, s30  }
.LBB2_2:
0x3d: {  	s19 =	sadd.s32 $0xFFFFFFFE, s31;
	_ =	swait.ge [sflag:s25], $0x4000;
	s21 =	sand.u32 $0x10000, s30  }
0x3e: {  	s1 =	sand.u32 $0xF, s19;
	s0 =	sshll.u32 s19, $0x7;
	[sflag:s25] =	ssyncset.done $0x0  }
0x3f: {  	s21 =	sshrl.u32 s21, $0x2;
	p0 =	sgt.u32 s19, $0x8F;
	s0 =	sand.u32 $0x800, s0  }
0x40: {  	s22 =	sshll.u32 s1, $0x7;
	[sflag:s25] =	ssyncadd.s32 $0xFFFFC000;
	p1 =	sne.s32 @!p0 s1, $0x0  }
0x41: {  	s1 =	sshrl.u32 s19, $0x4;
	s22 =	sor.u32 s22, s0;
	p0 =	por p1, p0  }
0x42: {  	s0 =	sadd.s32 $0x16000, s21;
	s23 =	sor.u32 $0x15000, s22;
	s1 =	sshll.u32 @!p0 s1, $0xB  }
0x43: {  	[spmem:s2] =	stream.indirect.scatter.add.f32 [tilespmem:s0], [sflag:$0x2], $0x80, s23, s20, $0xb8;
	[tilespmem:$0x1E000] =	vst v63  }
0x44: {  	s1 =	sadd.s32 @!p0 $0x800, s1  }
0x45: {  	s21 =	sadd.s32 @!p0 s8, s1  }
0x46: {  	s22 =	sadd.s32 @!p0 s7, s21  }
0x47: {  	s3 =	simm.s32 @!p0 $0x0;
	s1 =	sand.u32 @!p0 $0x800, s1;
	s22 =	sshrl.u32 @!p0 s22, $0x3  }
0x48: {  	s23 =	sor.u32 @!p0 $0x14000, s1;
	s21 =	sshrl.u32 @!p0 s21, $0x3;
	s22 =	sadd.s32 @!p0 s5, s22  }
0x49: {  	[tilespmem:s23], [sflag:$0x3] =	stream.linear.gather @!p0 [hbm4b:s22+s3], $0x800, $0x38;
	[tilespmem:$0x1E000] =	vst v63  }
0x4a: {  	s1 =	sor.u32 @!p0 $0x15000, s1;
	s21 =	sadd.s32 @!p0 s6, s21  }
0x4b: {  	[tilespmem:s1], [sflag:$0x3] =	stream.linear.gather @!p0 [hbm4b:s21+s3], $0x800, $0x38;
	[tilespmem:$0x1E000] =	vst v63  }
0x4c: {  	s1 =	sand.u32 $0xF, s31;
	p0 =	sgt.u32 s19, $0x9D  }
0x4d: {  	p1 =	sne.s32 @!p0 s1, $0x0  }
0x4e: {  	p1 =	por p0, p1  }
.Ltmp4:
0x4f: {  	_ = 	snop;
	(pc) =	sbr.rel @!p1 .LBB2_3-.Ltmp4, $1  }
0x50: {  	_ =	sdelay $0x3  }
.Ltmp5:
0x51: {  	(pc) =	sbr.rel @p0 .LBB2_6-.Ltmp5, $4  }
.Ltmp6:
0x52: {  	(pc) =	sbr.rel @!p0 .LBB2_5-.Ltmp6, $4  }
0x53: {  	_ =	swait.ge [sflag:s26], $0x4000  }
0x54: {  	[sflag:s26] =	ssyncset.done $0x0  }
0x55: {  	[sflag:s26] =	ssyncadd.s32 $0xFFFFC000  }
0x56: {  	_ = 	snop  }
.LBB2_8:
0x57: {  	_ =	sfence.sel $0x180000  }
0x58: {  	[bflag:$0x0] =	sbarrier.arrive $0xFFFF  }
0x59: {  	_ =	strace $0x9000004A  }
0x5a: {  	s0 =	stileid.u32;
	[bflag:$0x2] =	sbarrier.arrive $0xFFFF  }
0x5b: {  	p0 =	sne.s32 s0, $0x0;
	s0 =	rddreg [dreg:$0x2]  }
0x5c: {  	s0 =	sadd.s32 @!p0 $0x100000, s0  }
0x5d: {  	[sflag:s0] =	ssyncadd.tile.s32 @!p0 $0x1;
	_ =	shalt  }
.Lfunc_end2:
_tile_overlayer_lowered:
.L_overlay_start_2:
0x5e: {  	(tag) =	ssettag $0x2  }
0x5f: {  	s0 =	rddreg [dreg:$0x0];
	s2 =	stileid.u32  }
0x60: {  	s1 =	rddreg [dreg:$0x1];
	p0 =	sne.s32 s2, $0x0  }
0x61: {  	s3 =	rddreg [dreg:$0x2];
	[bflag:$0x3] =	sbarrier.arrive $0xFFFF;
	s2 =	simm.s32 @!p0 $0x1C04  }
0x62: {  	[timem:s3], [sflag:s2] =	dma.local @!p0 [hbm:s0], s1  }
0x63: {  	s0 =	simm.s32 @!p0 $0x4  }
0x64: {  	_ =	swait.ge @!p0 [sflag:s0], s1  }
0x65: {  	s1 =	ssub.s32 @!p0 $0x0, s1;
	[sflag:s0] =	ssyncset.done @!p0 $0x0  }
0x66: {  	[sflag:s0] =	ssyncadd.s32 @!p0 s1  }
0x67: {  	[bflag:$0x3] =	sbarrier.arrive $0xFFFF  }
0x68: {  	_ =	shalt  }

// kernel: kernel.16.cloned.1.call-start
scs
__scs_entry_jumppad:
0x0: {  	(pc) =	sbr.rel $0x88, $3  }
0x1: {  	(tag) =	ssettag $0x0;
	lr =	simm.s32 $0x1  }
0x2: {  	[smem:$0x3F96] =	sst lr;
	_ =	strace $0xD0000000  }
0x3: {  	_ = 	snop  }
0x4: {  	_ = 	snop  }
0x5: {  	_ = 	snop  }
0x6: {  	_ = 	snop  }
0x7: {  	_ = 	snop  }
__scs_overlays_trampoline_lowered:
0x8: {  	[smem:$0x3FA5] =	sst s0  }
0x9: {  	[smem:$0x3FA6] =	sst s1  }
0xa: {  	[smem:$0x3FA7] =	sst s2  }
0xb: {  	[smem:$0x3FA8] =	sst s3  }
0xc: {  	[smem:$0x3FA9] =	sst s4  }
0xd: {  	[smem:$0x3FAA] =	sst s5  }
0xe: {  	[smem:$0x3FAB] =	sst s6  }
0xf: {  	[smem:$0x3FAC] =	sst s7  }
0x10: {  	[smem:$0x3FAD] =	sst s8  }
0x11: {  	[smem:$0x3FAE] =	sst s9;
	s0 =	simm.s32 @!p0 $0x0  }
0x12: {  	s1 =	sld [smem:$0x3F94];
	s0 =	simm.s32 @p0 $0x1  }
0x13: {  	[smem:$0x3FAF] =	sst s0;
	s0 =	simm.s32 @!p1 $0x0  }
0x14: {  	s2 =	sld [smem:$0x3F93];
	s0 =	simm.s32 @p1 $0x1  }
0x15: {  	[smem:$0x3FB0] =	sst s0;
	s0 =	simm.s32 @!p2 $0x0  }
0x16: {  	s3 =	sld [smem:$0x3FDB];
	s0 =	simm.s32 @p2 $0x1  }
0x17: {  	s4 =	simm.s32 $0x1BF5;
	[smem:$0x3FB2] =	sst s0  }
0x18: {  	s0 =	sld [smem:$0x3F95];
	_ =	swait.ge [sflag:s4], $0x0  }
0x19: {  	s7 =	sld [smem:$0x3F96]  }
0x1a: {  	s8 =	sadd.s32 $0xFFFFE003, lr  }
0x1b: {  	s9 =	sadd.s32 $0xFFFFFEF7, lr;
	s5 =	simm.s32 $0xFFFFFFFF;
	p2 =	slt.u32 s8, $0xFFFFF086  }
0x1c: {  	p1 =	slt.u32 s9, $0xF7A;
	s5 =	simm.s32 @!p2 $0x0  }
0x1d: {  	s5 =	simm.s32 @p1 $0x1;
	p0 =	seq.s32 s7, s2  }
0x1e: {  	s7 =	smul.u32 @!p0 $0xF7A, s2;
	p2 =	seq.s32 @!p0 s5, $0x0  }
0x1f: {  	s9 =	smul.u32 $0xF7A, s1;
	s8 =	simm.s32 @!p0 $0x1BF5;
	p2 =	por !p2, p0  }
0x20: {  	[sflag:s8] =	ssyncset.s32 @!p0 $0xFFFFF086;
	s6 =	sadd.s32 @!p0 s3, s7;
	s7 =	simm.s32 @!p0 $0x108  }
0x21: {  	s3 =	sadd.s32 s3, s9;
	s6 =	sadd.s32 @!p0 $0x88, s6;
	s7 =	simm.s32 @p2 $0x1082  }
0x22: {  	[simem:s7], [sflag:s8] =	dma.local @!p0 [hbm:s6], $0xF7A  }
0x23: {  	s9 =	sor.u32 $0xD0000000, s2;
	s6 =	simm.s32 $0x108;
	_ =	swait.ge @!p0 [sflag:s8], $0x0  }
0x24: {  	s3 =	sadd.s32 $0x88, s3;
	s6 =	simm.s32 @!p1 $0x1082;
	[sflag:s4] =	ssyncset.s32 $0xFFFFF086  }
0x25: {  	[simem:s6], [sflag:s4] =	dma.local [hbm:s3], $0xF7A  }
0x26: {  	[smem:$0x3F96] =	sst s1;
	(tag) =	ssettag s2;
	_ =	strace s9  }
0x27: {  	s1 =	sld [smem:$0x3FA6]  }
0x28: {  	s2 =	sld [smem:$0x3FA7]  }
0x29: {  	s4 =	sld [smem:$0x3FA9]  }
0x2a: {  	p0 =	seq.s32 s5, $0x0;
	s5 =	sld [smem:$0x3FAA]  }
0x2b: {  	s6 =	sld [smem:$0x3FAB]  }
0x2c: {  	s7 =	sld [smem:$0x3FAC]  }
0x2d: {  	s3 =	simm.s32 $0x108;
	s8 =	sld [smem:$0x3FAD]  }
0x2e: {  	s3 =	simm.s32 @!p0 $0x1082;
	s9 =	sld [smem:$0x3FAE]  }
0x2f: {  	lr =	sadd.s32 s0, s3;
	s0 =	sld [smem:$0x3FA5]  }
0x30: {  	s3 =	sld [smem:$0x3FA8]  }
0x31: {  	[smem:$0x3FB1] =	sst s10  }
0x32: {  	s10 =	sld [smem:$0x3FAF];
	_ =	sdelay $0x3  }
0x33: {  	p0 =	seq.s32 s10, $0x1;
	s10 =	sld [smem:$0x3FB1];
	_ =	sdelay $0x3  }
0x34: {  	[smem:$0x3FB1] =	sst s10  }
0x35: {  	s10 =	sld [smem:$0x3FB0];
	_ =	sdelay $0x3  }
0x36: {  	p1 =	seq.s32 s10, $0x1;
	s10 =	sld [smem:$0x3FB1];
	_ =	sdelay $0x3  }
0x37: {  	[smem:$0x3FB1] =	sst s10  }
0x38: {  	s10 =	sld [smem:$0x3FB2]  }
0x39: {  	_ = 	snop;
	(pc) =	sbr.ind lr, $3  }
0x3a: {  	_ = 	snop  }
0x3b: {  	_ = 	snop  }
0x3c: {  	p2 =	seq.s32 s10, $0x1;
	s10 =	sld [smem:$0x3FB1]  }
0x3d: {  	_ =	shalt  }
0x3e: {  	_ =	shalt  }
0x3f: {  	_ =	shalt  }
0x40: {  	_ =	shalt  }
0x41: {  	_ =	shalt  }
0x42: {  	_ =	shalt  }
0x43: {  	_ =	shalt  }
0x44: {  	_ =	shalt  }
0x45: {  	_ =	shalt  }
0x46: {  	_ =	shalt  }
0x47: {  	_ =	shalt  }
0x48: {  	_ =	shalt  }
0x49: {  	_ =	shalt  }
0x4a: {  	_ =	shalt  }
0x4b: {  	_ =	shalt  }
0x4c: {  	_ =	shalt  }
0x4d: {  	_ =	shalt  }
0x4e: {  	_ =	shalt  }
0x4f: {  	_ =	shalt  }
0x50: {  	_ =	shalt  }
0x51: {  	_ =	shalt  }
0x52: {  	_ =	shalt  }
0x53: {  	_ =	shalt  }
0x54: {  	_ =	shalt  }
0x55: {  	_ =	shalt  }
0x56: {  	_ =	shalt  }
0x57: {  	_ =	shalt  }
0x58: {  	_ =	shalt  }
0x59: {  	_ =	shalt  }
0x5a: {  	_ =	shalt  }
0x5b: {  	_ =	shalt  }
0x5c: {  	_ =	shalt  }
0x5d: {  	_ =	shalt  }
0x5e: {  	_ =	shalt  }
0x5f: {  	_ =	shalt  }
0x60: {  	_ =	shalt  }
0x61: {  	_ =	shalt  }
0x62: {  	_ =	shalt  }
0x63: {  	_ =	shalt  }
0x64: {  	_ =	shalt  }
0x65: {  	_ =	shalt  }
0x66: {  	_ =	shalt  }
0x67: {  	_ =	shalt  }
0x68: {  	_ =	shalt  }
0x69: {  	_ =	shalt  }
0x6a: {  	_ =	shalt  }
0x6b: {  	_ =	shalt  }
0x6c: {  	_ =	shalt  }
0x6d: {  	_ =	shalt  }
0x6e: {  	_ =	shalt  }
0x6f: {  	_ =	shalt  }
0x70: {  	_ =	shalt  }
0x71: {  	_ =	shalt  }
0x72: {  	_ =	shalt  }
0x73: {  	_ =	shalt  }
0x74: {  	_ =	shalt  }
0x75: {  	_ =	shalt  }
0x76: {  	_ =	shalt  }
0x77: {  	_ =	shalt  }
0x78: {  	_ =	shalt  }
0x79: {  	_ =	shalt  }
0x7a: {  	_ =	shalt  }
0x7b: {  	_ =	shalt  }
0x7c: {  	_ =	shalt  }
0x7d: {  	_ =	shalt  }
0x7e: {  	_ =	shalt  }
0x7f: {  	_ =	shalt  }
0x80: {  	_ =	shalt  }
0x81: {  	_ =	shalt  }
0x82: {  	_ =	shalt  }
0x83: {  	_ =	shalt  }
0x84: {  	_ =	shalt  }
0x85: {  	_ =	shalt  }
0x86: {  	_ =	shalt  }
0x87: {  	_ =	shalt  }
.Lfunc_end0:
.L_simem_size_0:
called_computation.2_lowered:
.L_overlay_start_0:
0x88: {  	s2 =	sld [smem:$0x3FD9]  }
0x89: {  	s3 =	sld [smem:$0x3FFE];
	_ =	sdelay $0x1  }
0x8a: {  	s1 =	srdreg.scid  }
0x8b: {  	s0 =	sand.u32 $0x1, s1  }
0x8c: {  	s16 =	sshll.u32 s0, $0xA;
	s2 =	sadd.s32 s3, s2  }
0x8d: {  	s2 =	sadd.s32 s2, s16  }
0x8e: {  	[smem:$0x3FBD] =	sst s2  }
0x8f: {  	_ = 	snop  }
0x90: {  	(tm) =	ssettm $0x1  }
0x91: {  	s17 =	sld [smem:$0x3FFB];
	_ =	sdelay $0x3  }
0x92: {  	_ =	strace s17  }
0x93: {  	s2 =	sld [smem:$0x3FFC];
	_ =	sdelay $0x3  }
0x94: {  	_ =	strace s2  }
0x95: {  	s2 =	sld [smem:$0x3FFD];
	_ =	sdelay $0x3  }
0x96: {  	_ =	strace s2  }
0x97: {  	_ =	strace $0x8FFFFFFF  }
0x98: {  	s18 =	sld [smem:$0x3FDB];
	_ =	sdelay $0x1  }
0x99: {  	s19 =	simm.s32 $_scs_section_size  }
0x9a: {  	s4 =	simm.s32 $_size__tile_overlayer_lowered;
	s5 =	simm.s32 $_tile_overlayer_lowered  }
0x9b: {  	s22 =	simm.s32 $0x1BFF;
	s21 =	sshll.u32 s5, $0x1;
	s2 =	sadd.s32 s19, s18  }
0x9c: {  	s6 =	simm.s32 $0x0;
	s20 =	sshll.u32 s4, $0x1;
	s4 =	sadd.s32 s21, s2  }
0x9d: {  	[timem:s6], [sflag:s22] =	dma.local [hbm:s4], s20  }
0x9e: {  	_ =	swait.ge [sflag:s22], s20  }
0x9f: {  	s3 =	ssub.s32 $0x0, s20;
	[sflag:s22] =	ssyncset.done $0x0  }
0xa0: {  	[sflag:s22] =	ssyncadd.s32 s3;
	_ =	sdelay $0x1  }
0xa1: {  	s23 =	simm.s32 $0x1B8B  }
0xa2: {  	_ =	swait.ge [sflag:s23], $0x1  }
0xa3: {  	[sflag:s23] =	ssyncset.done $0x0  }
0xa4: {  	s25 =	simm.s32 $0x1B8E;
	s24 =	sld [smem:$0x3FFE];
	[sflag:s23] =	ssyncadd.s32 $0xFFFFFFFF  }
0xa5: {  	s26 =	simm.s32 $execute0_lowered;
	[smem:$0x3FD2] =	sst s25  }
0xa6: {  	s4 =	sshll.u32 s26, $0x1;
	_ =	strace $0x8000004C;
	[dreg:$0x1] =	wrdreg $0xFFFFFFFF  }
0xa7: {  	s28 =	simm.s32 $_size_execute0_lowered;
	s2 =	sadd.s32 s2, s4;
	[dreg:$0x0] =	wrdreg $0x0  }
0xa8: {  	s4 =	sshll.u32 s28, $0x1;
	[dreg:$0x2] =	wrdreg s2  }
0xa9: {  	[dreg:$0x3] =	wrdreg s4  }
0xaa: {  	[dreg:$0x4] =	wrdreg $0xC0  }
0xab: {  	_ =	task [dreg:s6], $0x5FFFF  }
0xac: {  	[dreg:$0x1] =	wrdreg $0xFFFFFFFF  }
0xad: {  	[dreg:$0x0] =	wrdreg $0x60  }
0xae: {  	[dreg:$0x2] =	wrdreg s24  }
0xaf: {  	[dreg:$0x3] =	wrdreg $0x0  }
0xb0: {  	[dreg:$0x4] =	wrdreg $0x9  }
0xb1: {  	_ =	task.clear_ibuf [dreg:s6], $0x5FFFF;
	_ =	strace $0x9000004C  }
0xb2: {  	s29 =	simm.s32 $0x9;
	_ =	strace $0x8000004E  }
0xb3: {  	_ =	swait.ge [sflag:s29], $0x1  }
0xb4: {  	[sflag:s29] =	ssyncadd.s32 $0xFFFFFFFF  }
0xb5: {  	_ =	strace $0x9000004E  }
0xb6: {  	_ =	sfence  }
0xb7: {  	s30 =	sld [smem:$0x0];
	_ =	sdelay $0x2  }
0xb8: {  	s31 =	sshll.u32 s1, $0xD;
	s1 =	sshrl.u32 s1, $0x2  }
0xb9: {  	s3 =	sand.u32 $0x4000, s31;
	s1 =	sadd.s32 s1, s30  }
0xba: {  	s0 =	sor.u32 s3, s0;
	s1 =	sshll.u32 s1, $0x11  }
0xbb: {  	s0 =	sor.u32 s1, s0  }
0xbc: {  	s0 =	sadd.s32 $0x8F2B, s0  }
0xbd: {  	[sflag:s0] =	ssyncadd.remote.s32 $0x1  }
0xbe: {  	_ =	sfence.sel $0xFFFF  }
0xbf: {  	[dreg:$0x0] =	wrdreg $0xFFFFFFFF;
	(pc) =	sbr.abs _section_cstart, $3  }
0xc0: {  	[dreg:$0x1] =	wrdreg $0xFFFFFFFF  }
0xc1: {  	_ =	task.clear_ibuf [dreg:s6], $0x2FFFF;
	_ =	strace $0x9FFFFFFF  }
0xc2: {  	(tm) =	ssettm $0x7FFFFFFF  }
0xc3: {  	_ =	shalt  }
tec
execute0_lowered:
.L_overlay_start_1:
0x0: {  	(tag) =	ssettag $0x1  }
0x1: {  	s0 =	rddreg [dreg:$0x0];
	s1 =	srdreg.scid  }
0x2: {  	s2 =	rddreg [dreg:$0x1];
	s3 =	stileid.u32  }
0x3: {  	s4 =	simm.s32 $0x0;
	s17 =	simm.s32 $0x14000;
	s18 =	simm.s32 $0x4  }
0x4: {  	s20 =	simm.s32 $0x80;
	s28 =	simm.s32 $0x0;
	s8 =	smul.u32 $0x14000, s3  }
0x5: {  	s1 =	sand.u32 $0x1, s1;
	[smem:$0x7FF] =	sst s4;
	s9 =	smul.u32 $0x50000, s3  }
0x6: {  	s4 =	sadd.s32 $0x2AE00, s0;
	s5 =	sadd.s32 $0x16E00, s0;
	s11 =	smul.u32 $0x2800, s3  }
0x7: {  	s6 =	sadd.s32 $0xC400, s0;
	s7 =	smul.u32 $0x140000, s1;
	s12 =	ssub.s32 $0x2, s1  }
0x8: {  	_ =	strace $0x8000004D;
	s10 =	smul.u32 $0x28000, s1;
	s13 =	sshrl.u32 s12, $0x1  }
0x9: {  	s9 =	sshrl.u32 s9, $0x2;
	s8 =	sadd.s32 s8, s7;
	s7 =	smul.u32 $0x50000, s1  }
0xa: {  	s25 =	ssub.s32 s12, s13;
	s16 =	sadd.s32 s9, s2;
	s26 =	sadd.s32 s11, s10  }
0xb: {  	s10 =	sshll.u32 s3, $0x6;
	s24 =	sshrl.u32 s8, $0x3;
	s8 =	smul.u32 $0x5000, s3  }
.Ltmp0:
0xc: {  	s9 =	sadd.s32 s4, s26;
	s11 =	sor.u32 $0x1C03, s10;
	(pc) =	sbr.rel .LBB2_1-.Ltmp0, $4  }
0xd: {  	s15 =	smax.u32 s25, $0x1;
	s16 =	sshrl.u32 s16, $0x3;
	s25 =	simm.s32 $0x1  }
0xe: {  	s26 =	simm.s32 $0x2;
	s0 =	sadd.s32 s24, s0;
	s29 =	sadd.s32 s8, s7  }
0xf: {  	s24 =	simm.s32 $0x3;
	s31 =	sshrl.u32 s8, $0x3;
	s30 =	sshrl.u32 s29, $0x3  }
0x10: {  	s14 =	sadd.s32 $0x7AE00, s0;
	s13 =	sadd.s32 s6, s31;
	s12 =	sadd.s32 s5, s30  }
.LBB2_7:
0x11: {  	s28 =	sadd.s32 $0x1, s28  }
0x12: {  	p0 =	sne.s32 s28, s15  }
.Ltmp1:
0x13: {  	[bflag:$0x0] =	sbarrier.arrive $0xFFFF;
	s0 =	sor.u32 $0x1C04, s10;
	(pc) =	sbr.rel @!p0 .LBB2_8-.Ltmp1, $4  }
0x14: {  	[hbm:s14], [sflag:s0] =	dma.local [spmem:s16], $0x2800  }
0x15: {  	_ =	swait.ge [sflag:s18], $0x2800  }
0x16: {  	[sflag:s18] =	ssyncset.done $0x0  }
0x17: {  	[sflag:s18] =	ssyncadd.s32 $0xFFFFD800  }
.LBB2_1:
0x18: {  	[spmem:s16], [sflag:s11] =	dma.local [hbm:s9], $0x2800  }
0x19: {  	s0 =	simm.s32 $0x0  }
0x1a: {  	[tilespmem:s17], [sflag:$0x4] =	stream.linear.gather [hbm4b:s12+s0], $0x800, $0x38;
	[tilespmem:$0x1E000] =	vst v63  }
0x1b: {  	_ =	swait.ge [sflag:s18], $0x800  }
0x1c: {  	[sflag:s18] =	ssyncset.done $0x0  }
0x1d: {  	s1 =	simm.s32 $0x15000;
	[sflag:s18] =	ssyncadd.s32 $0xFFFFF800  }
0x1e: {  	[tilespmem:s1], [sflag:$0x4] =	stream.linear.gather [hbm4b:s13+s0], $0x800, $0x38;
	[tilespmem:$0x1E000] =	vst v63  }
0x1f: {  	_ =	swait.ge [sflag:s18], $0x800  }
0x20: {  	[sflag:s18] =	ssyncset.done $0x0  }
0x21: {  	s21 =	simm.s32 $0x16000;
	[sflag:s18] =	ssyncadd.s32 $0xFFFFF800  }
0x22: {  	[tilespmem:s21], [sflag:$0x1] =	stream.indirect.gather [hbm4b:s4+s20], $0x80, s17, s20, $0xb8;
	[tilespmem:$0x1E000] =	vst v63  }
0x23: {  	s22 =	simm.s32 $0x14080;
	s23 =	simm.s32 $0x1A000  }
0x24: {  	[tilespmem:s23], [sflag:$0x1] =	stream.indirect.gather [hbm4b:s4+s20], $0x80, s22, s20, $0xb8;
	[tilespmem:$0x1E000] =	vst v63  }
.Ltmp2:
0x25: {  	_ =	swait.ge [sflag:s24], $0x2800;
	(pc) =	sbr.rel .LBB2_2-.Ltmp2, $4  }
0x26: {  	[sflag:s24] =	ssyncset.done $0x0  }
0x27: {  	[sflag:s24] =	ssyncadd.s32 $0xFFFFD800  }
0x28: {  	[bflag:$0x0] =	sbarrier.arrive $0xFFFF  }
0x29: {  	s29 =	simm.s32 $0x400;
	s30 =	simm.s32 $0x0;
	s31 =	simm.s32 $0x2  }
.LBB2_3:
0x2a: {  	_ =	swait.ge [sflag:s24], $0x800  }
0x2b: {  	[sflag:s24] =	ssyncset.done $0x0  }
0x2c: {  	[sflag:s24] =	ssyncadd.s32 $0xFFFFF800  }
0x2d: {  	_ =	swait.ge [sflag:s24], $0x800  }
0x2e: {  	[sflag:s24] =	ssyncset.done $0x0  }
0x2f: {  	[sflag:s24] =	ssyncadd.s32 $0xFFFFF800  }
0x30: {  	_ =	swait.ge [sflag:s26], $0x4000  }
0x31: {  	[sflag:s26] =	ssyncset.done $0x0  }
0x32: {  	[sflag:s26] =	ssyncadd.s32 $0xFFFFC000  }
.LBB2_5:
0x33: {  	s3 =	sand.u32 $0x2000, s29  }
0x34: {  	s1 =	sshll.u32 s1, $0x7;
	s3 =	sshrl.u32 s3, $0x2  }
0x35: {  	s1 =	sor.u32 s1, s3  }
0x36: {  	s1 =	sor.u32 $0x14000, s1  }
0x37: {  	[tilespmem:s0], [sflag:$0x1] =	stream.indirect.gather [hbm4b:s4+s20], $0x80, s1, s20, $0xb8;
	[tilespmem:$0x1E000] =	vst v63  }
.LBB2_6:
0x38: {  	s31 =	sadd.s32 $0x1, s31  }
0x39: {  	p0 =	sne.s32 s31, $0xA2  }
.Ltmp3:
0x3a: {  	_ = 	snop;
	(pc) =	sbr.rel @!p0 .LBB2_7-.Ltmp3, $2  }
0x3b: {  	_ =	sdelay $0x2  }
0x3c: {  	s29 =	sadd.s32 $0x200, s29;
	s30 =	sadd.s32 $0x10000, s30  }
.LBB2_2:
0x3d: {  	s19 =	sadd.s32 $0xFFFFFFFE, s31;
	_ =	swait.ge [sflag:s25], $0x4000;
	s21 =	sand.u32 $0x10000, s30  }
0x3e: {  	s1 =	sand.u32 $0xF, s19;
	s0 =	sshll.u32 s19, $0x7;
	[sflag:s25] =	ssyncset.done $0x0  }
0x3f: {  	s21 =	sshrl.u32 s21, $0x2;
	p0 =	sgt.u32 s19, $0x8F;
	s0 =	sand.u32 $0x800, s0  }
0x40: {  	s22 =	sshll.u32 s1, $0x7;
	[sflag:s25] =	ssyncadd.s32 $0xFFFFC000;
	p1 =	sne.s32 @!p0 s1, $0x0  }
0x41: {  	s1 =	sshrl.u32 s19, $0x4;
	s22 =	sor.u32 s22, s0;
	p0 =	por p1, p0  }
0x42: {  	s0 =	sadd.s32 $0x16000, s21;
	s23 =	sor.u32 $0x15000, s22;
	s1 =	sshll.u32 @!p0 s1, $0xB  }
0x43: {  	[spmem:s2] =	stream.indirect.scatter.add.f32 [tilespmem:s0], [sflag:$0x2], $0x80, s23, s20, $0xb8;
	[tilespmem:$0x1E000] =	vst v63  }
0x44: {  	s1 =	sadd.s32 @!p0 $0x800, s1  }
0x45: {  	s21 =	sadd.s32 @!p0 s8, s1  }
0x46: {  	s22 =	sadd.s32 @!p0 s7, s21  }
0x47: {  	s3 =	simm.s32 @!p0 $0x0;
	s1 =	sand.u32 @!p0 $0x800, s1;
	s22 =	sshrl.u32 @!p0 s22, $0x3  }
0x48: {  	s23 =	sor.u32 @!p0 $0x14000, s1;
	s21 =	sshrl.u32 @!p0 s21, $0x3;
	s22 =	sadd.s32 @!p0 s5, s22  }
0x49: {  	[tilespmem:s23], [sflag:$0x3] =	stream.linear.gather @!p0 [hbm4b:s22+s3], $0x800, $0x38;
	[tilespmem:$0x1E000] =	vst v63  }
0x4a: {  	s1 =	sor.u32 @!p0 $0x15000, s1;
	s21 =	sadd.s32 @!p0 s6, s21  }
0x4b: {  	[tilespmem:s1], [sflag:$0x3] =	stream.linear.gather @!p0 [hbm4b:s21+s3], $0x800, $0x38;
	[tilespmem:$0x1E000] =	vst v63  }
0x4c: {  	s1 =	sand.u32 $0xF, s31;
	p0 =	sgt.u32 s19, $0x9D  }
0x4d: {  	p1 =	sne.s32 @!p0 s1, $0x0  }
0x4e: {  	p1 =	por p0, p1  }
.Ltmp4:
0x4f: {  	_ = 	snop;
	(pc) =	sbr.rel @!p1 .LBB2_3-.Ltmp4, $1  }
0x50: {  	_ =	sdelay $0x3  }
.Ltmp5:
0x51: {  	(pc) =	sbr.rel @p0 .LBB2_6-.Ltmp5, $4  }
.Ltmp6:
0x52: {  	(pc) =	sbr.rel @!p0 .LBB2_5-.Ltmp6, $4  }
0x53: {  	_ =	swait.ge [sflag:s26], $0x4000  }
0x54: {  	[sflag:s26] =	ssyncset.done $0x0  }
0x55: {  	[sflag:s26] =	ssyncadd.s32 $0xFFFFC000  }
0x56: {  	_ = 	snop  }
.LBB2_8:
0x57: {  	_ =	sfence.sel $0x180000  }
0x58: {  	[bflag:$0x0] =	sbarrier.arrive $0xFFFF  }
0x59: {  	_ =	strace $0x9000004D  }
0x5a: {  	s0 =	stileid.u32;
	[bflag:$0x2] =	sbarrier.arrive $0xFFFF  }
0x5b: {  	p0 =	sne.s32 s0, $0x0;
	s0 =	rddreg [dreg:$0x2]  }
0x5c: {  	s0 =	sadd.s32 @!p0 $0x100000, s0  }
0x5d: {  	[sflag:s0] =	ssyncadd.tile.s32 @!p0 $0x1;
	_ =	shalt  }
.Lfunc_end2:
_tile_overlayer_lowered:
.L_overlay_start_2:
0x5e: {  	(tag) =	ssettag $0x2  }
0x5f: {  	s0 =	rddreg [dreg:$0x0];
	s2 =	stileid.u32  }
0x60: {  	s1 =	rddreg [dreg:$0x1];
	p0 =	sne.s32 s2, $0x0  }
0x61: {  	s3 =	rddreg [dreg:$0x2];
	[bflag:$0x3] =	sbarrier.arrive $0xFFFF;
	s2 =	simm.s32 @!p0 $0x1C04  }
0x62: {  	[timem:s3], [sflag:s2] =	dma.local @!p0 [hbm:s0], s1  }
0x63: {  	s0 =	simm.s32 @!p0 $0x4  }
0x64: {  	_ =	swait.ge @!p0 [sflag:s0], s1  }
0x65: {  	s1 =	ssub.s32 @!p0 $0x0, s1;
	[sflag:s0] =	ssyncset.done @!p0 $0x0  }
0x66: {  	[sflag:s0] =	ssyncadd.s32 @!p0 s1  }
0x67: {  	[bflag:$0x3] =	sbarrier.arrive $0xFFFF  }
0x68: {  	_ =	shalt  }

// kernel: kernel.19.cloned.1.call-start
scs
__scs_entry_jumppad:
0x0: {  	(pc) =	sbr.rel $0x88, $3  }
0x1: {  	(tag) =	ssettag $0x0;
	lr =	simm.s32 $0x1  }
0x2: {  	[smem:$0x3F96] =	sst lr;
	_ =	strace $0xD0000000  }
0x3: {  	_ = 	snop  }
0x4: {  	_ = 	snop  }
0x5: {  	_ = 	snop  }
0x6: {  	_ = 	snop  }
0x7: {  	_ = 	snop  }
__scs_overlays_trampoline_lowered:
0x8: {  	[smem:$0x3FA5] =	sst s0  }
0x9: {  	[smem:$0x3FA6] =	sst s1  }
0xa: {  	[smem:$0x3FA7] =	sst s2  }
0xb: {  	[smem:$0x3FA8] =	sst s3  }
0xc: {  	[smem:$0x3FA9] =	sst s4  }
0xd: {  	[smem:$0x3FAA] =	sst s5  }
0xe: {  	[smem:$0x3FAB] =	sst s6  }
0xf: {  	[smem:$0x3FAC] =	sst s7  }
0x10: {  	[smem:$0x3FAD] =	sst s8  }
0x11: {  	[smem:$0x3FAE] =	sst s9;
	s0 =	simm.s32 @!p0 $0x0  }
0x12: {  	s1 =	sld [smem:$0x3F94];
	s0 =	simm.s32 @p0 $0x1  }
0x13: {  	[smem:$0x3FAF] =	sst s0;
	s0 =	simm.s32 @!p1 $0x0  }
0x14: {  	s2 =	sld [smem:$0x3F93];
	s0 =	simm.s32 @p1 $0x1  }
0x15: {  	[smem:$0x3FB0] =	sst s0;
	s0 =	simm.s32 @!p2 $0x0  }
0x16: {  	s3 =	sld [smem:$0x3FDB];
	s0 =	simm.s32 @p2 $0x1  }
0x17: {  	s4 =	simm.s32 $0x1BF5;
	[smem:$0x3FB2] =	sst s0  }
0x18: {  	s0 =	sld [smem:$0x3F95];
	_ =	swait.ge [sflag:s4], $0x0  }
0x19: {  	s7 =	sld [smem:$0x3F96]  }
0x1a: {  	s8 =	sadd.s32 $0xFFFFE003, lr  }
0x1b: {  	s9 =	sadd.s32 $0xFFFFFEF7, lr;
	s5 =	simm.s32 $0xFFFFFFFF;
	p2 =	slt.u32 s8, $0xFFFFF086  }
0x1c: {  	p1 =	slt.u32 s9, $0xF7A;
	s5 =	simm.s32 @!p2 $0x0  }
0x1d: {  	s5 =	simm.s32 @p1 $0x1;
	p0 =	seq.s32 s7, s2  }
0x1e: {  	s7 =	smul.u32 @!p0 $0xF7A, s2;
	p2 =	seq.s32 @!p0 s5, $0x0  }
0x1f: {  	s9 =	smul.u32 $0xF7A, s1;
	s8 =	simm.s32 @!p0 $0x1BF5;
	p2 =	por !p2, p0  }
0x20: {  	[sflag:s8] =	ssyncset.s32 @!p0 $0xFFFFF086;
	s6 =	sadd.s32 @!p0 s3, s7;
	s7 =	simm.s32 @!p0 $0x108  }
0x21: {  	s3 =	sadd.s32 s3, s9;
	s6 =	sadd.s32 @!p0 $0x88, s6;
	s7 =	simm.s32 @p2 $0x1082  }
0x22: {  	[simem:s7], [sflag:s8] =	dma.local @!p0 [hbm:s6], $0xF7A  }
0x23: {  	s9 =	sor.u32 $0xD0000000, s2;
	s6 =	simm.s32 $0x108;
	_ =	swait.ge @!p0 [sflag:s8], $0x0  }
0x24: {  	s3 =	sadd.s32 $0x88, s3;
	s6 =	simm.s32 @!p1 $0x1082;
	[sflag:s4] =	ssyncset.s32 $0xFFFFF086  }
0x25: {  	[simem:s6], [sflag:s4] =	dma.local [hbm:s3], $0xF7A  }
0x26: {  	[smem:$0x3F96] =	sst s1;
	(tag) =	ssettag s2;
	_ =	strace s9  }
0x27: {  	s1 =	sld [smem:$0x3FA6]  }
0x28: {  	s2 =	sld [smem:$0x3FA7]  }
0x29: {  	s4 =	sld [smem:$0x3FA9]  }
0x2a: {  	p0 =	seq.s32 s5, $0x0;
	s5 =	sld [smem:$0x3FAA]  }
0x2b: {  	s6 =	sld [smem:$0x3FAB]  }
0x2c: {  	s7 =	sld [smem:$0x3FAC]  }
0x2d: {  	s3 =	simm.s32 $0x108;
	s8 =	sld [smem:$0x3FAD]  }
0x2e: {  	s3 =	simm.s32 @!p0 $0x1082;
	s9 =	sld [smem:$0x3FAE]  }
0x2f: {  	lr =	sadd.s32 s0, s3;
	s0 =	sld [smem:$0x3FA5]  }
0x30: {  	s3 =	sld [smem:$0x3FA8]  }
0x31: {  	[smem:$0x3FB1] =	sst s10  }
0x32: {  	s10 =	sld [smem:$0x3FAF];
	_ =	sdelay $0x3  }
0x33: {  	p0 =	seq.s32 s10, $0x1;
	s10 =	sld [smem:$0x3FB1];
	_ =	sdelay $0x3  }
0x34: {  	[smem:$0x3FB1] =	sst s10  }
0x35: {  	s10 =	sld [smem:$0x3FB0];
	_ =	sdelay $0x3  }
0x36: {  	p1 =	seq.s32 s10, $0x1;
	s10 =	sld [smem:$0x3FB1];
	_ =	sdelay $0x3  }
0x37: {  	[smem:$0x3FB1] =	sst s10  }
0x38: {  	s10 =	sld [smem:$0x3FB2]  }
0x39: {  	_ = 	snop;
	(pc) =	sbr.ind lr, $3  }
0x3a: {  	_ = 	snop  }
0x3b: {  	_ = 	snop  }
0x3c: {  	p2 =	seq.s32 s10, $0x1;
	s10 =	sld [smem:$0x3FB1]  }
0x3d: {  	_ =	shalt  }
0x3e: {  	_ =	shalt  }
0x3f: {  	_ =	shalt  }
0x40: {  	_ =	shalt  }
0x41: {  	_ =	shalt  }
0x42: {  	_ =	shalt  }
0x43: {  	_ =	shalt  }
0x44: {  	_ =	shalt  }
0x45: {  	_ =	shalt  }
0x46: {  	_ =	shalt  }
0x47: {  	_ =	shalt  }
0x48: {  	_ =	shalt  }
0x49: {  	_ =	shalt  }
0x4a: {  	_ =	shalt  }
0x4b: {  	_ =	shalt  }
0x4c: {  	_ =	shalt  }
0x4d: {  	_ =	shalt  }
0x4e: {  	_ =	shalt  }
0x4f: {  	_ =	shalt  }
0x50: {  	_ =	shalt  }
0x51: {  	_ =	shalt  }
0x52: {  	_ =	shalt  }
0x53: {  	_ =	shalt  }
0x54: {  	_ =	shalt  }
0x55: {  	_ =	shalt  }
0x56: {  	_ =	shalt  }
0x57: {  	_ =	shalt  }
0x58: {  	_ =	shalt  }
0x59: {  	_ =	shalt  }
0x5a: {  	_ =	shalt  }
0x5b: {  	_ =	shalt  }
0x5c: {  	_ =	shalt  }
0x5d: {  	_ =	shalt  }
0x5e: {  	_ =	shalt  }
0x5f: {  	_ =	shalt  }
0x60: {  	_ =	shalt  }
0x61: {  	_ =	shalt  }
0x62: {  	_ =	shalt  }
0x63: {  	_ =	shalt  }
0x64: {  	_ =	shalt  }
0x65: {  	_ =	shalt  }
0x66: {  	_ =	shalt  }
0x67: {  	_ =	shalt  }
0x68: {  	_ =	shalt  }
0x69: {  	_ =	shalt  }
0x6a: {  	_ =	shalt  }
0x6b: {  	_ =	shalt  }
0x6c: {  	_ =	shalt  }
0x6d: {  	_ =	shalt  }
0x6e: {  	_ =	shalt  }
0x6f: {  	_ =	shalt  }
0x70: {  	_ =	shalt  }
0x71: {  	_ =	shalt  }
0x72: {  	_ =	shalt  }
0x73: {  	_ =	shalt  }
0x74: {  	_ =	shalt  }
0x75: {  	_ =	shalt  }
0x76: {  	_ =	shalt  }
0x77: {  	_ =	shalt  }
0x78: {  	_ =	shalt  }
0x79: {  	_ =	shalt  }
0x7a: {  	_ =	shalt  }
0x7b: {  	_ =	shalt  }
0x7c: {  	_ =	shalt  }
0x7d: {  	_ =	shalt  }
0x7e: {  	_ =	shalt  }
0x7f: {  	_ =	shalt  }
0x80: {  	_ =	shalt  }
0x81: {  	_ =	shalt  }
0x82: {  	_ =	shalt  }
0x83: {  	_ =	shalt  }
0x84: {  	_ =	shalt  }
0x85: {  	_ =	shalt  }
0x86: {  	_ =	shalt  }
0x87: {  	_ =	shalt  }
.Lfunc_end0:
.L_simem_size_0:
called_computation.3_lowered:
.L_overlay_start_0:
0x88: {  	s2 =	sld [smem:$0x3FD9]  }
0x89: {  	s3 =	sld [smem:$0x3FFE];
	_ =	sdelay $0x1  }
0x8a: {  	s1 =	srdreg.scid  }
0x8b: {  	s0 =	sand.u32 $0x1, s1  }
0x8c: {  	s16 =	sshll.u32 s0, $0xA;
	s2 =	sadd.s32 s3, s2  }
0x8d: {  	s2 =	sadd.s32 s2, s16  }
0x8e: {  	[smem:$0x3FBD] =	sst s2  }
0x8f: {  	_ = 	snop  }
0x90: {  	(tm) =	ssettm $0x1  }
0x91: {  	s17 =	sld [smem:$0x3FFB];
	_ =	sdelay $0x3  }
0x92: {  	_ =	strace s17  }
0x93: {  	s2 =	sld [smem:$0x3FFC];
	_ =	sdelay $0x3  }
0x94: {  	_ =	strace s2  }
0x95: {  	s2 =	sld [smem:$0x3FFD];
	_ =	sdelay $0x3  }
0x96: {  	_ =	strace s2  }
0x97: {  	_ =	strace $0x8FFFFFFF  }
0x98: {  	s18 =	sld [smem:$0x3FDB];
	_ =	sdelay $0x1  }
0x99: {  	s19 =	simm.s32 $_scs_section_size  }
0x9a: {  	s4 =	simm.s32 $_size__tile_overlayer_lowered;
	s5 =	simm.s32 $_tile_overlayer_lowered  }
0x9b: {  	s22 =	simm.s32 $0x1BFF;
	s21 =	sshll.u32 s5, $0x1;
	s2 =	sadd.s32 s19, s18  }
0x9c: {  	s6 =	simm.s32 $0x0;
	s20 =	sshll.u32 s4, $0x1;
	s4 =	sadd.s32 s21, s2  }
0x9d: {  	[timem:s6], [sflag:s22] =	dma.local [hbm:s4], s20  }
0x9e: {  	_ =	swait.ge [sflag:s22], s20  }
0x9f: {  	s3 =	ssub.s32 $0x0, s20;
	[sflag:s22] =	ssyncset.done $0x0  }
0xa0: {  	[sflag:s22] =	ssyncadd.s32 s3;
	_ =	sdelay $0x1  }
0xa1: {  	s23 =	simm.s32 $0x1B8B  }
0xa2: {  	_ =	swait.ge [sflag:s23], $0x1  }
0xa3: {  	[sflag:s23] =	ssyncset.done $0x0  }
0xa4: {  	s25 =	simm.s32 $0x1B8E;
	s24 =	sld [smem:$0x3FFE];
	[sflag:s23] =	ssyncadd.s32 $0xFFFFFFFF  }
0xa5: {  	s26 =	simm.s32 $execute0_lowered;
	[smem:$0x3FD2] =	sst s25  }
0xa6: {  	s4 =	sshll.u32 s26, $0x1;
	_ =	strace $0x8000004F;
	[dreg:$0x1] =	wrdreg $0xFFFFFFFF  }
0xa7: {  	s28 =	simm.s32 $_size_execute0_lowered;
	s2 =	sadd.s32 s2, s4;
	[dreg:$0x0] =	wrdreg $0x0  }
0xa8: {  	s4 =	sshll.u32 s28, $0x1;
	[dreg:$0x2] =	wrdreg s2  }
0xa9: {  	[dreg:$0x3] =	wrdreg s4  }
0xaa: {  	[dreg:$0x4] =	wrdreg $0xC0  }
0xab: {  	_ =	task [dreg:s6], $0x5FFFF  }
0xac: {  	[dreg:$0x1] =	wrdreg $0xFFFFFFFF  }
0xad: {  	[dreg:$0x0] =	wrdreg $0x60  }
0xae: {  	[dreg:$0x2] =	wrdreg s24  }
0xaf: {  	[dreg:$0x3] =	wrdreg $0x0  }
0xb0: {  	[dreg:$0x4] =	wrdreg $0x9  }
0xb1: {  	_ =	task.clear_ibuf [dreg:s6], $0x5FFFF;
	_ =	strace $0x9000004F  }
0xb2: {  	s29 =	simm.s32 $0x9;
	_ =	strace $0x80000051  }
0xb3: {  	_ =	swait.ge [sflag:s29], $0x1  }
0xb4: {  	[sflag:s29] =	ssyncadd.s32 $0xFFFFFFFF  }
0xb5: {  	_ =	strace $0x90000051  }
0xb6: {  	_ =	sfence  }
0xb7: {  	s30 =	sld [smem:$0x0];
	_ =	sdelay $0x2  }
0xb8: {  	s31 =	sshll.u32 s1, $0xD;
	s1 =	sshrl.u32 s1, $0x2  }
0xb9: {  	s3 =	sand.u32 $0x4000, s31;
	s1 =	sadd.s32 s1, s30  }
0xba: {  	s0 =	sor.u32 s3, s0;
	s1 =	sshll.u32 s1, $0x11  }
0xbb: {  	s0 =	sor.u32 s1, s0  }
0xbc: {  	s0 =	sadd.s32 $0x8F2B, s0  }
0xbd: {  	[sflag:s0] =	ssyncadd.remote.s32 $0x1  }
0xbe: {  	_ =	sfence.sel $0xFFFF  }
0xbf: {  	[dreg:$0x0] =	wrdreg $0xFFFFFFFF;
	(pc) =	sbr.abs _section_cstart, $3  }
0xc0: {  	[dreg:$0x1] =	wrdreg $0xFFFFFFFF  }
0xc1: {  	_ =	task.clear_ibuf [dreg:s6], $0x2FFFF;
	_ =	strace $0x9FFFFFFF  }
0xc2: {  	(tm) =	ssettm $0x7FFFFFFF  }
0xc3: {  	_ =	shalt  }
tec
execute0_lowered:
.L_overlay_start_1:
0x0: {  	(tag) =	ssettag $0x1  }
0x1: {  	s0 =	rddreg [dreg:$0x0];
	s1 =	srdreg.scid  }
0x2: {  	s2 =	rddreg [dreg:$0x1];
	s3 =	stileid.u32  }
0x3: {  	s4 =	simm.s32 $0x0;
	s17 =	simm.s32 $0x14000;
	s18 =	simm.s32 $0x4  }
0x4: {  	s20 =	simm.s32 $0x80;
	s28 =	simm.s32 $0x0;
	s8 =	smul.u32 $0x14000, s3  }
0x5: {  	s1 =	sand.u32 $0x1, s1;
	[smem:$0x7FF] =	sst s4;
	s9 =	smul.u32 $0x50000, s3  }
0x6: {  	s4 =	sadd.s32 $0x2AE00, s0;
	s5 =	sadd.s32 $0x16E00, s0;
	s11 =	smul.u32 $0x2800, s3  }
0x7: {  	s6 =	sadd.s32 $0xC400, s0;
	s7 =	smul.u32 $0x140000, s1;
	s12 =	ssub.s32 $0x2, s1  }
0x8: {  	_ =	strace $0x80000050;
	s10 =	smul.u32 $0x28000, s1;
	s13 =	sshrl.u32 s12, $0x1  }
0x9: {  	s9 =	sshrl.u32 s9, $0x2;
	s8 =	sadd.s32 s8, s7;
	s7 =	smul.u32 $0x50000, s1  }
0xa: {  	s25 =	ssub.s32 s12, s13;
	s16 =	sadd.s32 s9, s2;
	s26 =	sadd.s32 s11, s10  }
0xb: {  	s10 =	sshll.u32 s3, $0x6;
	s24 =	sshrl.u32 s8, $0x3;
	s8 =	smul.u32 $0x5000, s3  }
.Ltmp0:
0xc: {  	s9 =	sadd.s32 s4, s26;
	s11 =	sor.u32 $0x1C03, s10;
	(pc) =	sbr.rel .LBB2_1-.Ltmp0, $4  }
0xd: {  	s15 =	smax.u32 s25, $0x1;
	s16 =	sshrl.u32 s16, $0x3;
	s25 =	simm.s32 $0x1  }
0xe: {  	s26 =	simm.s32 $0x2;
	s0 =	sadd.s32 s24, s0;
	s29 =	sadd.s32 s8, s7  }
0xf: {  	s24 =	simm.s32 $0x3;
	s31 =	sshrl.u32 s8, $0x3;
	s30 =	sshrl.u32 s29, $0x3  }
0x10: {  	s14 =	sadd.s32 $0x7AE00, s0;
	s13 =	sadd.s32 s6, s31;
	s12 =	sadd.s32 s5, s30  }
.LBB2_7:
0x11: {  	s28 =	sadd.s32 $0x1, s28  }
0x12: {  	p0 =	sne.s32 s28, s15  }
.Ltmp1:
0x13: {  	[bflag:$0x0] =	sbarrier.arrive $0xFFFF;
	s0 =	sor.u32 $0x1C04, s10;
	(pc) =	sbr.rel @!p0 .LBB2_8-.Ltmp1, $4  }
0x14: {  	[hbm:s14], [sflag:s0] =	dma.local [spmem:s16], $0x2800  }
0x15: {  	_ =	swait.ge [sflag:s18], $0x2800  }
0x16: {  	[sflag:s18] =	ssyncset.done $0x0  }
0x17: {  	[sflag:s18] =	ssyncadd.s32 $0xFFFFD800  }
.LBB2_1:
0x18: {  	[spmem:s16], [sflag:s11] =	dma.local [hbm:s9], $0x2800  }
0x19: {  	s0 =	simm.s32 $0x0  }
0x1a: {  	[tilespmem:s17], [sflag:$0x4] =	stream.linear.gather [hbm4b:s12+s0], $0x800, $0x38;
	[tilespmem:$0x1E000] =	vst v63  }
0x1b: {  	_ =	swait.ge [sflag:s18], $0x800  }
0x1c: {  	[sflag:s18] =	ssyncset.done $0x0  }
0x1d: {  	s1 =	simm.s32 $0x15000;
	[sflag:s18] =	ssyncadd.s32 $0xFFFFF800  }
0x1e: {  	[tilespmem:s1], [sflag:$0x4] =	stream.linear.gather [hbm4b:s13+s0], $0x800, $0x38;
	[tilespmem:$0x1E000] =	vst v63  }
0x1f: {  	_ =	swait.ge [sflag:s18], $0x800  }
0x20: {  	[sflag:s18] =	ssyncset.done $0x0  }
0x21: {  	s21 =	simm.s32 $0x16000;
	[sflag:s18] =	ssyncadd.s32 $0xFFFFF800  }
0x22: {  	[tilespmem:s21], [sflag:$0x1] =	stream.indirect.gather [hbm4b:s4+s20], $0x80, s17, s20, $0xb8;
	[tilespmem:$0x1E000] =	vst v63  }
0x23: {  	s22 =	simm.s32 $0x14080;
	s23 =	simm.s32 $0x1A000  }
0x24: {  	[tilespmem:s23], [sflag:$0x1] =	stream.indirect.gather [hbm4b:s4+s20], $0x80, s22, s20, $0xb8;
	[tilespmem:$0x1E000] =	vst v63  }
.Ltmp2:
0x25: {  	_ =	swait.ge [sflag:s24], $0x2800;
	(pc) =	sbr.rel .LBB2_2-.Ltmp2, $4  }
0x26: {  	[sflag:s24] =	ssyncset.done $0x0  }
0x27: {  	[sflag:s24] =	ssyncadd.s32 $0xFFFFD800  }
0x28: {  	[bflag:$0x0] =	sbarrier.arrive $0xFFFF  }
0x29: {  	s29 =	simm.s32 $0x400;
	s30 =	simm.s32 $0x0;
	s31 =	simm.s32 $0x2  }
.LBB2_3:
0x2a: {  	_ =	swait.ge [sflag:s24], $0x800  }
0x2b: {  	[sflag:s24] =	ssyncset.done $0x0  }
0x2c: {  	[sflag:s24] =	ssyncadd.s32 $0xFFFFF800  }
0x2d: {  	_ =	swait.ge [sflag:s24], $0x800  }
0x2e: {  	[sflag:s24] =	ssyncset.done $0x0  }
0x2f: {  	[sflag:s24] =	ssyncadd.s32 $0xFFFFF800  }
0x30: {  	_ =	swait.ge [sflag:s26], $0x4000  }
0x31: {  	[sflag:s26] =	ssyncset.done $0x0  }
0x32: {  	[sflag:s26] =	ssyncadd.s32 $0xFFFFC000  }
.LBB2_5:
0x33: {  	s3 =	sand.u32 $0x2000, s29  }
0x34: {  	s1 =	sshll.u32 s1, $0x7;
	s3 =	sshrl.u32 s3, $0x2  }
0x35: {  	s1 =	sor.u32 s1, s3  }
0x36: {  	s1 =	sor.u32 $0x14000, s1  }
0x37: {  	[tilespmem:s0], [sflag:$0x1] =	stream.indirect.gather [hbm4b:s4+s20], $0x80, s1, s20, $0xb8;
	[tilespmem:$0x1E000] =	vst v63  }
.LBB2_6:
0x38: {  	s31 =	sadd.s32 $0x1, s31  }
0x39: {  	p0 =	sne.s32 s31, $0xA2  }
.Ltmp3:
0x3a: {  	_ = 	snop;
	(pc) =	sbr.rel @!p0 .LBB2_7-.Ltmp3, $2  }
0x3b: {  	_ =	sdelay $0x2  }
0x3c: {  	s29 =	sadd.s32 $0x200, s29;
	s30 =	sadd.s32 $0x10000, s30  }
.LBB2_2:
0x3d: {  	s19 =	sadd.s32 $0xFFFFFFFE, s31;
	_ =	swait.ge [sflag:s25], $0x4000;
	s21 =	sand.u32 $0x10000, s30  }
0x3e: {  	s1 =	sand.u32 $0xF, s19;
	s0 =	sshll.u32 s19, $0x7;
	[sflag:s25] =	ssyncset.done $0x0  }
0x3f: {  	s21 =	sshrl.u32 s21, $0x2;
	p0 =	sgt.u32 s19, $0x8F;
	s0 =	sand.u32 $0x800, s0  }
0x40: {  	s22 =	sshll.u32 s1, $0x7;
	[sflag:s25] =	ssyncadd.s32 $0xFFFFC000;
	p1 =	sne.s32 @!p0 s1, $0x0  }
0x41: {  	s1 =	sshrl.u32 s19, $0x4;
	s22 =	sor.u32 s22, s0;
	p0 =	por p1, p0  }
0x42: {  	s0 =	sadd.s32 $0x16000, s21;
	s23 =	sor.u32 $0x15000, s22;
	s1 =	sshll.u32 @!p0 s1, $0xB  }
0x43: {  	[spmem:s2] =	stream.indirect.scatter.add.f32 [tilespmem:s0], [sflag:$0x2], $0x80, s23, s20, $0xb8;
	[tilespmem:$0x1E000] =	vst v63  }
0x44: {  	s1 =	sadd.s32 @!p0 $0x800, s1  }
0x45: {  	s21 =	sadd.s32 @!p0 s8, s1  }
0x46: {  	s22 =	sadd.s32 @!p0 s7, s21  }
0x47: {  	s3 =	simm.s32 @!p0 $0x0;
	s1 =	sand.u32 @!p0 $0x800, s1;
	s22 =	sshrl.u32 @!p0 s22, $0x3  }
0x48: {  	s23 =	sor.u32 @!p0 $0x14000, s1;
	s21 =	sshrl.u32 @!p0 s21, $0x3;
	s22 =	sadd.s32 @!p0 s5, s22  }
0x49: {  	[tilespmem:s23], [sflag:$0x3] =	stream.linear.gather @!p0 [hbm4b:s22+s3], $0x800, $0x38;
	[tilespmem:$0x1E000] =	vst v63  }
0x4a: {  	s1 =	sor.u32 @!p0 $0x15000, s1;
	s21 =	sadd.s32 @!p0 s6, s21  }
0x4b: {  	[tilespmem:s1], [sflag:$0x3] =	stream.linear.gather @!p0 [hbm4b:s21+s3], $0x800, $0x38;
	[tilespmem:$0x1E000] =	vst v63  }
0x4c: {  	s1 =	sand.u32 $0xF, s31;
	p0 =	sgt.u32 s19, $0x9D  }
0x4d: {  	p1 =	sne.s32 @!p0 s1, $0x0  }
0x4e: {  	p1 =	por p0, p1  }
.Ltmp4:
0x4f: {  	_ = 	snop;
	(pc) =	sbr.rel @!p1 .LBB2_3-.Ltmp4, $1  }
0x50: {  	_ =	sdelay $0x3  }
.Ltmp5:
0x51: {  	(pc) =	sbr.rel @p0 .LBB2_6-.Ltmp5, $4  }
.Ltmp6:
0x52: {  	(pc) =	sbr.rel @!p0 .LBB2_5-.Ltmp6, $4  }
0x53: {  	_ =	swait.ge [sflag:s26], $0x4000  }
0x54: {  	[sflag:s26] =	ssyncset.done $0x0  }
0x55: {  	[sflag:s26] =	ssyncadd.s32 $0xFFFFC000  }
0x56: {  	_ = 	snop  }
.LBB2_8:
0x57: {  	_ =	sfence.sel $0x180000  }
0x58: {  	[bflag:$0x0] =	sbarrier.arrive $0xFFFF  }
0x59: {  	_ =	strace $0x90000050  }
0x5a: {  	s0 =	stileid.u32;
	[bflag:$0x2] =	sbarrier.arrive $0xFFFF  }
0x5b: {  	p0 =	sne.s32 s0, $0x0;
	s0 =	rddreg [dreg:$0x2]  }
0x5c: {  	s0 =	sadd.s32 @!p0 $0x100000, s0  }
0x5d: {  	[sflag:s0] =	ssyncadd.tile.s32 @!p0 $0x1;
	_ =	shalt  }
.Lfunc_end2:
_tile_overlayer_lowered:
.L_overlay_start_2:
0x5e: {  	(tag) =	ssettag $0x2  }
0x5f: {  	s0 =	rddreg [dreg:$0x0];
	s2 =	stileid.u32  }
0x60: {  	s1 =	rddreg [dreg:$0x1];
	p0 =	sne.s32 s2, $0x0  }
0x61: {  	s3 =	rddreg [dreg:$0x2];
	[bflag:$0x3] =	sbarrier.arrive $0xFFFF;
	s2 =	simm.s32 @!p0 $0x1C04  }
0x62: {  	[timem:s3], [sflag:s2] =	dma.local @!p0 [hbm:s0], s1  }
0x63: {  	s0 =	simm.s32 @!p0 $0x4  }
0x64: {  	_ =	swait.ge @!p0 [sflag:s0], s1  }
0x65: {  	s1 =	ssub.s32 @!p0 $0x0, s1;
	[sflag:s0] =	ssyncset.done @!p0 $0x0  }
0x66: {  	[sflag:s0] =	ssyncadd.s32 @!p0 s1  }
0x67: {  	[bflag:$0x3] =	sbarrier.arrive $0xFFFF  }
0x68: {  	_ =	shalt  }

</sc_bundles>
